<compile_context>
chip_gen: v7x
topology: tpu7x:2x2x1
jax: 0.10.2.dev20260603
libtpu: 0.0.44.dev20260713+nightly
codegen_flags: <defaults>
</compile_context>

<pallas_src>
import jax
import jax.numpy as jnp
from jax import lax
from jax.experimental import pallas as pl
from jax.experimental.pallas import tpu as pltpu
from jax.experimental.pallas import tpu_sc as plsc

NC = 2
NS = 16
CHUNK = 64


def _make_sc_agg(npad, d, nchunk, with_deg=False):
  npt = npad // NS
  hc = nchunk // 4
  assert nchunk % 16 == 0 and hc % 4 == 0
  mesh = plsc.VectorSubcoreMesh(
      core_axis_name="c", subcore_axis_name="s",
      num_cores=NC, num_subcores=NS)

  out_type = [jax.ShapeDtypeStruct((NC, npad, d), jnp.float32)]
  scratch = [
      pltpu.VMEM_SHARED((npad, d), jnp.float32),
      pltpu.VMEM((hc, CHUNK), jnp.int32),
      pltpu.VMEM((hc, CHUNK), jnp.int32),
      pltpu.VMEM((4, CHUNK, d), jnp.float32),
  ] + [pltpu.SemaphoreType.DMA] * 8
  if with_deg:
    out_type.append(jax.ShapeDtypeStruct((NC, npad, d), jnp.float32))

  def body(x_hbm, col_hbm, row_hbm, z_hbm, *rest):
    if with_deg:
      (ones_hbm, agg_out, deg_out, agg_sh, colbuf, rowbuf, rowsv,
       g0, g1, g2, g3, s0, s1, s2, s3) = rest
      onesv = rowsv.at[0]
    else:
      (agg_out, agg_sh, colbuf, rowbuf, rowsv,
       g0, g1, g2, g3, s0, s1, s2, s3) = rest
    gsem, ssem = (g0, g1, g2, g3), (s0, s1, s2, s3)
    c = lax.axis_index("c")
    s = lax.axis_index("s")
    wid = c * NS + s
    pltpu.sync_copy(z_hbm, agg_sh.at[pl.ds(s * npt, npt)])

    if with_deg:
      pltpu.sync_copy(ones_hbm, onesv)
      plsc.subcore_barrier()

      def dstart(j, b):
        pltpu.async_copy(onesv, agg_sh.at[rowbuf.at[j]], gsem[b], add=True)

      def dwait(j, b):
        pltpu.make_async_copy(onesv, agg_sh.at[rowbuf.at[j]],
                              gsem[b]).wait()

      def dquarter(q, carry):
        pltpu.sync_copy(row_hbm.at[wid].at[pl.ds(q * hc, hc)], rowbuf)
        dstart(0, 0)
        dstart(1, 1)

        def dstep(g, cc):
          j = 2 * g
          dwait(j, 0)
          dstart(j + 2, 0)
          dwait(j + 1, 1)
          dstart(j + 3, 1)
          return cc

        lax.fori_loop(0, (hc - 2) // 2, dstep, 0)
        dwait(hc - 2, 0)
        dwait(hc - 1, 1)
        return carry

      lax.fori_loop(0, 4, dquarter, 0)
      plsc.subcore_barrier()
      pltpu.sync_copy(agg_sh.at[pl.ds(s * npt, npt)],
                      deg_out.at[c].at[pl.ds(s * npt, npt)])
      pltpu.sync_copy(z_hbm, agg_sh.at[pl.ds(s * npt, npt)])
    plsc.subcore_barrier()

    def startg(j, b):
      pltpu.async_copy(x_hbm.at[colbuf.at[j]], rowsv.at[b], gsem[b])

    def waitg(j, b):
      pltpu.make_async_copy(x_hbm.at[colbuf.at[j]], rowsv.at[b],
                            gsem[b]).wait()

    def starts(j, b):
      pltpu.async_copy(rowsv.at[b], agg_sh.at[rowbuf.at[j]], ssem[b],
                       add=True)

    def waits(j, b):
      pltpu.make_async_copy(rowsv.at[b], agg_sh.at[rowbuf.at[j]],
                            ssem[b]).wait()

    def half(h, carry):
      pltpu.sync_copy(col_hbm.at[wid].at[pl.ds(h * hc, hc)], colbuf)
      pltpu.sync_copy(row_hbm.at[wid].at[pl.ds(h * hc, hc)], rowbuf)
      startg(0, 0)
      startg(1, 1)
      startg(2, 2)
      waitg(0, 0)
      starts(0, 0)
      startg(3, 3)
      waitg(1, 1)
      starts(1, 1)

      def grp(g, cc):
        for bb in range(4):
          j = 4 * g + 2 + bb
          b = (2 + bb) % 4
          waits(j - 2, bb)
          startg(j + 2, bb)
          waitg(j, b)
          starts(j, b)
        return cc

      lax.fori_loop(0, (hc - 4) // 4, grp, 0)
      waits(hc - 4, 0)
      waitg(hc - 2, 2)
      starts(hc - 2, 2)
      waits(hc - 3, 1)
      waitg(hc - 1, 3)
      starts(hc - 1, 3)
      waits(hc - 2, 2)
      waits(hc - 1, 3)
      return carry

    lax.fori_loop(0, 4, half, 0)
    plsc.subcore_barrier()
    pltpu.sync_copy(agg_sh.at[pl.ds(s * npt, npt)],
                    agg_out.at[c].at[pl.ds(s * npt, npt)])

  return pl.kernel(body, out_type=out_type, mesh=mesh, scratch_types=scratch)


def _make_tc_update(npad, d, add_res):
  rblk = 1024
  assert npad % rblk == 0
  bspec = pl.BlockSpec((rblk, d), lambda i: (i, 0))

  def body(*refs):
    if add_res:
      a0, a1, dg0, dg1, w, xin, res, o = refs
    else:
      a0, a1, dg0, dg1, w, xin, o = refs
    a = a0[:, :] + a1[:, :]
    out = lax.dot_general(a, w[:, :], (((1,), (1,)), ((), ())),
                          preferred_element_type=jnp.float32)
    deg = dg0[:, 0:1] + dg1[:, 0:1]
    out = out * (1.0 / jnp.maximum(deg, 1.0)) + xin[:, :]
    if add_res:
      out = out + res[:, :]
    o[:, :] = out

  in_specs = [bspec, bspec, bspec, bspec,
              pl.BlockSpec((d, d), lambda i: (0, 0)), bspec]
  if add_res:
    in_specs.append(bspec)
  return pl.pallas_call(
      body, grid=(npad // rblk,), in_specs=in_specs, out_specs=bspec,
      out_shape=jax.ShapeDtypeStruct((npad, d), jnp.float32))


@jax.jit
def _impl(x, edge_index, W0, W1, W2):
  n, d = x.shape
  e = edge_index.shape[1]
  nw = NC * NS
  npad = ((n + NS * 64 - 1) // (NS * 64)) * (NS * 64)
  quantum = nw * CHUNK * 16
  ep = ((e + quantum - 1) // quantum) * quantum
  nchunk = ep // (nw * CHUNK)
  assert npad > n
  fill = n + jnp.arange(ep - e, dtype=jnp.int32) % (npad - n)
  row_p = jnp.concatenate([edge_index[0], fill])
  col_p = jnp.concatenate([edge_index[1], fill])
  row3 = row_p.reshape(nw, nchunk, CHUNK)
  col3 = col_p.reshape(nw, nchunk, CHUNK)
  xp = jnp.pad(x, ((0, npad - n), (0, 0)))
  npt = npad // NS
  z128 = jnp.zeros((npt, d), jnp.float32)
  ones128 = jnp.ones((CHUNK, d), jnp.float32)

  sc_agg_deg = _make_sc_agg(npad, d, nchunk, with_deg=True)
  sc_agg = _make_sc_agg(npad, d, nchunk)
  upd = _make_tc_update(npad, d, False)
  upd_res = _make_tc_update(npad, d, True)

  agg, deg = sc_agg_deg(xp, col3, row3, z128, ones128)
  x1 = upd(agg[0], agg[1], deg[0], deg[1], W0, xp)
  agg2 = sc_agg(x1, col3, row3, z128)[0]
  x2 = upd(agg2[0], agg2[1], deg[0], deg[1], W1, x1)
  agg3 = sc_agg(x2, col3, row3, z128)[0]
  x3 = upd_res(agg3[0], agg3[1], deg[0], deg[1], W2, x2, xp)
  return x3[:n]


def kernel(x, edge_index, ring_polarities, W0, W1, W2):
  del ring_polarities
  return _impl(x, edge_index, W0, W1, W2)

# --- scband reference (transcript-rebuilt; emitter-appended) ---
"""Pipeline reference for scband-ring-cone-chain-23691039605492 (READ-ONLY COPY).

The authoritative reference and input builder live on the scoring server;
editing this copy changes nothing except your own understanding.
"""

import jax, jax.numpy as jnp
import numpy as np

N = 10000
E = 320000
D = 128
NUM_LAYERS = 3


def setup_inputs(seed: int = 0) -> dict:
    key = jax.random.key(seed)
    ks = jax.random.split(key, 6)
    x = jax.random.normal(ks[0], (N, D), dtype=jnp.float32)
    edge_index = jax.random.randint(ks[1], (2, E), 0, N, dtype=jnp.int32)
    ring_polarities = jax.random.randint(ks[2], (N,), 0, 9, dtype=jnp.int32)
    # restriction weights for each MinimalCopresheafTNN layer (nn.Linear, bias=False)
    scale = 1.0 / np.sqrt(D)
    W0 = jax.random.normal(ks[3], (D, D), dtype=jnp.float32) * scale
    W1 = jax.random.normal(ks[4], (D, D), dtype=jnp.float32) * scale
    W2 = jax.random.normal(ks[5], (D, D), dtype=jnp.float32) * scale
    return {"x": x, "edge_index": edge_index, "ring_polarities": ring_polarities,
            "W0": W0, "W1": W1, "W2": W2}


def reference(x, edge_index, ring_polarities, W0, W1, W2):
    # CopresheafDiffusionStack.forward with sheaf_mode=True (classic symmetric
    # sheaf ablation): per layer, gather x[col], apply restriction linear,
    # scatter-add into row, mean-normalize by in-degree, residual add.
    row = edge_index[0]
    col = edge_index[1]
    residual = x
    n = x.shape[0]
    ones = jnp.ones((E,), dtype=jnp.float32)
    for W in (W0, W1, W2):
        messages = x[col] @ W.T  # restriction (Linear, bias=False)
        out = jnp.zeros_like(x).at[row].add(messages)
        deg = jnp.zeros((n,), dtype=jnp.float32).at[row].add(ones)
        out = out / jnp.clip(deg, 1.0, None)[:, None]
        x = out + x
    # res_proj is None since in_channels == out_channels; final residual add
    x = x + residual
    return x

if __name__ == "__main__":
    import jax
    _d = setup_inputs()
    print(jax.jit(kernel)(*tuple(_d.values())))

</pallas_src>

<mosaic_0001>
#map = affine_map<(d0, d1) -> (0, 0)>
#map1 = affine_map<(d0, d1) -> (0, 0, 0)>
module attributes {stable_mosaic.version = 14 : i64} {
  func.func @body(%arg0: i32, %arg1: i32, %arg2: memref<10240x128xf32, #tpu.memory_space<hbm>>, %arg3: memref<32x160x64xi32, #tpu.memory_space<hbm>>, %arg4: memref<32x160x64xi32, #tpu.memory_space<hbm>>, %arg5: memref<640x128xf32, #tpu.memory_space<hbm>>, %arg6: memref<2x10240x128xf32, #tpu.memory_space<hbm>>, %arg7: memref<10240x128xf32, #tpu.memory_space<vmem_shared>>, %arg8: memref<40x64xi32, #tpu.memory_space<vmem>>, %arg9: memref<40x64xi32, #tpu.memory_space<vmem>>, %arg10: memref<4x64x128xf32, #tpu.memory_space<vmem>>, %arg11: memref<!tpu.dma_semaphore, #tpu.memory_space<semaphore_mem>>, %arg12: memref<!tpu.dma_semaphore, #tpu.memory_space<semaphore_mem>>, %arg13: memref<!tpu.dma_semaphore, #tpu.memory_space<semaphore_mem>>, %arg14: memref<!tpu.dma_semaphore, #tpu.memory_space<semaphore_mem>>, %arg15: memref<!tpu.dma_semaphore, #tpu.memory_space<semaphore_mem>>, %arg16: memref<!tpu.dma_semaphore, #tpu.memory_space<semaphore_mem>>, %arg17: memref<!tpu.dma_semaphore, #tpu.memory_space<semaphore_mem>>, %arg18: memref<!tpu.dma_semaphore, #tpu.memory_space<semaphore_mem>>) attributes {dimension_semantics = [#tpu.dimension_semantics<core_parallel>, #tpu.dimension_semantics<subcore_parallel>], iteration_bounds = array<i64: 2, 16>, scalar_prefetch = 0 : i64, scratch_operands = 12 : i64, tpu.core_type = #tpu.core_type<sc_vector_subcore>, window_params = [{transform_indices = #map}, {transform_indices = #map1}, {transform_indices = #map1}, {transform_indices = #map}, {transform_indices = #map1}]} {
    %mul3A = arith.constant 16 : i32
    %mul3A_0 = arith.muli %arg0, %mul3A : i32
    %add3A = arith.addi %mul3A_0, %arg1 : i32
    %mul3A_1 = arith.constant 640 : i32
    %mul3A_2 = arith.muli %arg1, %mul3A_1 : i32
    "tpu.region"() ({
      %run_scoped3A = tpu.sem_alloc : memref<!tpu.dma_semaphore, #tpu.memory_space<semaphore_mem>>
      %dma_start3A = arith.constant 0 : i32
      %dma_start3A_13 = tpu.memref_slice %arg7[%mul3A_2, %dma_start3A] : memref<10240x128xf32, #tpu.memory_space<vmem_shared>> -> memref<640x128xf32, #tpu.memory_space<vmem_shared>>
      tpu.enqueue_dma source(%arg5 : memref<640x128xf32, #tpu.memory_space<hbm>>) target(%dma_start3A_13 : memref<640x128xf32, #tpu.memory_space<vmem_shared>>) target_semaphore(%run_scoped3A : memref<!tpu.dma_semaphore, #tpu.memory_space<semaphore_mem>>)
      %dma_wait3A = arith.constant 0 : i32
      %dma_wait3A_14 = tpu.memref_slice %arg7[%mul3A_2, %dma_wait3A] : memref<10240x128xf32, #tpu.memory_space<vmem_shared>> -> memref<640x128xf32, #tpu.memory_space<vmem_shared>>
      tpu.wait_dma2 semaphore(%run_scoped3A : memref<!tpu.dma_semaphore, #tpu.memory_space<semaphore_mem>>) src(%arg5 : memref<640x128xf32, #tpu.memory_space<hbm>>) dst(%dma_wait3A_14 : memref<640x128xf32, #tpu.memory_space<vmem_shared>>)
      tpu.yield
    }) : () -> ()
    %barrier3A = arith.constant 0 : index
    tpu.barrier barrier_id(%barrier3A)
    %scan3A = arith.constant 0 : i32
    %scan3A_3 = arith.constant 0 : i32
    %scan3A_4 = arith.constant 4 : i32
    %scan3A_5 = arith.addi %scan3A_3, %scan3A_4 : i32
    %scan3A_6 = arith.constant 1 : i32
    scf.for %scan3A_13 = %scan3A_3 to %scan3A_5 step %scan3A_6  : i32 {
      %mul3A_14 = arith.constant 40 : i32
      %mul3A_15 = arith.muli %scan3A_13, %mul3A_14 : i32
      "tpu.region"() ({
        %run_scoped3A = tpu.sem_alloc : memref<!tpu.dma_semaphore, #tpu.memory_space<semaphore_mem>>
        %dma_start3A_214 = arith.constant 0 : i32
        %dma_start3A_215 = arith.constant 0 : i32
        %dma_start3A_216 = tpu.memref_slice %arg3[%add3A, %dma_start3A_214, %dma_start3A_215] : memref<32x160x64xi32, #tpu.memory_space<hbm>> -> memref<1x160x64xi32, #tpu.memory_space<hbm>>
        %dma_start3A_217 = tpu.memref_squeeze %dma_start3A_216 : memref<1x160x64xi32, #tpu.memory_space<hbm>> -> memref<160x64xi32, #tpu.memory_space<hbm>>
        %dma_start3A_218 = arith.constant 0 : i32
        %dma_start3A_219 = tpu.memref_slice %dma_start3A_217[%mul3A_15, %dma_start3A_218] : memref<160x64xi32, #tpu.memory_space<hbm>> -> memref<40x64xi32, #tpu.memory_space<hbm>>
        %dma_start3A_220 = arith.constant 0 : i32
        %dma_start3A_221 = arith.constant 0 : i32
        %dma_start3A_222 = tpu.memref_slice %arg3[%add3A, %dma_start3A_220, %dma_start3A_221] : memref<32x160x64xi32, #tpu.memory_space<hbm>> -> memref<1x160x64xi32, #tpu.memory_space<hbm>>
        %dma_start3A_223 = tpu.memref_squeeze %dma_start3A_222 : memref<1x160x64xi32, #tpu.memory_space<hbm>> -> memref<160x64xi32, #tpu.memory_space<hbm>>
        %dma_start3A_224 = arith.constant 0 : i32
        %dma_start3A_225 = tpu.memref_slice %dma_start3A_223[%mul3A_15, %dma_start3A_224] : memref<160x64xi32, #tpu.memory_space<hbm>> -> memref<40x64xi32, #tpu.memory_space<hbm>>
        tpu.enqueue_dma source(%dma_start3A_225 : memref<40x64xi32, #tpu.memory_space<hbm>>) target(%arg8 : memref<40x64xi32, #tpu.memory_space<vmem>>) target_semaphore(%run_scoped3A : memref<!tpu.dma_semaphore, #tpu.memory_space<semaphore_mem>>)
        %dma_wait3A_226 = arith.constant 0 : i32
        %dma_wait3A_227 = arith.constant 0 : i32
        %dma_wait3A_228 = tpu.memref_slice %arg3[%add3A, %dma_wait3A_226, %dma_wait3A_227] : memref<32x160x64xi32, #tpu.memory_space<hbm>> -> memref<1x160x64xi32, #tpu.memory_space<hbm>>
        %dma_wait3A_229 = tpu.memref_squeeze %dma_wait3A_228 : memref<1x160x64xi32, #tpu.memory_space<hbm>> -> memref<160x64xi32, #tpu.memory_space<hbm>>
        %dma_wait3A_230 = arith.constant 0 : i32
        %dma_wait3A_231 = tpu.memref_slice %dma_wait3A_229[%mul3A_15, %dma_wait3A_230] : memref<160x64xi32, #tpu.memory_space<hbm>> -> memref<40x64xi32, #tpu.memory_space<hbm>>
        %dma_wait3A_232 = arith.constant 0 : i32
        %dma_wait3A_233 = arith.constant 0 : i32
        %dma_wait3A_234 = tpu.memref_slice %arg3[%add3A, %dma_wait3A_232, %dma_wait3A_233] : memref<32x160x64xi32, #tpu.memory_space<hbm>> -> memref<1x160x64xi32, #tpu.memory_space<hbm>>
        %dma_wait3A_235 = tpu.memref_squeeze %dma_wait3A_234 : memref<1x160x64xi32, #tpu.memory_space<hbm>> -> memref<160x64xi32, #tpu.memory_space<hbm>>
        %dma_wait3A_236 = arith.constant 0 : i32
        %dma_wait3A_237 = tpu.memref_slice %dma_wait3A_235[%mul3A_15, %dma_wait3A_236] : memref<160x64xi32, #tpu.memory_space<hbm>> -> memref<40x64xi32, #tpu.memory_space<hbm>>
        tpu.wait_dma2 semaphore(%run_scoped3A : memref<!tpu.dma_semaphore, #tpu.memory_space<semaphore_mem>>) src(%dma_wait3A_237 : memref<40x64xi32, #tpu.memory_space<hbm>>) dst(%arg8 : memref<40x64xi32, #tpu.memory_space<vmem>>)
        tpu.yield
      }) : () -> ()
      %mul3A_16 = arith.constant 40 : i32
      %mul3A_17 = arith.muli %scan3A_13, %mul3A_16 : i32
      "tpu.region"() ({
        %run_scoped3A = tpu.sem_alloc : memref<!tpu.dma_semaphore, #tpu.memory_space<semaphore_mem>>
        %dma_start3A_214 = arith.constant 0 : i32
        %dma_start3A_215 = arith.constant 0 : i32
        %dma_start3A_216 = tpu.memref_slice %arg4[%add3A, %dma_start3A_214, %dma_start3A_215] : memref<32x160x64xi32, #tpu.memory_space<hbm>> -> memref<1x160x64xi32, #tpu.memory_space<hbm>>
        %dma_start3A_217 = tpu.memref_squeeze %dma_start3A_216 : memref<1x160x64xi32, #tpu.memory_space<hbm>> -> memref<160x64xi32, #tpu.memory_space<hbm>>
        %dma_start3A_218 = arith.constant 0 : i32
        %dma_start3A_219 = tpu.memref_slice %dma_start3A_217[%mul3A_17, %dma_start3A_218] : memref<160x64xi32, #tpu.memory_space<hbm>> -> memref<40x64xi32, #tpu.memory_space<hbm>>
        %dma_start3A_220 = arith.constant 0 : i32
        %dma_start3A_221 = arith.constant 0 : i32
        %dma_start3A_222 = tpu.memref_slice %arg4[%add3A, %dma_start3A_220, %dma_start3A_221] : memref<32x160x64xi32, #tpu.memory_space<hbm>> -> memref<1x160x64xi32, #tpu.memory_space<hbm>>
        %dma_start3A_223 = tpu.memref_squeeze %dma_start3A_222 : memref<1x160x64xi32, #tpu.memory_space<hbm>> -> memref<160x64xi32, #tpu.memory_space<hbm>>
        %dma_start3A_224 = arith.constant 0 : i32
        %dma_start3A_225 = tpu.memref_slice %dma_start3A_223[%mul3A_17, %dma_start3A_224] : memref<160x64xi32, #tpu.memory_space<hbm>> -> memref<40x64xi32, #tpu.memory_space<hbm>>
        tpu.enqueue_dma source(%dma_start3A_225 : memref<40x64xi32, #tpu.memory_space<hbm>>) target(%arg9 : memref<40x64xi32, #tpu.memory_space<vmem>>) target_semaphore(%run_scoped3A : memref<!tpu.dma_semaphore, #tpu.memory_space<semaphore_mem>>)
        %dma_wait3A_226 = arith.constant 0 : i32
        %dma_wait3A_227 = arith.constant 0 : i32
        %dma_wait3A_228 = tpu.memref_slice %arg4[%add3A, %dma_wait3A_226, %dma_wait3A_227] : memref<32x160x64xi32, #tpu.memory_space<hbm>> -> memref<1x160x64xi32, #tpu.memory_space<hbm>>
        %dma_wait3A_229 = tpu.memref_squeeze %dma_wait3A_228 : memref<1x160x64xi32, #tpu.memory_space<hbm>> -> memref<160x64xi32, #tpu.memory_space<hbm>>
        %dma_wait3A_230 = arith.constant 0 : i32
        %dma_wait3A_231 = tpu.memref_slice %dma_wait3A_229[%mul3A_17, %dma_wait3A_230] : memref<160x64xi32, #tpu.memory_space<hbm>> -> memref<40x64xi32, #tpu.memory_space<hbm>>
        %dma_wait3A_232 = arith.constant 0 : i32
        %dma_wait3A_233 = arith.constant 0 : i32
        %dma_wait3A_234 = tpu.memref_slice %arg4[%add3A, %dma_wait3A_232, %dma_wait3A_233] : memref<32x160x64xi32, #tpu.memory_space<hbm>> -> memref<1x160x64xi32, #tpu.memory_space<hbm>>
        %dma_wait3A_235 = tpu.memref_squeeze %dma_wait3A_234 : memref<1x160x64xi32, #tpu.memory_space<hbm>> -> memref<160x64xi32, #tpu.memory_space<hbm>>
        %dma_wait3A_236 = arith.constant 0 : i32
        %dma_wait3A_237 = tpu.memref_slice %dma_wait3A_235[%mul3A_17, %dma_wait3A_236] : memref<160x64xi32, #tpu.memory_space<hbm>> -> memref<40x64xi32, #tpu.memory_space<hbm>>
        tpu.wait_dma2 semaphore(%run_scoped3A : memref<!tpu.dma_semaphore, #tpu.memory_space<semaphore_mem>>) src(%dma_wait3A_237 : memref<40x64xi32, #tpu.memory_space<hbm>>) dst(%arg9 : memref<40x64xi32, #tpu.memory_space<vmem>>)
        tpu.yield
      }) : () -> ()
      %dma_start3A = arith.constant 0 : i32
      %dma_start3A_18 = arith.constant 0 : i32
      %dma_start3A_19 = arith.constant 0 : i32
      %dma_start3A_20 = arith.constant 0 : i32
      %dma_start3A_21 = tpu.memref_slice %arg10[%dma_start3A_18, %dma_start3A_19, %dma_start3A_20] : memref<4x64x128xf32, #tpu.memory_space<vmem>> -> memref<1x64x128xf32, #tpu.memory_space<vmem>>
      %dma_start3A_22 = tpu.memref_squeeze %dma_start3A_21 : memref<1x64x128xf32, #tpu.memory_space<vmem>> -> memref<64x128xf32, #tpu.memory_space<vmem>>
      %dma_start3A_23 = arith.constant 0 : i32
      %dma_start3A_24 = tpu.memref_slice %arg8[%dma_start3A, %dma_start3A_23] : memref<40x64xi32, #tpu.memory_space<vmem>> -> memref<1x64xi32, #tpu.memory_space<vmem>>
      %dma_start3A_25 = tpu.memref_squeeze %dma_start3A_24 : memref<1x64xi32, #tpu.memory_space<vmem>> -> memref<64xi32, #tpu.memory_space<vmem>>
      %dma_start3A_26 = arith.constant 0 : i32
      %dma_start3A_27 = arith.constant 0 : i32
      %dma_start3A_28 = tpu.memref_slice %arg2[%dma_start3A_26, %dma_start3A_27] : memref<10240x128xf32, #tpu.memory_space<hbm>> -> memref<10240x128xf32, #tpu.memory_space<hbm>>
      tpu.enqueue_indirect_dma source(%dma_start3A_28 : memref<10240x128xf32, #tpu.memory_space<hbm>>) target(%dma_start3A_22 : memref<64x128xf32, #tpu.memory_space<vmem>>) offsets(%dma_start3A_25 : memref<64xi32, #tpu.memory_space<vmem>>) semaphore(%arg11 : memref<!tpu.dma_semaphore, #tpu.memory_space<semaphore_mem>>)
      %dma_start3A_29 = arith.constant 1 : i32
      %dma_start3A_30 = arith.constant 1 : i32
      %dma_start3A_31 = arith.constant 0 : i32
      %dma_start3A_32 = arith.constant 0 : i32
      %dma_start3A_33 = tpu.memref_slice %arg10[%dma_start3A_30, %dma_start3A_31, %dma_start3A_32] : memref<4x64x128xf32, #tpu.memory_space<vmem>> -> memref<1x64x128xf32, #tpu.memory_space<vmem>>
      %dma_start3A_34 = tpu.memref_squeeze %dma_start3A_33 : memref<1x64x128xf32, #tpu.memory_space<vmem>> -> memref<64x128xf32, #tpu.memory_space<vmem>>
      %dma_start3A_35 = arith.constant 0 : i32
      %dma_start3A_36 = tpu.memref_slice %arg8[%dma_start3A_29, %dma_start3A_35] : memref<40x64xi32, #tpu.memory_space<vmem>> -> memref<1x64xi32, #tpu.memory_space<vmem>>
      %dma_start3A_37 = tpu.memref_squeeze %dma_start3A_36 : memref<1x64xi32, #tpu.memory_space<vmem>> -> memref<64xi32, #tpu.memory_space<vmem>>
      %dma_start3A_38 = arith.constant 0 : i32
      %dma_start3A_39 = arith.constant 0 : i32
      %dma_start3A_40 = tpu.memref_slice %arg2[%dma_start3A_38, %dma_start3A_39] : memref<10240x128xf32, #tpu.memory_space<hbm>> -> memref<10240x128xf32, #tpu.memory_space<hbm>>
      tpu.enqueue_indirect_dma source(%dma_start3A_40 : memref<10240x128xf32, #tpu.memory_space<hbm>>) target(%dma_start3A_34 : memref<64x128xf32, #tpu.memory_space<vmem>>) offsets(%dma_start3A_37 : memref<64xi32, #tpu.memory_space<vmem>>) semaphore(%arg12 : memref<!tpu.dma_semaphore, #tpu.memory_space<semaphore_mem>>)
      %dma_start3A_41 = arith.constant 2 : i32
      %dma_start3A_42 = arith.constant 2 : i32
      %dma_start3A_43 = arith.constant 0 : i32
      %dma_start3A_44 = arith.constant 0 : i32
      %dma_start3A_45 = tpu.memref_slice %arg10[%dma_start3A_42, %dma_start3A_43, %dma_start3A_44] : memref<4x64x128xf32, #tpu.memory_space<vmem>> -> memref<1x64x128xf32, #tpu.memory_space<vmem>>
      %dma_start3A_46 = tpu.memref_squeeze %dma_start3A_45 : memref<1x64x128xf32, #tpu.memory_space<vmem>> -> memref<64x128xf32, #tpu.memory_space<vmem>>
      %dma_start3A_47 = arith.constant 0 : i32
      %dma_start3A_48 = tpu.memref_slice %arg8[%dma_start3A_41, %dma_start3A_47] : memref<40x64xi32, #tpu.memory_space<vmem>> -> memref<1x64xi32, #tpu.memory_space<vmem>>
      %dma_start3A_49 = tpu.memref_squeeze %dma_start3A_48 : memref<1x64xi32, #tpu.memory_space<vmem>> -> memref<64xi32, #tpu.memory_space<vmem>>
      %dma_start3A_50 = arith.constant 0 : i32
      %dma_start3A_51 = arith.constant 0 : i32
      %dma_start3A_52 = tpu.memref_slice %arg2[%dma_start3A_50, %dma_start3A_51] : memref<10240x128xf32, #tpu.memory_space<hbm>> -> memref<10240x128xf32, #tpu.memory_space<hbm>>
      tpu.enqueue_indirect_dma source(%dma_start3A_52 : memref<10240x128xf32, #tpu.memory_space<hbm>>) target(%dma_start3A_46 : memref<64x128xf32, #tpu.memory_space<vmem>>) offsets(%dma_start3A_49 : memref<64xi32, #tpu.memory_space<vmem>>) semaphore(%arg13 : memref<!tpu.dma_semaphore, #tpu.memory_space<semaphore_mem>>)
      %dma_wait3A = arith.constant 0 : i32
      %dma_wait3A_53 = arith.constant 0 : i32
      %dma_wait3A_54 = arith.constant 0 : i32
      %dma_wait3A_55 = arith.constant 0 : i32
      %dma_wait3A_56 = tpu.memref_slice %arg10[%dma_wait3A_53, %dma_wait3A_54, %dma_wait3A_55] : memref<4x64x128xf32, #tpu.memory_space<vmem>> -> memref<1x64x128xf32, #tpu.memory_space<vmem>>
      %dma_wait3A_57 = tpu.memref_squeeze %dma_wait3A_56 : memref<1x64x128xf32, #tpu.memory_space<vmem>> -> memref<64x128xf32, #tpu.memory_space<vmem>>
      %dma_wait3A_58 = arith.constant 0 : i32
      %dma_wait3A_59 = tpu.memref_slice %arg8[%dma_wait3A, %dma_wait3A_58] : memref<40x64xi32, #tpu.memory_space<vmem>> -> memref<1x64xi32, #tpu.memory_space<vmem>>
      %dma_wait3A_60 = tpu.memref_squeeze %dma_wait3A_59 : memref<1x64xi32, #tpu.memory_space<vmem>> -> memref<64xi32, #tpu.memory_space<vmem>>
      %dma_wait3A_61 = arith.constant 0 : i32
      %dma_wait3A_62 = arith.constant 0 : i32
      %dma_wait3A_63 = tpu.memref_slice %arg2[%dma_wait3A_61, %dma_wait3A_62] : memref<10240x128xf32, #tpu.memory_space<hbm>> -> memref<10240x128xf32, #tpu.memory_space<hbm>>
      tpu.wait_indirect_dma semaphore(%arg11 : memref<!tpu.dma_semaphore, #tpu.memory_space<semaphore_mem>>) src(%dma_wait3A_63 : memref<10240x128xf32, #tpu.memory_space<hbm>>) dst(%dma_wait3A_57 : memref<64x128xf32, #tpu.memory_space<vmem>>)
      %dma_start3A_64 = arith.constant 0 : i32
      %dma_start3A_65 = arith.constant 0 : i32
      %dma_start3A_66 = arith.constant 0 : i32
      %dma_start3A_67 = arith.constant 0 : i32
      %dma_start3A_68 = tpu.memref_slice %arg10[%dma_start3A_64, %dma_start3A_66, %dma_start3A_67] : memref<4x64x128xf32, #tpu.memory_space<vmem>> -> memref<1x64x128xf32, #tpu.memory_space<vmem>>
      %dma_start3A_69 = tpu.memref_squeeze %dma_start3A_68 : memref<1x64x128xf32, #tpu.memory_space<vmem>> -> memref<64x128xf32, #tpu.memory_space<vmem>>
      %dma_start3A_70 = arith.constant 0 : i32
      %dma_start3A_71 = tpu.memref_slice %arg9[%dma_start3A_65, %dma_start3A_70] : memref<40x64xi32, #tpu.memory_space<vmem>> -> memref<1x64xi32, #tpu.memory_space<vmem>>
      %dma_start3A_72 = tpu.memref_squeeze %dma_start3A_71 : memref<1x64xi32, #tpu.memory_space<vmem>> -> memref<64xi32, #tpu.memory_space<vmem>>
      %dma_start3A_73 = arith.constant 0 : i32
      %dma_start3A_74 = arith.constant 0 : i32
      %dma_start3A_75 = tpu.memref_slice %arg7[%dma_start3A_73, %dma_start3A_74] : memref<10240x128xf32, #tpu.memory_space<vmem_shared>> -> memref<10240x128xf32, #tpu.memory_space<vmem_shared>>
      tpu.enqueue_indirect_dma source(%dma_start3A_69 : memref<64x128xf32, #tpu.memory_space<vmem>>) target(%dma_start3A_75 : memref<10240x128xf32, #tpu.memory_space<vmem_shared>>) offsets(%dma_start3A_72 : memref<64xi32, #tpu.memory_space<vmem>>) semaphore(%arg15 : memref<!tpu.dma_semaphore, #tpu.memory_space<semaphore_mem>>) {add = true}
      %dma_start3A_76 = arith.constant 3 : i32
      %dma_start3A_77 = arith.constant 3 : i32
      %dma_start3A_78 = arith.constant 0 : i32
      %dma_start3A_79 = arith.constant 0 : i32
      %dma_start3A_80 = tpu.memref_slice %arg10[%dma_start3A_77, %dma_start3A_78, %dma_start3A_79] : memref<4x64x128xf32, #tpu.memory_space<vmem>> -> memref<1x64x128xf32, #tpu.memory_space<vmem>>
      %dma_start3A_81 = tpu.memref_squeeze %dma_start3A_80 : memref<1x64x128xf32, #tpu.memory_space<vmem>> -> memref<64x128xf32, #tpu.memory_space<vmem>>
      %dma_start3A_82 = arith.constant 0 : i32
      %dma_start3A_83 = tpu.memref_slice %arg8[%dma_start3A_76, %dma_start3A_82] : memref<40x64xi32, #tpu.memory_space<vmem>> -> memref<1x64xi32, #tpu.memory_space<vmem>>
      %dma_start3A_84 = tpu.memref_squeeze %dma_start3A_83 : memref<1x64xi32, #tpu.memory_space<vmem>> -> memref<64xi32, #tpu.memory_space<vmem>>
      %dma_start3A_85 = arith.constant 0 : i32
      %dma_start3A_86 = arith.constant 0 : i32
      %dma_start3A_87 = tpu.memref_slice %arg2[%dma_start3A_85, %dma_start3A_86] : memref<10240x128xf32, #tpu.memory_space<hbm>> -> memref<10240x128xf32, #tpu.memory_space<hbm>>
      tpu.enqueue_indirect_dma source(%dma_start3A_87 : memref<10240x128xf32, #tpu.memory_space<hbm>>) target(%dma_start3A_81 : memref<64x128xf32, #tpu.memory_space<vmem>>) offsets(%dma_start3A_84 : memref<64xi32, #tpu.memory_space<vmem>>) semaphore(%arg14 : memref<!tpu.dma_semaphore, #tpu.memory_space<semaphore_mem>>)
      %dma_wait3A_88 = arith.constant 1 : i32
      %dma_wait3A_89 = arith.constant 1 : i32
      %dma_wait3A_90 = arith.constant 0 : i32
      %dma_wait3A_91 = arith.constant 0 : i32
      %dma_wait3A_92 = tpu.memref_slice %arg10[%dma_wait3A_89, %dma_wait3A_90, %dma_wait3A_91] : memref<4x64x128xf32, #tpu.memory_space<vmem>> -> memref<1x64x128xf32, #tpu.memory_space<vmem>>
      %dma_wait3A_93 = tpu.memref_squeeze %dma_wait3A_92 : memref<1x64x128xf32, #tpu.memory_space<vmem>> -> memref<64x128xf32, #tpu.memory_space<vmem>>
      %dma_wait3A_94 = arith.constant 0 : i32
      %dma_wait3A_95 = tpu.memref_slice %arg8[%dma_wait3A_88, %dma_wait3A_94] : memref<40x64xi32, #tpu.memory_space<vmem>> -> memref<1x64xi32, #tpu.memory_space<vmem>>
      %dma_wait3A_96 = tpu.memref_squeeze %dma_wait3A_95 : memref<1x64xi32, #tpu.memory_space<vmem>> -> memref<64xi32, #tpu.memory_space<vmem>>
      %dma_wait3A_97 = arith.constant 0 : i32
      %dma_wait3A_98 = arith.constant 0 : i32
      %dma_wait3A_99 = tpu.memref_slice %arg2[%dma_wait3A_97, %dma_wait3A_98] : memref<10240x128xf32, #tpu.memory_space<hbm>> -> memref<10240x128xf32, #tpu.memory_space<hbm>>
      tpu.wait_indirect_dma semaphore(%arg12 : memref<!tpu.dma_semaphore, #tpu.memory_space<semaphore_mem>>) src(%dma_wait3A_99 : memref<10240x128xf32, #tpu.memory_space<hbm>>) dst(%dma_wait3A_93 : memref<64x128xf32, #tpu.memory_space<vmem>>)
      %dma_start3A_100 = arith.constant 1 : i32
      %dma_start3A_101 = arith.constant 1 : i32
      %dma_start3A_102 = arith.constant 0 : i32
      %dma_start3A_103 = arith.constant 0 : i32
      %dma_start3A_104 = tpu.memref_slice %arg10[%dma_start3A_100, %dma_start3A_102, %dma_start3A_103] : memref<4x64x128xf32, #tpu.memory_space<vmem>> -> memref<1x64x128xf32, #tpu.memory_space<vmem>>
      %dma_start3A_105 = tpu.memref_squeeze %dma_start3A_104 : memref<1x64x128xf32, #tpu.memory_space<vmem>> -> memref<64x128xf32, #tpu.memory_space<vmem>>
      %dma_start3A_106 = arith.constant 0 : i32
      %dma_start3A_107 = tpu.memref_slice %arg9[%dma_start3A_101, %dma_start3A_106] : memref<40x64xi32, #tpu.memory_space<vmem>> -> memref<1x64xi32, #tpu.memory_space<vmem>>
      %dma_start3A_108 = tpu.memref_squeeze %dma_start3A_107 : memref<1x64xi32, #tpu.memory_space<vmem>> -> memref<64xi32, #tpu.memory_space<vmem>>
      %dma_start3A_109 = arith.constant 0 : i32
      %dma_start3A_110 = arith.constant 0 : i32
      %dma_start3A_111 = tpu.memref_slice %arg7[%dma_start3A_109, %dma_start3A_110] : memref<10240x128xf32, #tpu.memory_space<vmem_shared>> -> memref<10240x128xf32, #tpu.memory_space<vmem_shared>>
      tpu.enqueue_indirect_dma source(%dma_start3A_105 : memref<64x128xf32, #tpu.memory_space<vmem>>) target(%dma_start3A_111 : memref<10240x128xf32, #tpu.memory_space<vmem_shared>>) offsets(%dma_start3A_108 : memref<64xi32, #tpu.memory_space<vmem>>) semaphore(%arg16 : memref<!tpu.dma_semaphore, #tpu.memory_space<semaphore_mem>>) {add = true}
      %scan3A_112 = arith.constant 0 : i32
      %scan3A_113 = arith.constant 0 : i32
      %scan3A_114 = arith.constant 9 : i32
      %scan3A_115 = arith.addi %scan3A_113, %scan3A_114 : i32
      %scan3A_116 = arith.constant 1 : i32
      scf.for %scan3A_214 = %scan3A_113 to %scan3A_115 step %scan3A_116  : i32 {
        %mul3A_215 = arith.constant 4 : i32
        %mul3A_216 = arith.muli %mul3A_215, %scan3A_214 : i32
        %add3A_217 = arith.constant 2 : i32
        %add3A_218 = arith.addi %mul3A_216, %add3A_217 : i32
        %add3A_219 = arith.constant 0 : i32
        %add3A_220 = arith.addi %add3A_218, %add3A_219 : i32
        %sub3A = arith.constant 2 : i32
        %sub3A_221 = arith.subi %add3A_220, %sub3A : i32
        %dma_wait3A_222 = arith.constant 0 : i32
        %dma_wait3A_223 = arith.constant 0 : i32
        %dma_wait3A_224 = arith.constant 0 : i32
        %dma_wait3A_225 = tpu.memref_slice %arg10[%dma_wait3A_222, %dma_wait3A_223, %dma_wait3A_224] : memref<4x64x128xf32, #tpu.memory_space<vmem>> -> memref<1x64x128xf32, #tpu.memory_space<vmem>>
        %dma_wait3A_226 = tpu.memref_squeeze %dma_wait3A_225 : memref<1x64x128xf32, #tpu.memory_space<vmem>> -> memref<64x128xf32, #tpu.memory_space<vmem>>
        %dma_wait3A_227 = arith.constant 0 : i32
        %dma_wait3A_228 = tpu.memref_slice %arg9[%sub3A_221, %dma_wait3A_227] : memref<40x64xi32, #tpu.memory_space<vmem>> -> memref<1x64xi32, #tpu.memory_space<vmem>>
        %dma_wait3A_229 = tpu.memref_squeeze %dma_wait3A_228 : memref<1x64xi32, #tpu.memory_space<vmem>> -> memref<64xi32, #tpu.memory_space<vmem>>
        %dma_wait3A_230 = arith.constant 0 : i32
        %dma_wait3A_231 = arith.constant 0 : i32
        %dma_wait3A_232 = tpu.memref_slice %arg7[%dma_wait3A_230, %dma_wait3A_231] : memref<10240x128xf32, #tpu.memory_space<vmem_shared>> -> memref<10240x128xf32, #tpu.memory_space<vmem_shared>>
        tpu.wait_indirect_dma semaphore(%arg15 : memref<!tpu.dma_semaphore, #tpu.memory_space<semaphore_mem>>) src(%dma_wait3A_226 : memref<64x128xf32, #tpu.memory_space<vmem>>) dst(%dma_wait3A_232 : memref<10240x128xf32, #tpu.memory_space<vmem_shared>>)
        %add3A_233 = arith.constant 2 : i32
        %add3A_234 = arith.addi %add3A_220, %add3A_233 : i32
        %dma_start3A_235 = arith.constant 0 : i32
        %dma_start3A_236 = arith.constant 0 : i32
        %dma_start3A_237 = arith.constant 0 : i32
        %dma_start3A_238 = tpu.memref_slice %arg10[%dma_start3A_235, %dma_start3A_236, %dma_start3A_237] : memref<4x64x128xf32, #tpu.memory_space<vmem>> -> memref<1x64x128xf32, #tpu.memory_space<vmem>>
        %dma_start3A_239 = tpu.memref_squeeze %dma_start3A_238 : memref<1x64x128xf32, #tpu.memory_space<vmem>> -> memref<64x128xf32, #tpu.memory_space<vmem>>
        %dma_start3A_240 = arith.constant 0 : i32
        %dma_start3A_241 = tpu.memref_slice %arg8[%add3A_234, %dma_start3A_240] : memref<40x64xi32, #tpu.memory_space<vmem>> -> memref<1x64xi32, #tpu.memory_space<vmem>>
        %dma_start3A_242 = tpu.memref_squeeze %dma_start3A_241 : memref<1x64xi32, #tpu.memory_space<vmem>> -> memref<64xi32, #tpu.memory_space<vmem>>
        %dma_start3A_243 = arith.constant 0 : i32
        %dma_start3A_244 = arith.constant 0 : i32
        %dma_start3A_245 = tpu.memref_slice %arg2[%dma_start3A_243, %dma_start3A_244] : memref<10240x128xf32, #tpu.memory_space<hbm>> -> memref<10240x128xf32, #tpu.memory_space<hbm>>
        tpu.enqueue_indirect_dma source(%dma_start3A_245 : memref<10240x128xf32, #tpu.memory_space<hbm>>) target(%dma_start3A_239 : memref<64x128xf32, #tpu.memory_space<vmem>>) offsets(%dma_start3A_242 : memref<64xi32, #tpu.memory_space<vmem>>) semaphore(%arg11 : memref<!tpu.dma_semaphore, #tpu.memory_space<semaphore_mem>>)
        %dma_wait3A_246 = arith.constant 2 : i32
        %dma_wait3A_247 = arith.constant 0 : i32
        %dma_wait3A_248 = arith.constant 0 : i32
        %dma_wait3A_249 = tpu.memref_slice %arg10[%dma_wait3A_246, %dma_wait3A_247, %dma_wait3A_248] : memref<4x64x128xf32, #tpu.memory_space<vmem>> -> memref<1x64x128xf32, #tpu.memory_space<vmem>>
        %dma_wait3A_250 = tpu.memref_squeeze %dma_wait3A_249 : memref<1x64x128xf32, #tpu.memory_space<vmem>> -> memref<64x128xf32, #tpu.memory_space<vmem>>
        %dma_wait3A_251 = arith.constant 0 : i32
        %dma_wait3A_252 = tpu.memref_slice %arg8[%add3A_220, %dma_wait3A_251] : memref<40x64xi32, #tpu.memory_space<vmem>> -> memref<1x64xi32, #tpu.memory_space<vmem>>
        %dma_wait3A_253 = tpu.memref_squeeze %dma_wait3A_252 : memref<1x64xi32, #tpu.memory_space<vmem>> -> memref<64xi32, #tpu.memory_space<vmem>>
        %dma_wait3A_254 = arith.constant 0 : i32
        %dma_wait3A_255 = arith.constant 0 : i32
        %dma_wait3A_256 = tpu.memref_slice %arg2[%dma_wait3A_254, %dma_wait3A_255] : memref<10240x128xf32, #tpu.memory_space<hbm>> -> memref<10240x128xf32, #tpu.memory_space<hbm>>
        tpu.wait_indirect_dma semaphore(%arg13 : memref<!tpu.dma_semaphore, #tpu.memory_space<semaphore_mem>>) src(%dma_wait3A_256 : memref<10240x128xf32, #tpu.memory_space<hbm>>) dst(%dma_wait3A_250 : memref<64x128xf32, #tpu.memory_space<vmem>>)
        %dma_start3A_257 = arith.constant 2 : i32
        %dma_start3A_258 = arith.constant 0 : i32
        %dma_start3A_259 = arith.constant 0 : i32
        %dma_start3A_260 = tpu.memref_slice %arg10[%dma_start3A_257, %dma_start3A_258, %dma_start3A_259] : memref<4x64x128xf32, #tpu.memory_space<vmem>> -> memref<1x64x128xf32, #tpu.memory_space<vmem>>
        %dma_start3A_261 = tpu.memref_squeeze %dma_start3A_260 : memref<1x64x128xf32, #tpu.memory_space<vmem>> -> memref<64x128xf32, #tpu.memory_space<vmem>>
        %dma_start3A_262 = arith.constant 0 : i32
        %dma_start3A_263 = tpu.memref_slice %arg9[%add3A_220, %dma_start3A_262] : memref<40x64xi32, #tpu.memory_space<vmem>> -> memref<1x64xi32, #tpu.memory_space<vmem>>
        %dma_start3A_264 = tpu.memref_squeeze %dma_start3A_263 : memref<1x64xi32, #tpu.memory_space<vmem>> -> memref<64xi32, #tpu.memory_space<vmem>>
        %dma_start3A_265 = arith.constant 0 : i32
        %dma_start3A_266 = arith.constant 0 : i32
        %dma_start3A_267 = tpu.memref_slice %arg7[%dma_start3A_265, %dma_start3A_266] : memref<10240x128xf32, #tpu.memory_space<vmem_shared>> -> memref<10240x128xf32, #tpu.memory_space<vmem_shared>>
        tpu.enqueue_indirect_dma source(%dma_start3A_261 : memref<64x128xf32, #tpu.memory_space<vmem>>) target(%dma_start3A_267 : memref<10240x128xf32, #tpu.memory_space<vmem_shared>>) offsets(%dma_start3A_264 : memref<64xi32, #tpu.memory_space<vmem>>) semaphore(%arg17 : memref<!tpu.dma_semaphore, #tpu.memory_space<semaphore_mem>>) {add = true}
        %mul3A_268 = arith.constant 4 : i32
        %mul3A_269 = arith.muli %mul3A_268, %scan3A_214 : i32
        %add3A_270 = arith.constant 2 : i32
        %add3A_271 = arith.addi %mul3A_269, %add3A_270 : i32
        %add3A_272 = arith.constant 1 : i32
        %add3A_273 = arith.addi %add3A_271, %add3A_272 : i32
        %sub3A_274 = arith.constant 2 : i32
        %sub3A_275 = arith.subi %add3A_273, %sub3A_274 : i32
        %dma_wait3A_276 = arith.constant 1 : i32
        %dma_wait3A_277 = arith.constant 0 : i32
        %dma_wait3A_278 = arith.constant 0 : i32
        %dma_wait3A_279 = tpu.memref_slice %arg10[%dma_wait3A_276, %dma_wait3A_277, %dma_wait3A_278] : memref<4x64x128xf32, #tpu.memory_space<vmem>> -> memref<1x64x128xf32, #tpu.memory_space<vmem>>
        %dma_wait3A_280 = tpu.memref_squeeze %dma_wait3A_279 : memref<1x64x128xf32, #tpu.memory_space<vmem>> -> memref<64x128xf32, #tpu.memory_space<vmem>>
        %dma_wait3A_281 = arith.constant 0 : i32
        %dma_wait3A_282 = tpu.memref_slice %arg9[%sub3A_275, %dma_wait3A_281] : memref<40x64xi32, #tpu.memory_space<vmem>> -> memref<1x64xi32, #tpu.memory_space<vmem>>
        %dma_wait3A_283 = tpu.memref_squeeze %dma_wait3A_282 : memref<1x64xi32, #tpu.memory_space<vmem>> -> memref<64xi32, #tpu.memory_space<vmem>>
        %dma_wait3A_284 = arith.constant 0 : i32
        %dma_wait3A_285 = arith.constant 0 : i32
        %dma_wait3A_286 = tpu.memref_slice %arg7[%dma_wait3A_284, %dma_wait3A_285] : memref<10240x128xf32, #tpu.memory_space<vmem_shared>> -> memref<10240x128xf32, #tpu.memory_space<vmem_shared>>
        tpu.wait_indirect_dma semaphore(%arg16 : memref<!tpu.dma_semaphore, #tpu.memory_space<semaphore_mem>>) src(%dma_wait3A_280 : memref<64x128xf32, #tpu.memory_space<vmem>>) dst(%dma_wait3A_286 : memref<10240x128xf32, #tpu.memory_space<vmem_shared>>)
        %add3A_287 = arith.constant 2 : i32
        %add3A_288 = arith.addi %add3A_273, %add3A_287 : i32
        %dma_start3A_289 = arith.constant 1 : i32
        %dma_start3A_290 = arith.constant 0 : i32
        %dma_start3A_291 = arith.constant 0 : i32
        %dma_start3A_292 = tpu.memref_slice %arg10[%dma_start3A_289, %dma_start3A_290, %dma_start3A_291] : memref<4x64x128xf32, #tpu.memory_space<vmem>> -> memref<1x64x128xf32, #tpu.memory_space<vmem>>
        %dma_start3A_293 = tpu.memref_squeeze %dma_start3A_292 : memref<1x64x128xf32, #tpu.memory_space<vmem>> -> memref<64x128xf32, #tpu.memory_space<vmem>>
        %dma_start3A_294 = arith.constant 0 : i32
        %dma_start3A_295 = tpu.memref_slice %arg8[%add3A_288, %dma_start3A_294] : memref<40x64xi32, #tpu.memory_space<vmem>> -> memref<1x64xi32, #tpu.memory_space<vmem>>
        %dma_start3A_296 = tpu.memref_squeeze %dma_start3A_295 : memref<1x64xi32, #tpu.memory_space<vmem>> -> memref<64xi32, #tpu.memory_space<vmem>>
        %dma_start3A_297 = arith.constant 0 : i32
        %dma_start3A_298 = arith.constant 0 : i32
        %dma_start3A_299 = tpu.memref_slice %arg2[%dma_start3A_297, %dma_start3A_298] : memref<10240x128xf32, #tpu.memory_space<hbm>> -> memref<10240x128xf32, #tpu.memory_space<hbm>>
        tpu.enqueue_indirect_dma source(%dma_start3A_299 : memref<10240x128xf32, #tpu.memory_space<hbm>>) target(%dma_start3A_293 : memref<64x128xf32, #tpu.memory_space<vmem>>) offsets(%dma_start3A_296 : memref<64xi32, #tpu.memory_space<vmem>>) semaphore(%arg12 : memref<!tpu.dma_semaphore, #tpu.memory_space<semaphore_mem>>)
        %dma_wait3A_300 = arith.constant 3 : i32
        %dma_wait3A_301 = arith.constant 0 : i32
        %dma_wait3A_302 = arith.constant 0 : i32
        %dma_wait3A_303 = tpu.memref_slice %arg10[%dma_wait3A_300, %dma_wait3A_301, %dma_wait3A_302] : memref<4x64x128xf32, #tpu.memory_space<vmem>> -> memref<1x64x128xf32, #tpu.memory_space<vmem>>
        %dma_wait3A_304 = tpu.memref_squeeze %dma_wait3A_303 : memref<1x64x128xf32, #tpu.memory_space<vmem>> -> memref<64x128xf32, #tpu.memory_space<vmem>>
        %dma_wait3A_305 = arith.constant 0 : i32
        %dma_wait3A_306 = tpu.memref_slice %arg8[%add3A_273, %dma_wait3A_305] : memref<40x64xi32, #tpu.memory_space<vmem>> -> memref<1x64xi32, #tpu.memory_space<vmem>>
        %dma_wait3A_307 = tpu.memref_squeeze %dma_wait3A_306 : memref<1x64xi32, #tpu.memory_space<vmem>> -> memref<64xi32, #tpu.memory_space<vmem>>
        %dma_wait3A_308 = arith.constant 0 : i32
        %dma_wait3A_309 = arith.constant 0 : i32
        %dma_wait3A_310 = tpu.memref_slice %arg2[%dma_wait3A_308, %dma_wait3A_309] : memref<10240x128xf32, #tpu.memory_space<hbm>> -> memref<10240x128xf32, #tpu.memory_space<hbm>>
        tpu.wait_indirect_dma semaphore(%arg14 : memref<!tpu.dma_semaphore, #tpu.memory_space<semaphore_mem>>) src(%dma_wait3A_310 : memref<10240x128xf32, #tpu.memory_space<hbm>>) dst(%dma_wait3A_304 : memref<64x128xf32, #tpu.memory_space<vmem>>)
        %dma_start3A_311 = arith.constant 3 : i32
        %dma_start3A_312 = arith.constant 0 : i32
        %dma_start3A_313 = arith.constant 0 : i32
        %dma_start3A_314 = tpu.memref_slice %arg10[%dma_start3A_311, %dma_start3A_312, %dma_start3A_313] : memref<4x64x128xf32, #tpu.memory_space<vmem>> -> memref<1x64x128xf32, #tpu.memory_space<vmem>>
        %dma_start3A_315 = tpu.memref_squeeze %dma_start3A_314 : memref<1x64x128xf32, #tpu.memory_space<vmem>> -> memref<64x128xf32, #tpu.memory_space<vmem>>
        %dma_start3A_316 = arith.constant 0 : i32
        %dma_start3A_317 = tpu.memref_slice %arg9[%add3A_273, %dma_start3A_316] : memref<40x64xi32, #tpu.memory_space<vmem>> -> memref<1x64xi32, #tpu.memory_space<vmem>>
        %dma_start3A_318 = tpu.memref_squeeze %dma_start3A_317 : memref<1x64xi32, #tpu.memory_space<vmem>> -> memref<64xi32, #tpu.memory_space<vmem>>
        %dma_start3A_319 = arith.constant 0 : i32
        %dma_start3A_320 = arith.constant 0 : i32
        %dma_start3A_321 = tpu.memref_slice %arg7[%dma_start3A_319, %dma_start3A_320] : memref<10240x128xf32, #tpu.memory_space<vmem_shared>> -> memref<10240x128xf32, #tpu.memory_space<vmem_shared>>
        tpu.enqueue_indirect_dma source(%dma_start3A_315 : memref<64x128xf32, #tpu.memory_space<vmem>>) target(%dma_start3A_321 : memref<10240x128xf32, #tpu.memory_space<vmem_shared>>) offsets(%dma_start3A_318 : memref<64xi32, #tpu.memory_space<vmem>>) semaphore(%arg18 : memref<!tpu.dma_semaphore, #tpu.memory_space<semaphore_mem>>) {add = true}
        %mul3A_322 = arith.constant 4 : i32
        %mul3A_323 = arith.muli %mul3A_322, %scan3A_214 : i32
        %add3A_324 = arith.constant 2 : i32
        %add3A_325 = arith.addi %mul3A_323, %add3A_324 : i32
        %add3A_326 = arith.constant 2 : i32
        %add3A_327 = arith.addi %add3A_325, %add3A_326 : i32
        %sub3A_328 = arith.constant 2 : i32
        %sub3A_329 = arith.subi %add3A_327, %sub3A_328 : i32
        %dma_wait3A_330 = arith.constant 2 : i32
        %dma_wait3A_331 = arith.constant 0 : i32
        %dma_wait3A_332 = arith.constant 0 : i32
        %dma_wait3A_333 = tpu.memref_slice %arg10[%dma_wait3A_330, %dma_wait3A_331, %dma_wait3A_332] : memref<4x64x128xf32, #tpu.memory_space<vmem>> -> memref<1x64x128xf32, #tpu.memory_space<vmem>>
        %dma_wait3A_334 = tpu.memref_squeeze %dma_wait3A_333 : memref<1x64x128xf32, #tpu.memory_space<vmem>> -> memref<64x128xf32, #tpu.memory_space<vmem>>
        %dma_wait3A_335 = arith.constant 0 : i32
        %dma_wait3A_336 = tpu.memref_slice %arg9[%sub3A_329, %dma_wait3A_335] : memref<40x64xi32, #tpu.memory_space<vmem>> -> memref<1x64xi32, #tpu.memory_space<vmem>>
        %dma_wait3A_337 = tpu.memref_squeeze %dma_wait3A_336 : memref<1x64xi32, #tpu.memory_space<vmem>> -> memref<64xi32, #tpu.memory_space<vmem>>
        %dma_wait3A_338 = arith.constant 0 : i32
        %dma_wait3A_339 = arith.constant 0 : i32
        %dma_wait3A_340 = tpu.memref_slice %arg7[%dma_wait3A_338, %dma_wait3A_339] : memref<10240x128xf32, #tpu.memory_space<vmem_shared>> -> memref<10240x128xf32, #tpu.memory_space<vmem_shared>>
        tpu.wait_indirect_dma semaphore(%arg17 : memref<!tpu.dma_semaphore, #tpu.memory_space<semaphore_mem>>) src(%dma_wait3A_334 : memref<64x128xf32, #tpu.memory_space<vmem>>) dst(%dma_wait3A_340 : memref<10240x128xf32, #tpu.memory_space<vmem_shared>>)
        %add3A_341 = arith.constant 2 : i32
        %add3A_342 = arith.addi %add3A_327, %add3A_341 : i32
        %dma_start3A_343 = arith.constant 2 : i32
        %dma_start3A_344 = arith.constant 0 : i32
        %dma_start3A_345 = arith.constant 0 : i32
        %dma_start3A_346 = tpu.memref_slice %arg10[%dma_start3A_343, %dma_start3A_344, %dma_start3A_345] : memref<4x64x128xf32, #tpu.memory_space<vmem>> -> memref<1x64x128xf32, #tpu.memory_space<vmem>>
        %dma_start3A_347 = tpu.memref_squeeze %dma_start3A_346 : memref<1x64x128xf32, #tpu.memory_space<vmem>> -> memref<64x128xf32, #tpu.memory_space<vmem>>
        %dma_start3A_348 = arith.constant 0 : i32
        %dma_start3A_349 = tpu.memref_slice %arg8[%add3A_342, %dma_start3A_348] : memref<40x64xi32, #tpu.memory_space<vmem>> -> memref<1x64xi32, #tpu.memory_space<vmem>>
        %dma_start3A_350 = tpu.memref_squeeze %dma_start3A_349 : memref<1x64xi32, #tpu.memory_space<vmem>> -> memref<64xi32, #tpu.memory_space<vmem>>
        %dma_start3A_351 = arith.constant 0 : i32
        %dma_start3A_352 = arith.constant 0 : i32
        %dma_start3A_353 = tpu.memref_slice %arg2[%dma_start3A_351, %dma_start3A_352] : memref<10240x128xf32, #tpu.memory_space<hbm>> -> memref<10240x128xf32, #tpu.memory_space<hbm>>
        tpu.enqueue_indirect_dma source(%dma_start3A_353 : memref<10240x128xf32, #tpu.memory_space<hbm>>) target(%dma_start3A_347 : memref<64x128xf32, #tpu.memory_space<vmem>>) offsets(%dma_start3A_350 : memref<64xi32, #tpu.memory_space<vmem>>) semaphore(%arg13 : memref<!tpu.dma_semaphore, #tpu.memory_space<semaphore_mem>>)
        %dma_wait3A_354 = arith.constant 0 : i32
        %dma_wait3A_355 = arith.constant 0 : i32
        %dma_wait3A_356 = arith.constant 0 : i32
        %dma_wait3A_357 = tpu.memref_slice %arg10[%dma_wait3A_354, %dma_wait3A_355, %dma_wait3A_356] : memref<4x64x128xf32, #tpu.memory_space<vmem>> -> memref<1x64x128xf32, #tpu.memory_space<vmem>>
        %dma_wait3A_358 = tpu.memref_squeeze %dma_wait3A_357 : memref<1x64x128xf32, #tpu.memory_space<vmem>> -> memref<64x128xf32, #tpu.memory_space<vmem>>
        %dma_wait3A_359 = arith.constant 0 : i32
        %dma_wait3A_360 = tpu.memref_slice %arg8[%add3A_327, %dma_wait3A_359] : memref<40x64xi32, #tpu.memory_space<vmem>> -> memref<1x64xi32, #tpu.memory_space<vmem>>
        %dma_wait3A_361 = tpu.memref_squeeze %dma_wait3A_360 : memref<1x64xi32, #tpu.memory_space<vmem>> -> memref<64xi32, #tpu.memory_space<vmem>>
        %dma_wait3A_362 = arith.constant 0 : i32
        %dma_wait3A_363 = arith.constant 0 : i32
        %dma_wait3A_364 = tpu.memref_slice %arg2[%dma_wait3A_362, %dma_wait3A_363] : memref<10240x128xf32, #tpu.memory_space<hbm>> -> memref<10240x128xf32, #tpu.memory_space<hbm>>
        tpu.wait_indirect_dma semaphore(%arg11 : memref<!tpu.dma_semaphore, #tpu.memory_space<semaphore_mem>>) src(%dma_wait3A_364 : memref<10240x128xf32, #tpu.memory_space<hbm>>) dst(%dma_wait3A_358 : memref<64x128xf32, #tpu.memory_space<vmem>>)
        %dma_start3A_365 = arith.constant 0 : i32
        %dma_start3A_366 = arith.constant 0 : i32
        %dma_start3A_367 = arith.constant 0 : i32
        %dma_start3A_368 = tpu.memref_slice %arg10[%dma_start3A_365, %dma_start3A_366, %dma_start3A_367] : memref<4x64x128xf32, #tpu.memory_space<vmem>> -> memref<1x64x128xf32, #tpu.memory_space<vmem>>
        %dma_start3A_369 = tpu.memref_squeeze %dma_start3A_368 : memref<1x64x128xf32, #tpu.memory_space<vmem>> -> memref<64x128xf32, #tpu.memory_space<vmem>>
        %dma_start3A_370 = arith.constant 0 : i32
        %dma_start3A_371 = tpu.memref_slice %arg9[%add3A_327, %dma_start3A_370] : memref<40x64xi32, #tpu.memory_space<vmem>> -> memref<1x64xi32, #tpu.memory_space<vmem>>
        %dma_start3A_372 = tpu.memref_squeeze %dma_start3A_371 : memref<1x64xi32, #tpu.memory_space<vmem>> -> memref<64xi32, #tpu.memory_space<vmem>>
        %dma_start3A_373 = arith.constant 0 : i32
        %dma_start3A_374 = arith.constant 0 : i32
        %dma_start3A_375 = tpu.memref_slice %arg7[%dma_start3A_373, %dma_start3A_374] : memref<10240x128xf32, #tpu.memory_space<vmem_shared>> -> memref<10240x128xf32, #tpu.memory_space<vmem_shared>>
        tpu.enqueue_indirect_dma source(%dma_start3A_369 : memref<64x128xf32, #tpu.memory_space<vmem>>) target(%dma_start3A_375 : memref<10240x128xf32, #tpu.memory_space<vmem_shared>>) offsets(%dma_start3A_372 : memref<64xi32, #tpu.memory_space<vmem>>) semaphore(%arg15 : memref<!tpu.dma_semaphore, #tpu.memory_space<semaphore_mem>>) {add = true}
        %mul3A_376 = arith.constant 4 : i32
        %mul3A_377 = arith.muli %mul3A_376, %scan3A_214 : i32
        %add3A_378 = arith.constant 2 : i32
        %add3A_379 = arith.addi %mul3A_377, %add3A_378 : i32
        %add3A_380 = arith.constant 3 : i32
        %add3A_381 = arith.addi %add3A_379, %add3A_380 : i32
        %sub3A_382 = arith.constant 2 : i32
        %sub3A_383 = arith.subi %add3A_381, %sub3A_382 : i32
        %dma_wait3A_384 = arith.constant 3 : i32
        %dma_wait3A_385 = arith.constant 0 : i32
        %dma_wait3A_386 = arith.constant 0 : i32
        %dma_wait3A_387 = tpu.memref_slice %arg10[%dma_wait3A_384, %dma_wait3A_385, %dma_wait3A_386] : memref<4x64x128xf32, #tpu.memory_space<vmem>> -> memref<1x64x128xf32, #tpu.memory_space<vmem>>
        %dma_wait3A_388 = tpu.memref_squeeze %dma_wait3A_387 : memref<1x64x128xf32, #tpu.memory_space<vmem>> -> memref<64x128xf32, #tpu.memory_space<vmem>>
        %dma_wait3A_389 = arith.constant 0 : i32
        %dma_wait3A_390 = tpu.memref_slice %arg9[%sub3A_383, %dma_wait3A_389] : memref<40x64xi32, #tpu.memory_space<vmem>> -> memref<1x64xi32, #tpu.memory_space<vmem>>
        %dma_wait3A_391 = tpu.memref_squeeze %dma_wait3A_390 : memref<1x64xi32, #tpu.memory_space<vmem>> -> memref<64xi32, #tpu.memory_space<vmem>>
        %dma_wait3A_392 = arith.constant 0 : i32
        %dma_wait3A_393 = arith.constant 0 : i32
        %dma_wait3A_394 = tpu.memref_slice %arg7[%dma_wait3A_392, %dma_wait3A_393] : memref<10240x128xf32, #tpu.memory_space<vmem_shared>> -> memref<10240x128xf32, #tpu.memory_space<vmem_shared>>
        tpu.wait_indirect_dma semaphore(%arg18 : memref<!tpu.dma_semaphore, #tpu.memory_space<semaphore_mem>>) src(%dma_wait3A_388 : memref<64x128xf32, #tpu.memory_space<vmem>>) dst(%dma_wait3A_394 : memref<10240x128xf32, #tpu.memory_space<vmem_shared>>)
        %add3A_395 = arith.constant 2 : i32
        %add3A_396 = arith.addi %add3A_381, %add3A_395 : i32
        %dma_start3A_397 = arith.constant 3 : i32
        %dma_start3A_398 = arith.constant 0 : i32
        %dma_start3A_399 = arith.constant 0 : i32
        %dma_start3A_400 = tpu.memref_slice %arg10[%dma_start3A_397, %dma_start3A_398, %dma_start3A_399] : memref<4x64x128xf32, #tpu.memory_space<vmem>> -> memref<1x64x128xf32, #tpu.memory_space<vmem>>
        %dma_start3A_401 = tpu.memref_squeeze %dma_start3A_400 : memref<1x64x128xf32, #tpu.memory_space<vmem>> -> memref<64x128xf32, #tpu.memory_space<vmem>>
        %dma_start3A_402 = arith.constant 0 : i32
        %dma_start3A_403 = tpu.memref_slice %arg8[%add3A_396, %dma_start3A_402] : memref<40x64xi32, #tpu.memory_space<vmem>> -> memref<1x64xi32, #tpu.memory_space<vmem>>
        %dma_start3A_404 = tpu.memref_squeeze %dma_start3A_403 : memref<1x64xi32, #tpu.memory_space<vmem>> -> memref<64xi32, #tpu.memory_space<vmem>>
        %dma_start3A_405 = arith.constant 0 : i32
        %dma_start3A_406 = arith.constant 0 : i32
        %dma_start3A_407 = tpu.memref_slice %arg2[%dma_start3A_405, %dma_start3A_406] : memref<10240x128xf32, #tpu.memory_space<hbm>> -> memref<10240x128xf32, #tpu.memory_space<hbm>>
        tpu.enqueue_indirect_dma source(%dma_start3A_407 : memref<10240x128xf32, #tpu.memory_space<hbm>>) target(%dma_start3A_401 : memref<64x128xf32, #tpu.memory_space<vmem>>) offsets(%dma_start3A_404 : memref<64xi32, #tpu.memory_space<vmem>>) semaphore(%arg14 : memref<!tpu.dma_semaphore, #tpu.memory_space<semaphore_mem>>)
        %dma_wait3A_408 = arith.constant 1 : i32
        %dma_wait3A_409 = arith.constant 0 : i32
        %dma_wait3A_410 = arith.constant 0 : i32
        %dma_wait3A_411 = tpu.memref_slice %arg10[%dma_wait3A_408, %dma_wait3A_409, %dma_wait3A_410] : memref<4x64x128xf32, #tpu.memory_space<vmem>> -> memref<1x64x128xf32, #tpu.memory_space<vmem>>
        %dma_wait3A_412 = tpu.memref_squeeze %dma_wait3A_411 : memref<1x64x128xf32, #tpu.memory_space<vmem>> -> memref<64x128xf32, #tpu.memory_space<vmem>>
        %dma_wait3A_413 = arith.constant 0 : i32
        %dma_wait3A_414 = tpu.memref_slice %arg8[%add3A_381, %dma_wait3A_413] : memref<40x64xi32, #tpu.memory_space<vmem>> -> memref<1x64xi32, #tpu.memory_space<vmem>>
        %dma_wait3A_415 = tpu.memref_squeeze %dma_wait3A_414 : memref<1x64xi32, #tpu.memory_space<vmem>> -> memref<64xi32, #tpu.memory_space<vmem>>
        %dma_wait3A_416 = arith.constant 0 : i32
        %dma_wait3A_417 = arith.constant 0 : i32
        %dma_wait3A_418 = tpu.memref_slice %arg2[%dma_wait3A_416, %dma_wait3A_417] : memref<10240x128xf32, #tpu.memory_space<hbm>> -> memref<10240x128xf32, #tpu.memory_space<hbm>>
        tpu.wait_indirect_dma semaphore(%arg12 : memref<!tpu.dma_semaphore, #tpu.memory_space<semaphore_mem>>) src(%dma_wait3A_418 : memref<10240x128xf32, #tpu.memory_space<hbm>>) dst(%dma_wait3A_412 : memref<64x128xf32, #tpu.memory_space<vmem>>)
        %dma_start3A_419 = arith.constant 1 : i32
        %dma_start3A_420 = arith.constant 0 : i32
        %dma_start3A_421 = arith.constant 0 : i32
        %dma_start3A_422 = tpu.memref_slice %arg10[%dma_start3A_419, %dma_start3A_420, %dma_start3A_421] : memref<4x64x128xf32, #tpu.memory_space<vmem>> -> memref<1x64x128xf32, #tpu.memory_space<vmem>>
        %dma_start3A_423 = tpu.memref_squeeze %dma_start3A_422 : memref<1x64x128xf32, #tpu.memory_space<vmem>> -> memref<64x128xf32, #tpu.memory_space<vmem>>
        %dma_start3A_424 = arith.constant 0 : i32
        %dma_start3A_425 = tpu.memref_slice %arg9[%add3A_381, %dma_start3A_424] : memref<40x64xi32, #tpu.memory_space<vmem>> -> memref<1x64xi32, #tpu.memory_space<vmem>>
        %dma_start3A_426 = tpu.memref_squeeze %dma_start3A_425 : memref<1x64xi32, #tpu.memory_space<vmem>> -> memref<64xi32, #tpu.memory_space<vmem>>
        %dma_start3A_427 = arith.constant 0 : i32
        %dma_start3A_428 = arith.constant 0 : i32
        %dma_start3A_429 = tpu.memref_slice %arg7[%dma_start3A_427, %dma_start3A_428] : memref<10240x128xf32, #tpu.memory_space<vmem_shared>> -> memref<10240x128xf32, #tpu.memory_space<vmem_shared>>
        tpu.enqueue_indirect_dma source(%dma_start3A_423 : memref<64x128xf32, #tpu.memory_space<vmem>>) target(%dma_start3A_429 : memref<10240x128xf32, #tpu.memory_space<vmem_shared>>) offsets(%dma_start3A_426 : memref<64xi32, #tpu.memory_space<vmem>>) semaphore(%arg16 : memref<!tpu.dma_semaphore, #tpu.memory_space<semaphore_mem>>) {add = true}
      }
      %scan3A_117 = arith.constant 9 : i32
      %dma_wait3A_118 = arith.constant 0 : i32
      %dma_wait3A_119 = arith.constant 36 : i32
      %dma_wait3A_120 = arith.constant 0 : i32
      %dma_wait3A_121 = arith.constant 0 : i32
      %dma_wait3A_122 = tpu.memref_slice %arg10[%dma_wait3A_118, %dma_wait3A_120, %dma_wait3A_121] : memref<4x64x128xf32, #tpu.memory_space<vmem>> -> memref<1x64x128xf32, #tpu.memory_space<vmem>>
      %dma_wait3A_123 = tpu.memref_squeeze %dma_wait3A_122 : memref<1x64x128xf32, #tpu.memory_space<vmem>> -> memref<64x128xf32, #tpu.memory_space<vmem>>
      %dma_wait3A_124 = arith.constant 0 : i32
      %dma_wait3A_125 = tpu.memref_slice %arg9[%dma_wait3A_119, %dma_wait3A_124] : memref<40x64xi32, #tpu.memory_space<vmem>> -> memref<1x64xi32, #tpu.memory_space<vmem>>
      %dma_wait3A_126 = tpu.memref_squeeze %dma_wait3A_125 : memref<1x64xi32, #tpu.memory_space<vmem>> -> memref<64xi32, #tpu.memory_space<vmem>>
      %dma_wait3A_127 = arith.constant 0 : i32
      %dma_wait3A_128 = arith.constant 0 : i32
      %dma_wait3A_129 = tpu.memref_slice %arg7[%dma_wait3A_127, %dma_wait3A_128] : memref<10240x128xf32, #tpu.memory_space<vmem_shared>> -> memref<10240x128xf32, #tpu.memory_space<vmem_shared>>
      tpu.wait_indirect_dma semaphore(%arg15 : memref<!tpu.dma_semaphore, #tpu.memory_space<semaphore_mem>>) src(%dma_wait3A_123 : memref<64x128xf32, #tpu.memory_space<vmem>>) dst(%dma_wait3A_129 : memref<10240x128xf32, #tpu.memory_space<vmem_shared>>)
      %dma_wait3A_130 = arith.constant 38 : i32
      %dma_wait3A_131 = arith.constant 2 : i32
      %dma_wait3A_132 = arith.constant 0 : i32
      %dma_wait3A_133 = arith.constant 0 : i32
      %dma_wait3A_134 = tpu.memref_slice %arg10[%dma_wait3A_131, %dma_wait3A_132, %dma_wait3A_133] : memref<4x64x128xf32, #tpu.memory_space<vmem>> -> memref<1x64x128xf32, #tpu.memory_space<vmem>>
      %dma_wait3A_135 = tpu.memref_squeeze %dma_wait3A_134 : memref<1x64x128xf32, #tpu.memory_space<vmem>> -> memref<64x128xf32, #tpu.memory_space<vmem>>
      %dma_wait3A_136 = arith.constant 0 : i32
      %dma_wait3A_137 = tpu.memref_slice %arg8[%dma_wait3A_130, %dma_wait3A_136] : memref<40x64xi32, #tpu.memory_space<vmem>> -> memref<1x64xi32, #tpu.memory_space<vmem>>
      %dma_wait3A_138 = tpu.memref_squeeze %dma_wait3A_137 : memref<1x64xi32, #tpu.memory_space<vmem>> -> memref<64xi32, #tpu.memory_space<vmem>>
      %dma_wait3A_139 = arith.constant 0 : i32
      %dma_wait3A_140 = arith.constant 0 : i32
      %dma_wait3A_141 = tpu.memref_slice %arg2[%dma_wait3A_139, %dma_wait3A_140] : memref<10240x128xf32, #tpu.memory_space<hbm>> -> memref<10240x128xf32, #tpu.memory_space<hbm>>
      tpu.wait_indirect_dma semaphore(%arg13 : memref<!tpu.dma_semaphore, #tpu.memory_space<semaphore_mem>>) src(%dma_wait3A_141 : memref<10240x128xf32, #tpu.memory_space<hbm>>) dst(%dma_wait3A_135 : memref<64x128xf32, #tpu.memory_space<vmem>>)
      %dma_start3A_142 = arith.constant 2 : i32
      %dma_start3A_143 = arith.constant 38 : i32
      %dma_start3A_144 = arith.constant 0 : i32
      %dma_start3A_145 = arith.constant 0 : i32
      %dma_start3A_146 = tpu.memref_slice %arg10[%dma_start3A_142, %dma_start3A_144, %dma_start3A_145] : memref<4x64x128xf32, #tpu.memory_space<vmem>> -> memref<1x64x128xf32, #tpu.memory_space<vmem>>
      %dma_start3A_147 = tpu.memref_squeeze %dma_start3A_146 : memref<1x64x128xf32, #tpu.memory_space<vmem>> -> memref<64x128xf32, #tpu.memory_space<vmem>>
      %dma_start3A_148 = arith.constant 0 : i32
      %dma_start3A_149 = tpu.memref_slice %arg9[%dma_start3A_143, %dma_start3A_148] : memref<40x64xi32, #tpu.memory_space<vmem>> -> memref<1x64xi32, #tpu.memory_space<vmem>>
      %dma_start3A_150 = tpu.memref_squeeze %dma_start3A_149 : memref<1x64xi32, #tpu.memory_space<vmem>> -> memref<64xi32, #tpu.memory_space<vmem>>
      %dma_start3A_151 = arith.constant 0 : i32
      %dma_start3A_152 = arith.constant 0 : i32
      %dma_start3A_153 = tpu.memref_slice %arg7[%dma_start3A_151, %dma_start3A_152] : memref<10240x128xf32, #tpu.memory_space<vmem_shared>> -> memref<10240x128xf32, #tpu.memory_space<vmem_shared>>
      tpu.enqueue_indirect_dma source(%dma_start3A_147 : memref<64x128xf32, #tpu.memory_space<vmem>>) target(%dma_start3A_153 : memref<10240x128xf32, #tpu.memory_space<vmem_shared>>) offsets(%dma_start3A_150 : memref<64xi32, #tpu.memory_space<vmem>>) semaphore(%arg17 : memref<!tpu.dma_semaphore, #tpu.memory_space<semaphore_mem>>) {add = true}
      %dma_wait3A_154 = arith.constant 1 : i32
      %dma_wait3A_155 = arith.constant 37 : i32
      %dma_wait3A_156 = arith.constant 0 : i32
      %dma_wait3A_157 = arith.constant 0 : i32
      %dma_wait3A_158 = tpu.memref_slice %arg10[%dma_wait3A_154, %dma_wait3A_156, %dma_wait3A_157] : memref<4x64x128xf32, #tpu.memory_space<vmem>> -> memref<1x64x128xf32, #tpu.memory_space<vmem>>
      %dma_wait3A_159 = tpu.memref_squeeze %dma_wait3A_158 : memref<1x64x128xf32, #tpu.memory_space<vmem>> -> memref<64x128xf32, #tpu.memory_space<vmem>>
      %dma_wait3A_160 = arith.constant 0 : i32
      %dma_wait3A_161 = tpu.memref_slice %arg9[%dma_wait3A_155, %dma_wait3A_160] : memref<40x64xi32, #tpu.memory_space<vmem>> -> memref<1x64xi32, #tpu.memory_space<vmem>>
      %dma_wait3A_162 = tpu.memref_squeeze %dma_wait3A_161 : memref<1x64xi32, #tpu.memory_space<vmem>> -> memref<64xi32, #tpu.memory_space<vmem>>
      %dma_wait3A_163 = arith.constant 0 : i32
      %dma_wait3A_164 = arith.constant 0 : i32
      %dma_wait3A_165 = tpu.memref_slice %arg7[%dma_wait3A_163, %dma_wait3A_164] : memref<10240x128xf32, #tpu.memory_space<vmem_shared>> -> memref<10240x128xf32, #tpu.memory_space<vmem_shared>>
      tpu.wait_indirect_dma semaphore(%arg16 : memref<!tpu.dma_semaphore, #tpu.memory_space<semaphore_mem>>) src(%dma_wait3A_159 : memref<64x128xf32, #tpu.memory_space<vmem>>) dst(%dma_wait3A_165 : memref<10240x128xf32, #tpu.memory_space<vmem_shared>>)
      %dma_wait3A_166 = arith.constant 39 : i32
      %dma_wait3A_167 = arith.constant 3 : i32
      %dma_wait3A_168 = arith.constant 0 : i32
      %dma_wait3A_169 = arith.constant 0 : i32
      %dma_wait3A_170 = tpu.memref_slice %arg10[%dma_wait3A_167, %dma_wait3A_168, %dma_wait3A_169] : memref<4x64x128xf32, #tpu.memory_space<vmem>> -> memref<1x64x128xf32, #tpu.memory_space<vmem>>
      %dma_wait3A_171 = tpu.memref_squeeze %dma_wait3A_170 : memref<1x64x128xf32, #tpu.memory_space<vmem>> -> memref<64x128xf32, #tpu.memory_space<vmem>>
      %dma_wait3A_172 = arith.constant 0 : i32
      %dma_wait3A_173 = tpu.memref_slice %arg8[%dma_wait3A_166, %dma_wait3A_172] : memref<40x64xi32, #tpu.memory_space<vmem>> -> memref<1x64xi32, #tpu.memory_space<vmem>>
      %dma_wait3A_174 = tpu.memref_squeeze %dma_wait3A_173 : memref<1x64xi32, #tpu.memory_space<vmem>> -> memref<64xi32, #tpu.memory_space<vmem>>
      %dma_wait3A_175 = arith.constant 0 : i32
      %dma_wait3A_176 = arith.constant 0 : i32
      %dma_wait3A_177 = tpu.memref_slice %arg2[%dma_wait3A_175, %dma_wait3A_176] : memref<10240x128xf32, #tpu.memory_space<hbm>> -> memref<10240x128xf32, #tpu.memory_space<hbm>>
      tpu.wait_indirect_dma semaphore(%arg14 : memref<!tpu.dma_semaphore, #tpu.memory_space<semaphore_mem>>) src(%dma_wait3A_177 : memref<10240x128xf32, #tpu.memory_space<hbm>>) dst(%dma_wait3A_171 : memref<64x128xf32, #tpu.memory_space<vmem>>)
      %dma_start3A_178 = arith.constant 3 : i32
      %dma_start3A_179 = arith.constant 39 : i32
      %dma_start3A_180 = arith.constant 0 : i32
      %dma_start3A_181 = arith.constant 0 : i32
      %dma_start3A_182 = tpu.memref_slice %arg10[%dma_start3A_178, %dma_start3A_180, %dma_start3A_181] : memref<4x64x128xf32, #tpu.memory_space<vmem>> -> memref<1x64x128xf32, #tpu.memory_space<vmem>>
      %dma_start3A_183 = tpu.memref_squeeze %dma_start3A_182 : memref<1x64x128xf32, #tpu.memory_space<vmem>> -> memref<64x128xf32, #tpu.memory_space<vmem>>
      %dma_start3A_184 = arith.constant 0 : i32
      %dma_start3A_185 = tpu.memref_slice %arg9[%dma_start3A_179, %dma_start3A_184] : memref<40x64xi32, #tpu.memory_space<vmem>> -> memref<1x64xi32, #tpu.memory_space<vmem>>
      %dma_start3A_186 = tpu.memref_squeeze %dma_start3A_185 : memref<1x64xi32, #tpu.memory_space<vmem>> -> memref<64xi32, #tpu.memory_space<vmem>>
      %dma_start3A_187 = arith.constant 0 : i32
      %dma_start3A_188 = arith.constant 0 : i32
      %dma_start3A_189 = tpu.memref_slice %arg7[%dma_start3A_187, %dma_start3A_188] : memref<10240x128xf32, #tpu.memory_space<vmem_shared>> -> memref<10240x128xf32, #tpu.memory_space<vmem_shared>>
      tpu.enqueue_indirect_dma source(%dma_start3A_183 : memref<64x128xf32, #tpu.memory_space<vmem>>) target(%dma_start3A_189 : memref<10240x128xf32, #tpu.memory_space<vmem_shared>>) offsets(%dma_start3A_186 : memref<64xi32, #tpu.memory_space<vmem>>) semaphore(%arg18 : memref<!tpu.dma_semaphore, #tpu.memory_space<semaphore_mem>>) {add = true}
      %dma_wait3A_190 = arith.constant 2 : i32
      %dma_wait3A_191 = arith.constant 38 : i32
      %dma_wait3A_192 = arith.constant 0 : i32
      %dma_wait3A_193 = arith.constant 0 : i32
      %dma_wait3A_194 = tpu.memref_slice %arg10[%dma_wait3A_190, %dma_wait3A_192, %dma_wait3A_193] : memref<4x64x128xf32, #tpu.memory_space<vmem>> -> memref<1x64x128xf32, #tpu.memory_space<vmem>>
      %dma_wait3A_195 = tpu.memref_squeeze %dma_wait3A_194 : memref<1x64x128xf32, #tpu.memory_space<vmem>> -> memref<64x128xf32, #tpu.memory_space<vmem>>
      %dma_wait3A_196 = arith.constant 0 : i32
      %dma_wait3A_197 = tpu.memref_slice %arg9[%dma_wait3A_191, %dma_wait3A_196] : memref<40x64xi32, #tpu.memory_space<vmem>> -> memref<1x64xi32, #tpu.memory_space<vmem>>
      %dma_wait3A_198 = tpu.memref_squeeze %dma_wait3A_197 : memref<1x64xi32, #tpu.memory_space<vmem>> -> memref<64xi32, #tpu.memory_space<vmem>>
      %dma_wait3A_199 = arith.constant 0 : i32
      %dma_wait3A_200 = arith.constant 0 : i32
      %dma_wait3A_201 = tpu.memref_slice %arg7[%dma_wait3A_199, %dma_wait3A_200] : memref<10240x128xf32, #tpu.memory_space<vmem_shared>> -> memref<10240x128xf32, #tpu.memory_space<vmem_shared>>
      tpu.wait_indirect_dma semaphore(%arg17 : memref<!tpu.dma_semaphore, #tpu.memory_space<semaphore_mem>>) src(%dma_wait3A_195 : memref<64x128xf32, #tpu.memory_space<vmem>>) dst(%dma_wait3A_201 : memref<10240x128xf32, #tpu.memory_space<vmem_shared>>)
      %dma_wait3A_202 = arith.constant 3 : i32
      %dma_wait3A_203 = arith.constant 39 : i32
      %dma_wait3A_204 = arith.constant 0 : i32
      %dma_wait3A_205 = arith.constant 0 : i32
      %dma_wait3A_206 = tpu.memref_slice %arg10[%dma_wait3A_202, %dma_wait3A_204, %dma_wait3A_205] : memref<4x64x128xf32, #tpu.memory_space<vmem>> -> memref<1x64x128xf32, #tpu.memory_space<vmem>>
      %dma_wait3A_207 = tpu.memref_squeeze %dma_wait3A_206 : memref<1x64x128xf32, #tpu.memory_space<vmem>> -> memref<64x128xf32, #tpu.memory_space<vmem>>
      %dma_wait3A_208 = arith.constant 0 : i32
      %dma_wait3A_209 = tpu.memref_slice %arg9[%dma_wait3A_203, %dma_wait3A_208] : memref<40x64xi32, #tpu.memory_space<vmem>> -> memref<1x64xi32, #tpu.memory_space<vmem>>
      %dma_wait3A_210 = tpu.memref_squeeze %dma_wait3A_209 : memref<1x64xi32, #tpu.memory_space<vmem>> -> memref<64xi32, #tpu.memory_space<vmem>>
      %dma_wait3A_211 = arith.constant 0 : i32
      %dma_wait3A_212 = arith.constant 0 : i32
      %dma_wait3A_213 = tpu.memref_slice %arg7[%dma_wait3A_211, %dma_wait3A_212] : memref<10240x128xf32, #tpu.memory_space<vmem_shared>> -> memref<10240x128xf32, #tpu.memory_space<vmem_shared>>
      tpu.wait_indirect_dma semaphore(%arg18 : memref<!tpu.dma_semaphore, #tpu.memory_space<semaphore_mem>>) src(%dma_wait3A_207 : memref<64x128xf32, #tpu.memory_space<vmem>>) dst(%dma_wait3A_213 : memref<10240x128xf32, #tpu.memory_space<vmem_shared>>)
    }
    %scan3A_7 = arith.constant 4 : i32
    %barrier3A_8 = arith.constant 0 : index
    tpu.barrier barrier_id(%barrier3A_8)
    %mul3A_9 = arith.constant 640 : i32
    %mul3A_10 = arith.muli %arg1, %mul3A_9 : i32
    %mul3A_11 = arith.constant 640 : i32
    %mul3A_12 = arith.muli %arg1, %mul3A_11 : i32
    "tpu.region"() ({
      %run_scoped3A = tpu.sem_alloc : memref<!tpu.dma_semaphore, #tpu.memory_space<semaphore_mem>>
      %dma_start3A = arith.constant 0 : i32
      %dma_start3A_13 = arith.constant 0 : i32
      %dma_start3A_14 = tpu.memref_slice %arg6[%arg0, %dma_start3A, %dma_start3A_13] : memref<2x10240x128xf32, #tpu.memory_space<hbm>> -> memref<1x10240x128xf32, #tpu.memory_space<hbm>>
      %dma_start3A_15 = tpu.memref_squeeze %dma_start3A_14 : memref<1x10240x128xf32, #tpu.memory_space<hbm>> -> memref<10240x128xf32, #tpu.memory_space<hbm>>
      %dma_start3A_16 = arith.constant 0 : i32
      %dma_start3A_17 = tpu.memref_slice %dma_start3A_15[%mul3A_12, %dma_start3A_16] : memref<10240x128xf32, #tpu.memory_space<hbm>> -> memref<640x128xf32, #tpu.memory_space<hbm>>
      %dma_start3A_18 = arith.constant 0 : i32
      %dma_start3A_19 = tpu.memref_slice %arg7[%mul3A_10, %dma_start3A_18] : memref<10240x128xf32, #tpu.memory_space<vmem_shared>> -> memref<640x128xf32, #tpu.memory_space<vmem_shared>>
      tpu.enqueue_dma source(%dma_start3A_19 : memref<640x128xf32, #tpu.memory_space<vmem_shared>>) target(%dma_start3A_17 : memref<640x128xf32, #tpu.memory_space<hbm>>) target_semaphore(%run_scoped3A : memref<!tpu.dma_semaphore, #tpu.memory_space<semaphore_mem>>)
      %dma_wait3A = arith.constant 0 : i32
      %dma_wait3A_20 = arith.constant 0 : i32
      %dma_wait3A_21 = tpu.memref_slice %arg6[%arg0, %dma_wait3A, %dma_wait3A_20] : memref<2x10240x128xf32, #tpu.memory_space<hbm>> -> memref<1x10240x128xf32, #tpu.memory_space<hbm>>
      %dma_wait3A_22 = tpu.memref_squeeze %dma_wait3A_21 : memref<1x10240x128xf32, #tpu.memory_space<hbm>> -> memref<10240x128xf32, #tpu.memory_space<hbm>>
      %dma_wait3A_23 = arith.constant 0 : i32
      %dma_wait3A_24 = tpu.memref_slice %dma_wait3A_22[%mul3A_12, %dma_wait3A_23] : memref<10240x128xf32, #tpu.memory_space<hbm>> -> memref<640x128xf32, #tpu.memory_space<hbm>>
      %dma_wait3A_25 = arith.constant 0 : i32
      %dma_wait3A_26 = tpu.memref_slice %arg7[%mul3A_10, %dma_wait3A_25] : memref<10240x128xf32, #tpu.memory_space<vmem_shared>> -> memref<640x128xf32, #tpu.memory_space<vmem_shared>>
      tpu.wait_dma2 semaphore(%run_scoped3A : memref<!tpu.dma_semaphore, #tpu.memory_space<semaphore_mem>>) src(%dma_wait3A_26 : memref<640x128xf32, #tpu.memory_space<vmem_shared>>) dst(%dma_wait3A_24 : memref<640x128xf32, #tpu.memory_space<hbm>>)
      tpu.yield
    }) : () -> ()
    return
  }
}

#map = affine_map<(d0, d1) -> (0, 0)>
#map1 = affine_map<(d0, d1) -> (0, 0, 0)>
module attributes {stable_mosaic.version = 14 : i64} {
  func.func @body(%arg0: i32, %arg1: i32, %arg2: memref<10240x128xf32, #tpu.memory_space<hbm>>, %arg3: memref<32x160x64xi32, #tpu.memory_space<hbm>>, %arg4: memref<32x160x64xi32, #tpu.memory_space<hbm>>, %arg5: memref<640x128xf32, #tpu.memory_space<hbm>>, %arg6: memref<64x128xf32, #tpu.memory_space<hbm>>, %arg7: memref<2x10240x128xf32, #tpu.memory_space<hbm>>, %arg8: memref<2x10240x128xf32, #tpu.memory_space<hbm>>, %arg9: memref<10240x128xf32, #tpu.memory_space<vmem_shared>>, %arg10: memref<40x64xi32, #tpu.memory_space<vmem>>, %arg11: memref<40x64xi32, #tpu.memory_space<vmem>>, %arg12: memref<4x64x128xf32, #tpu.memory_space<vmem>>, %arg13: memref<!tpu.dma_semaphore, #tpu.memory_space<semaphore_mem>>, %arg14: memref<!tpu.dma_semaphore, #tpu.memory_space<semaphore_mem>>, %arg15: memref<!tpu.dma_semaphore, #tpu.memory_space<semaphore_mem>>, %arg16: memref<!tpu.dma_semaphore, #tpu.memory_space<semaphore_mem>>, %arg17: memref<!tpu.dma_semaphore, #tpu.memory_space<semaphore_mem>>, %arg18: memref<!tpu.dma_semaphore, #tpu.memory_space<semaphore_mem>>, %arg19: memref<!tpu.dma_semaphore, #tpu.memory_space<semaphore_mem>>, %arg20: memref<!tpu.dma_semaphore, #tpu.memory_space<semaphore_mem>>) attributes {dimension_semantics = [#tpu.dimension_semantics<core_parallel>, #tpu.dimension_semantics<subcore_parallel>], iteration_bounds = array<i64: 2, 16>, scalar_prefetch = 0 : i64, scratch_operands = 12 : i64, tpu.core_type = #tpu.core_type<sc_vector_subcore>, window_params = [{transform_indices = #map}, {transform_indices = #map1}, {transform_indices = #map1}, {transform_indices = #map}, {transform_indices = #map}, {transform_indices = #map1}, {transform_indices = #map1}]} {
    %mul3A = arith.constant 16 : i32
    %mul3A_0 = arith.muli %arg0, %mul3A : i32
    %add3A = arith.addi %mul3A_0, %arg1 : i32
    %mul3A_1 = arith.constant 640 : i32
    %mul3A_2 = arith.muli %arg1, %mul3A_1 : i32
    "tpu.region"() ({
      %run_scoped3A_28 = tpu.sem_alloc : memref<!tpu.dma_semaphore, #tpu.memory_space<semaphore_mem>>
      %dma_start3A = arith.constant 0 : i32
      %dma_start3A_29 = tpu.memref_slice %arg9[%mul3A_2, %dma_start3A] : memref<10240x128xf32, #tpu.memory_space<vmem_shared>> -> memref<640x128xf32, #tpu.memory_space<vmem_shared>>
      tpu.enqueue_dma source(%arg5 : memref<640x128xf32, #tpu.memory_space<hbm>>) target(%dma_start3A_29 : memref<640x128xf32, #tpu.memory_space<vmem_shared>>) target_semaphore(%run_scoped3A_28 : memref<!tpu.dma_semaphore, #tpu.memory_space<semaphore_mem>>)
      %dma_wait3A = arith.constant 0 : i32
      %dma_wait3A_30 = tpu.memref_slice %arg9[%mul3A_2, %dma_wait3A] : memref<10240x128xf32, #tpu.memory_space<vmem_shared>> -> memref<640x128xf32, #tpu.memory_space<vmem_shared>>
      tpu.wait_dma2 semaphore(%run_scoped3A_28 : memref<!tpu.dma_semaphore, #tpu.memory_space<semaphore_mem>>) src(%arg5 : memref<640x128xf32, #tpu.memory_space<hbm>>) dst(%dma_wait3A_30 : memref<640x128xf32, #tpu.memory_space<vmem_shared>>)
      tpu.yield
    }) : () -> ()
    %run_scoped3A = arith.constant 0 : i32
    "tpu.region"() ({
      %run_scoped3A_28 = tpu.sem_alloc : memref<!tpu.dma_semaphore, #tpu.memory_space<semaphore_mem>>
      %dma_start3A = arith.constant 0 : i32
      %dma_start3A_29 = arith.constant 0 : i32
      %dma_start3A_30 = tpu.memref_slice %arg12[%run_scoped3A, %dma_start3A, %dma_start3A_29] : memref<4x64x128xf32, #tpu.memory_space<vmem>> -> memref<1x64x128xf32, #tpu.memory_space<vmem>>
      %dma_start3A_31 = tpu.memref_squeeze %dma_start3A_30 : memref<1x64x128xf32, #tpu.memory_space<vmem>> -> memref<64x128xf32, #tpu.memory_space<vmem>>
      %dma_start3A_32 = arith.constant 0 : i32
      %dma_start3A_33 = arith.constant 0 : i32
      %dma_start3A_34 = tpu.memref_slice %arg12[%run_scoped3A, %dma_start3A_32, %dma_start3A_33] : memref<4x64x128xf32, #tpu.memory_space<vmem>> -> memref<1x64x128xf32, #tpu.memory_space<vmem>>
      %dma_start3A_35 = tpu.memref_squeeze %dma_start3A_34 : memref<1x64x128xf32, #tpu.memory_space<vmem>> -> memref<64x128xf32, #tpu.memory_space<vmem>>
      tpu.enqueue_dma source(%arg6 : memref<64x128xf32, #tpu.memory_space<hbm>>) target(%dma_start3A_35 : memref<64x128xf32, #tpu.memory_space<vmem>>) target_semaphore(%run_scoped3A_28 : memref<!tpu.dma_semaphore, #tpu.memory_space<semaphore_mem>>)
      %dma_wait3A = arith.constant 0 : i32
      %dma_wait3A_36 = arith.constant 0 : i32
      %dma_wait3A_37 = tpu.memref_slice %arg12[%run_scoped3A, %dma_wait3A, %dma_wait3A_36] : memref<4x64x128xf32, #tpu.memory_space<vmem>> -> memref<1x64x128xf32, #tpu.memory_space<vmem>>
      %dma_wait3A_38 = tpu.memref_squeeze %dma_wait3A_37 : memref<1x64x128xf32, #tpu.memory_space<vmem>> -> memref<64x128xf32, #tpu.memory_space<vmem>>
      %dma_wait3A_39 = arith.constant 0 : i32
      %dma_wait3A_40 = arith.constant 0 : i32
      %dma_wait3A_41 = tpu.memref_slice %arg12[%run_scoped3A, %dma_wait3A_39, %dma_wait3A_40] : memref<4x64x128xf32, #tpu.memory_space<vmem>> -> memref<1x64x128xf32, #tpu.memory_space<vmem>>
      %dma_wait3A_42 = tpu.memref_squeeze %dma_wait3A_41 : memref<1x64x128xf32, #tpu.memory_space<vmem>> -> memref<64x128xf32, #tpu.memory_space<vmem>>
      tpu.wait_dma2 semaphore(%run_scoped3A_28 : memref<!tpu.dma_semaphore, #tpu.memory_space<semaphore_mem>>) src(%arg6 : memref<64x128xf32, #tpu.memory_space<hbm>>) dst(%dma_wait3A_42 : memref<64x128xf32, #tpu.memory_space<vmem>>)
      tpu.yield
    }) : () -> ()
    %barrier3A = arith.constant 0 : index
    tpu.barrier barrier_id(%barrier3A)
    %scan3A = arith.constant 0 : i32
    %scan3A_3 = arith.constant 0 : i32
    %scan3A_4 = arith.constant 0 : i32
    %scan3A_5 = arith.constant 4 : i32
    %scan3A_6 = arith.addi %scan3A_4, %scan3A_5 : i32
    %scan3A_7 = arith.constant 1 : i32
    scf.for %scan3A_28 = %scan3A_4 to %scan3A_6 step %scan3A_7  : i32 {
      %mul3A_29 = arith.constant 40 : i32
      %mul3A_30 = arith.muli %scan3A_28, %mul3A_29 : i32
      "tpu.region"() ({
        %run_scoped3A_79 = tpu.sem_alloc : memref<!tpu.dma_semaphore, #tpu.memory_space<semaphore_mem>>
        %dma_start3A_80 = arith.constant 0 : i32
        %dma_start3A_81 = arith.constant 0 : i32
        %dma_start3A_82 = tpu.memref_slice %arg4[%add3A, %dma_start3A_80, %dma_start3A_81] : memref<32x160x64xi32, #tpu.memory_space<hbm>> -> memref<1x160x64xi32, #tpu.memory_space<hbm>>
        %dma_start3A_83 = tpu.memref_squeeze %dma_start3A_82 : memref<1x160x64xi32, #tpu.memory_space<hbm>> -> memref<160x64xi32, #tpu.memory_space<hbm>>
        %dma_start3A_84 = arith.constant 0 : i32
        %dma_start3A_85 = tpu.memref_slice %dma_start3A_83[%mul3A_30, %dma_start3A_84] : memref<160x64xi32, #tpu.memory_space<hbm>> -> memref<40x64xi32, #tpu.memory_space<hbm>>
        %dma_start3A_86 = arith.constant 0 : i32
        %dma_start3A_87 = arith.constant 0 : i32
        %dma_start3A_88 = tpu.memref_slice %arg4[%add3A, %dma_start3A_86, %dma_start3A_87] : memref<32x160x64xi32, #tpu.memory_space<hbm>> -> memref<1x160x64xi32, #tpu.memory_space<hbm>>
        %dma_start3A_89 = tpu.memref_squeeze %dma_start3A_88 : memref<1x160x64xi32, #tpu.memory_space<hbm>> -> memref<160x64xi32, #tpu.memory_space<hbm>>
        %dma_start3A_90 = arith.constant 0 : i32
        %dma_start3A_91 = tpu.memref_slice %dma_start3A_89[%mul3A_30, %dma_start3A_90] : memref<160x64xi32, #tpu.memory_space<hbm>> -> memref<40x64xi32, #tpu.memory_space<hbm>>
        tpu.enqueue_dma source(%dma_start3A_91 : memref<40x64xi32, #tpu.memory_space<hbm>>) target(%arg11 : memref<40x64xi32, #tpu.memory_space<vmem>>) target_semaphore(%run_scoped3A_79 : memref<!tpu.dma_semaphore, #tpu.memory_space<semaphore_mem>>)
        %dma_wait3A_92 = arith.constant 0 : i32
        %dma_wait3A_93 = arith.constant 0 : i32
        %dma_wait3A_94 = tpu.memref_slice %arg4[%add3A, %dma_wait3A_92, %dma_wait3A_93] : memref<32x160x64xi32, #tpu.memory_space<hbm>> -> memref<1x160x64xi32, #tpu.memory_space<hbm>>
        %dma_wait3A_95 = tpu.memref_squeeze %dma_wait3A_94 : memref<1x160x64xi32, #tpu.memory_space<hbm>> -> memref<160x64xi32, #tpu.memory_space<hbm>>
        %dma_wait3A_96 = arith.constant 0 : i32
        %dma_wait3A_97 = tpu.memref_slice %dma_wait3A_95[%mul3A_30, %dma_wait3A_96] : memref<160x64xi32, #tpu.memory_space<hbm>> -> memref<40x64xi32, #tpu.memory_space<hbm>>
        %dma_wait3A_98 = arith.constant 0 : i32
        %dma_wait3A_99 = arith.constant 0 : i32
        %dma_wait3A_100 = tpu.memref_slice %arg4[%add3A, %dma_wait3A_98, %dma_wait3A_99] : memref<32x160x64xi32, #tpu.memory_space<hbm>> -> memref<1x160x64xi32, #tpu.memory_space<hbm>>
        %dma_wait3A_101 = tpu.memref_squeeze %dma_wait3A_100 : memref<1x160x64xi32, #tpu.memory_space<hbm>> -> memref<160x64xi32, #tpu.memory_space<hbm>>
        %dma_wait3A_102 = arith.constant 0 : i32
        %dma_wait3A_103 = tpu.memref_slice %dma_wait3A_101[%mul3A_30, %dma_wait3A_102] : memref<160x64xi32, #tpu.memory_space<hbm>> -> memref<40x64xi32, #tpu.memory_space<hbm>>
        tpu.wait_dma2 semaphore(%run_scoped3A_79 : memref<!tpu.dma_semaphore, #tpu.memory_space<semaphore_mem>>) src(%dma_wait3A_103 : memref<40x64xi32, #tpu.memory_space<hbm>>) dst(%arg11 : memref<40x64xi32, #tpu.memory_space<vmem>>)
        tpu.yield
      }) : () -> ()
      %dma_start3A = arith.constant 0 : i32
      %dma_start3A_31 = arith.constant 0 : i32
      %dma_start3A_32 = arith.constant 0 : i32
      %dma_start3A_33 = tpu.memref_slice %arg12[%scan3A_3, %dma_start3A_31, %dma_start3A_32] : memref<4x64x128xf32, #tpu.memory_space<vmem>> -> memref<1x64x128xf32, #tpu.memory_space<vmem>>
      %dma_start3A_34 = tpu.memref_squeeze %dma_start3A_33 : memref<1x64x128xf32, #tpu.memory_space<vmem>> -> memref<64x128xf32, #tpu.memory_space<vmem>>
      %dma_start3A_35 = arith.constant 0 : i32
      %dma_start3A_36 = tpu.memref_slice %arg11[%dma_start3A, %dma_start3A_35] : memref<40x64xi32, #tpu.memory_space<vmem>> -> memref<1x64xi32, #tpu.memory_space<vmem>>
      %dma_start3A_37 = tpu.memref_squeeze %dma_start3A_36 : memref<1x64xi32, #tpu.memory_space<vmem>> -> memref<64xi32, #tpu.memory_space<vmem>>
      %dma_start3A_38 = arith.constant 0 : i32
      %dma_start3A_39 = arith.constant 0 : i32
      %dma_start3A_40 = tpu.memref_slice %arg9[%dma_start3A_38, %dma_start3A_39] : memref<10240x128xf32, #tpu.memory_space<vmem_shared>> -> memref<10240x128xf32, #tpu.memory_space<vmem_shared>>
      tpu.enqueue_indirect_dma source(%dma_start3A_34 : memref<64x128xf32, #tpu.memory_space<vmem>>) target(%dma_start3A_40 : memref<10240x128xf32, #tpu.memory_space<vmem_shared>>) offsets(%dma_start3A_37 : memref<64xi32, #tpu.memory_space<vmem>>) semaphore(%arg13 : memref<!tpu.dma_semaphore, #tpu.memory_space<semaphore_mem>>) {add = true}
      %dma_start3A_41 = arith.constant 1 : i32
      %dma_start3A_42 = arith.constant 0 : i32
      %dma_start3A_43 = arith.constant 0 : i32
      %dma_start3A_44 = tpu.memref_slice %arg12[%scan3A_3, %dma_start3A_42, %dma_start3A_43] : memref<4x64x128xf32, #tpu.memory_space<vmem>> -> memref<1x64x128xf32, #tpu.memory_space<vmem>>
      %dma_start3A_45 = tpu.memref_squeeze %dma_start3A_44 : memref<1x64x128xf32, #tpu.memory_space<vmem>> -> memref<64x128xf32, #tpu.memory_space<vmem>>
      %dma_start3A_46 = arith.constant 0 : i32
      %dma_start3A_47 = tpu.memref_slice %arg11[%dma_start3A_41, %dma_start3A_46] : memref<40x64xi32, #tpu.memory_space<vmem>> -> memref<1x64xi32, #tpu.memory_space<vmem>>
      %dma_start3A_48 = tpu.memref_squeeze %dma_start3A_47 : memref<1x64xi32, #tpu.memory_space<vmem>> -> memref<64xi32, #tpu.memory_space<vmem>>
      %dma_start3A_49 = arith.constant 0 : i32
      %dma_start3A_50 = arith.constant 0 : i32
      %dma_start3A_51 = tpu.memref_slice %arg9[%dma_start3A_49, %dma_start3A_50] : memref<10240x128xf32, #tpu.memory_space<vmem_shared>> -> memref<10240x128xf32, #tpu.memory_space<vmem_shared>>
      tpu.enqueue_indirect_dma source(%dma_start3A_45 : memref<64x128xf32, #tpu.memory_space<vmem>>) target(%dma_start3A_51 : memref<10240x128xf32, #tpu.memory_space<vmem_shared>>) offsets(%dma_start3A_48 : memref<64xi32, #tpu.memory_space<vmem>>) semaphore(%arg14 : memref<!tpu.dma_semaphore, #tpu.memory_space<semaphore_mem>>) {add = true}
      %scan3A_52 = arith.constant 0 : i32
      %scan3A_53 = arith.constant 0 : i32
      %scan3A_54 = arith.constant 19 : i32
      %scan3A_55 = arith.addi %scan3A_53, %scan3A_54 : i32
      %scan3A_56 = arith.constant 1 : i32
      scf.for %scan3A_79 = %scan3A_53 to %scan3A_55 step %scan3A_56  : i32 {
        %mul3A_80 = arith.constant 2 : i32
        %mul3A_81 = arith.muli %mul3A_80, %scan3A_79 : i32
        %dma_wait3A_82 = arith.constant 0 : i32
        %dma_wait3A_83 = arith.constant 0 : i32
        %dma_wait3A_84 = tpu.memref_slice %arg12[%scan3A_3, %dma_wait3A_82, %dma_wait3A_83] : memref<4x64x128xf32, #tpu.memory_space<vmem>> -> memref<1x64x128xf32, #tpu.memory_space<vmem>>
        %dma_wait3A_85 = tpu.memref_squeeze %dma_wait3A_84 : memref<1x64x128xf32, #tpu.memory_space<vmem>> -> memref<64x128xf32, #tpu.memory_space<vmem>>
        %dma_wait3A_86 = arith.constant 0 : i32
        %dma_wait3A_87 = tpu.memref_slice %arg11[%mul3A_81, %dma_wait3A_86] : memref<40x64xi32, #tpu.memory_space<vmem>> -> memref<1x64xi32, #tpu.memory_space<vmem>>
        %dma_wait3A_88 = tpu.memref_squeeze %dma_wait3A_87 : memref<1x64xi32, #tpu.memory_space<vmem>> -> memref<64xi32, #tpu.memory_space<vmem>>
        %dma_wait3A_89 = arith.constant 0 : i32
        %dma_wait3A_90 = arith.constant 0 : i32
        %dma_wait3A_91 = tpu.memref_slice %arg9[%dma_wait3A_89, %dma_wait3A_90] : memref<10240x128xf32, #tpu.memory_space<vmem_shared>> -> memref<10240x128xf32, #tpu.memory_space<vmem_shared>>
        tpu.wait_indirect_dma semaphore(%arg13 : memref<!tpu.dma_semaphore, #tpu.memory_space<semaphore_mem>>) src(%dma_wait3A_85 : memref<64x128xf32, #tpu.memory_space<vmem>>) dst(%dma_wait3A_91 : memref<10240x128xf32, #tpu.memory_space<vmem_shared>>)
        %add3A_92 = arith.constant 2 : i32
        %add3A_93 = arith.addi %mul3A_81, %add3A_92 : i32
        %dma_start3A_94 = arith.constant 0 : i32
        %dma_start3A_95 = arith.constant 0 : i32
        %dma_start3A_96 = tpu.memref_slice %arg12[%scan3A_3, %dma_start3A_94, %dma_start3A_95] : memref<4x64x128xf32, #tpu.memory_space<vmem>> -> memref<1x64x128xf32, #tpu.memory_space<vmem>>
        %dma_start3A_97 = tpu.memref_squeeze %dma_start3A_96 : memref<1x64x128xf32, #tpu.memory_space<vmem>> -> memref<64x128xf32, #tpu.memory_space<vmem>>
        %dma_start3A_98 = arith.constant 0 : i32
        %dma_start3A_99 = tpu.memref_slice %arg11[%add3A_93, %dma_start3A_98] : memref<40x64xi32, #tpu.memory_space<vmem>> -> memref<1x64xi32, #tpu.memory_space<vmem>>
        %dma_start3A_100 = tpu.memref_squeeze %dma_start3A_99 : memref<1x64xi32, #tpu.memory_space<vmem>> -> memref<64xi32, #tpu.memory_space<vmem>>
        %dma_start3A_101 = arith.constant 0 : i32
        %dma_start3A_102 = arith.constant 0 : i32
        %dma_start3A_103 = tpu.memref_slice %arg9[%dma_start3A_101, %dma_start3A_102] : memref<10240x128xf32, #tpu.memory_space<vmem_shared>> -> memref<10240x128xf32, #tpu.memory_space<vmem_shared>>
        tpu.enqueue_indirect_dma source(%dma_start3A_97 : memref<64x128xf32, #tpu.memory_space<vmem>>) target(%dma_start3A_103 : memref<10240x128xf32, #tpu.memory_space<vmem_shared>>) offsets(%dma_start3A_100 : memref<64xi32, #tpu.memory_space<vmem>>) semaphore(%arg13 : memref<!tpu.dma_semaphore, #tpu.memory_space<semaphore_mem>>) {add = true}
        %add3A_104 = arith.constant 1 : i32
        %add3A_105 = arith.addi %mul3A_81, %add3A_104 : i32
        %dma_wait3A_106 = arith.constant 0 : i32
        %dma_wait3A_107 = arith.constant 0 : i32
        %dma_wait3A_108 = tpu.memref_slice %arg12[%scan3A_3, %dma_wait3A_106, %dma_wait3A_107] : memref<4x64x128xf32, #tpu.memory_space<vmem>> -> memref<1x64x128xf32, #tpu.memory_space<vmem>>
        %dma_wait3A_109 = tpu.memref_squeeze %dma_wait3A_108 : memref<1x64x128xf32, #tpu.memory_space<vmem>> -> memref<64x128xf32, #tpu.memory_space<vmem>>
        %dma_wait3A_110 = arith.constant 0 : i32
        %dma_wait3A_111 = tpu.memref_slice %arg11[%add3A_105, %dma_wait3A_110] : memref<40x64xi32, #tpu.memory_space<vmem>> -> memref<1x64xi32, #tpu.memory_space<vmem>>
        %dma_wait3A_112 = tpu.memref_squeeze %dma_wait3A_111 : memref<1x64xi32, #tpu.memory_space<vmem>> -> memref<64xi32, #tpu.memory_space<vmem>>
        %dma_wait3A_113 = arith.constant 0 : i32
        %dma_wait3A_114 = arith.constant 0 : i32
        %dma_wait3A_115 = tpu.memref_slice %arg9[%dma_wait3A_113, %dma_wait3A_114] : memref<10240x128xf32, #tpu.memory_space<vmem_shared>> -> memref<10240x128xf32, #tpu.memory_space<vmem_shared>>
        tpu.wait_indirect_dma semaphore(%arg14 : memref<!tpu.dma_semaphore, #tpu.memory_space<semaphore_mem>>) src(%dma_wait3A_109 : memref<64x128xf32, #tpu.memory_space<vmem>>) dst(%dma_wait3A_115 : memref<10240x128xf32, #tpu.memory_space<vmem_shared>>)
        %add3A_116 = arith.constant 3 : i32
        %add3A_117 = arith.addi %mul3A_81, %add3A_116 : i32
        %dma_start3A_118 = arith.constant 0 : i32
        %dma_start3A_119 = arith.constant 0 : i32
        %dma_start3A_120 = tpu.memref_slice %arg12[%scan3A_3, %dma_start3A_118, %dma_start3A_119] : memref<4x64x128xf32, #tpu.memory_space<vmem>> -> memref<1x64x128xf32, #tpu.memory_space<vmem>>
        %dma_start3A_121 = tpu.memref_squeeze %dma_start3A_120 : memref<1x64x128xf32, #tpu.memory_space<vmem>> -> memref<64x128xf32, #tpu.memory_space<vmem>>
        %dma_start3A_122 = arith.constant 0 : i32
        %dma_start3A_123 = tpu.memref_slice %arg11[%add3A_117, %dma_start3A_122] : memref<40x64xi32, #tpu.memory_space<vmem>> -> memref<1x64xi32, #tpu.memory_space<vmem>>
        %dma_start3A_124 = tpu.memref_squeeze %dma_start3A_123 : memref<1x64xi32, #tpu.memory_space<vmem>> -> memref<64xi32, #tpu.memory_space<vmem>>
        %dma_start3A_125 = arith.constant 0 : i32
        %dma_start3A_126 = arith.constant 0 : i32
        %dma_start3A_127 = tpu.memref_slice %arg9[%dma_start3A_125, %dma_start3A_126] : memref<10240x128xf32, #tpu.memory_space<vmem_shared>> -> memref<10240x128xf32, #tpu.memory_space<vmem_shared>>
        tpu.enqueue_indirect_dma source(%dma_start3A_121 : memref<64x128xf32, #tpu.memory_space<vmem>>) target(%dma_start3A_127 : memref<10240x128xf32, #tpu.memory_space<vmem_shared>>) offsets(%dma_start3A_124 : memref<64xi32, #tpu.memory_space<vmem>>) semaphore(%arg14 : memref<!tpu.dma_semaphore, #tpu.memory_space<semaphore_mem>>) {add = true}
      }
      %scan3A_57 = arith.constant 19 : i32
      %dma_wait3A = arith.constant 38 : i32
      %dma_wait3A_58 = arith.constant 0 : i32
      %dma_wait3A_59 = arith.constant 0 : i32
      %dma_wait3A_60 = tpu.memref_slice %arg12[%scan3A_3, %dma_wait3A_58, %dma_wait3A_59] : memref<4x64x128xf32, #tpu.memory_space<vmem>> -> memref<1x64x128xf32, #tpu.memory_space<vmem>>
      %dma_wait3A_61 = tpu.memref_squeeze %dma_wait3A_60 : memref<1x64x128xf32, #tpu.memory_space<vmem>> -> memref<64x128xf32, #tpu.memory_space<vmem>>
      %dma_wait3A_62 = arith.constant 0 : i32
      %dma_wait3A_63 = tpu.memref_slice %arg11[%dma_wait3A, %dma_wait3A_62] : memref<40x64xi32, #tpu.memory_space<vmem>> -> memref<1x64xi32, #tpu.memory_space<vmem>>
      %dma_wait3A_64 = tpu.memref_squeeze %dma_wait3A_63 : memref<1x64xi32, #tpu.memory_space<vmem>> -> memref<64xi32, #tpu.memory_space<vmem>>
      %dma_wait3A_65 = arith.constant 0 : i32
      %dma_wait3A_66 = arith.constant 0 : i32
      %dma_wait3A_67 = tpu.memref_slice %arg9[%dma_wait3A_65, %dma_wait3A_66] : memref<10240x128xf32, #tpu.memory_space<vmem_shared>> -> memref<10240x128xf32, #tpu.memory_space<vmem_shared>>
      tpu.wait_indirect_dma semaphore(%arg13 : memref<!tpu.dma_semaphore, #tpu.memory_space<semaphore_mem>>) src(%dma_wait3A_61 : memref<64x128xf32, #tpu.memory_space<vmem>>) dst(%dma_wait3A_67 : memref<10240x128xf32, #tpu.memory_space<vmem_shared>>)
      %dma_wait3A_68 = arith.constant 39 : i32
      %dma_wait3A_69 = arith.constant 0 : i32
      %dma_wait3A_70 = arith.constant 0 : i32
      %dma_wait3A_71 = tpu.memref_slice %arg12[%scan3A_3, %dma_wait3A_69, %dma_wait3A_70] : memref<4x64x128xf32, #tpu.memory_space<vmem>> -> memref<1x64x128xf32, #tpu.memory_space<vmem>>
      %dma_wait3A_72 = tpu.memref_squeeze %dma_wait3A_71 : memref<1x64x128xf32, #tpu.memory_space<vmem>> -> memref<64x128xf32, #tpu.memory_space<vmem>>
      %dma_wait3A_73 = arith.constant 0 : i32
      %dma_wait3A_74 = tpu.memref_slice %arg11[%dma_wait3A_68, %dma_wait3A_73] : memref<40x64xi32, #tpu.memory_space<vmem>> -> memref<1x64xi32, #tpu.memory_space<vmem>>
      %dma_wait3A_75 = tpu.memref_squeeze %dma_wait3A_74 : memref<1x64xi32, #tpu.memory_space<vmem>> -> memref<64xi32, #tpu.memory_space<vmem>>
      %dma_wait3A_76 = arith.constant 0 : i32
      %dma_wait3A_77 = arith.constant 0 : i32
      %dma_wait3A_78 = tpu.memref_slice %arg9[%dma_wait3A_76, %dma_wait3A_77] : memref<10240x128xf32, #tpu.memory_space<vmem_shared>> -> memref<10240x128xf32, #tpu.memory_space<vmem_shared>>
      tpu.wait_indirect_dma semaphore(%arg14 : memref<!tpu.dma_semaphore, #tpu.memory_space<semaphore_mem>>) src(%dma_wait3A_72 : memref<64x128xf32, #tpu.memory_space<vmem>>) dst(%dma_wait3A_78 : memref<10240x128xf32, #tpu.memory_space<vmem_shared>>)
    }
    %scan3A_8 = arith.constant 4 : i32
    %barrier3A_9 = arith.constant 0 : index
    tpu.barrier barrier_id(%barrier3A_9)
    %mul3A_10 = arith.constant 640 : i32
    %mul3A_11 = arith.muli %arg1, %mul3A_10 : i32
    %mul3A_12 = arith.constant 640 : i32
    %mul3A_13 = arith.muli %arg1, %mul3A_12 : i32
    "tpu.region"() ({
      %run_scoped3A_28 = tpu.sem_alloc : memref<!tpu.dma_semaphore, #tpu.memory_space<semaphore_mem>>
      %dma_start3A = arith.constant 0 : i32
      %dma_start3A_29 = arith.constant 0 : i32
      %dma_start3A_30 = tpu.memref_slice %arg8[%arg0, %dma_start3A, %dma_start3A_29] : memref<2x10240x128xf32, #tpu.memory_space<hbm>> -> memref<1x10240x128xf32, #tpu.memory_space<hbm>>
      %dma_start3A_31 = tpu.memref_squeeze %dma_start3A_30 : memref<1x10240x128xf32, #tpu.memory_space<hbm>> -> memref<10240x128xf32, #tpu.memory_space<hbm>>
      %dma_start3A_32 = arith.constant 0 : i32
      %dma_start3A_33 = tpu.memref_slice %dma_start3A_31[%mul3A_13, %dma_start3A_32] : memref<10240x128xf32, #tpu.memory_space<hbm>> -> memref<640x128xf32, #tpu.memory_space<hbm>>
      %dma_start3A_34 = arith.constant 0 : i32
      %dma_start3A_35 = tpu.memref_slice %arg9[%mul3A_11, %dma_start3A_34] : memref<10240x128xf32, #tpu.memory_space<vmem_shared>> -> memref<640x128xf32, #tpu.memory_space<vmem_shared>>
      tpu.enqueue_dma source(%dma_start3A_35 : memref<640x128xf32, #tpu.memory_space<vmem_shared>>) target(%dma_start3A_33 : memref<640x128xf32, #tpu.memory_space<hbm>>) target_semaphore(%run_scoped3A_28 : memref<!tpu.dma_semaphore, #tpu.memory_space<semaphore_mem>>)
      %dma_wait3A = arith.constant 0 : i32
      %dma_wait3A_36 = arith.constant 0 : i32
      %dma_wait3A_37 = tpu.memref_slice %arg8[%arg0, %dma_wait3A, %dma_wait3A_36] : memref<2x10240x128xf32, #tpu.memory_space<hbm>> -> memref<1x10240x128xf32, #tpu.memory_space<hbm>>
      %dma_wait3A_38 = tpu.memref_squeeze %dma_wait3A_37 : memref<1x10240x128xf32, #tpu.memory_space<hbm>> -> memref<10240x128xf32, #tpu.memory_space<hbm>>
      %dma_wait3A_39 = arith.constant 0 : i32
      %dma_wait3A_40 = tpu.memref_slice %dma_wait3A_38[%mul3A_13, %dma_wait3A_39] : memref<10240x128xf32, #tpu.memory_space<hbm>> -> memref<640x128xf32, #tpu.memory_space<hbm>>
      %dma_wait3A_41 = arith.constant 0 : i32
      %dma_wait3A_42 = tpu.memref_slice %arg9[%mul3A_11, %dma_wait3A_41] : memref<10240x128xf32, #tpu.memory_space<vmem_shared>> -> memref<640x128xf32, #tpu.memory_space<vmem_shared>>
      tpu.wait_dma2 semaphore(%run_scoped3A_28 : memref<!tpu.dma_semaphore, #tpu.memory_space<semaphore_mem>>) src(%dma_wait3A_42 : memref<640x128xf32, #tpu.memory_space<vmem_shared>>) dst(%dma_wait3A_40 : memref<640x128xf32, #tpu.memory_space<hbm>>)
      tpu.yield
    }) : () -> ()
    %mul3A_14 = arith.constant 640 : i32
    %mul3A_15 = arith.muli %arg1, %mul3A_14 : i32
    "tpu.region"() ({
      %run_scoped3A_28 = tpu.sem_alloc : memref<!tpu.dma_semaphore, #tpu.memory_space<semaphore_mem>>
      %dma_start3A = arith.constant 0 : i32
      %dma_start3A_29 = tpu.memref_slice %arg9[%mul3A_15, %dma_start3A] : memref<10240x128xf32, #tpu.memory_space<vmem_shared>> -> memref<640x128xf32, #tpu.memory_space<vmem_shared>>
      tpu.enqueue_dma source(%arg5 : memref<640x128xf32, #tpu.memory_space<hbm>>) target(%dma_start3A_29 : memref<640x128xf32, #tpu.memory_space<vmem_shared>>) target_semaphore(%run_scoped3A_28 : memref<!tpu.dma_semaphore, #tpu.memory_space<semaphore_mem>>)
      %dma_wait3A = arith.constant 0 : i32
      %dma_wait3A_30 = tpu.memref_slice %arg9[%mul3A_15, %dma_wait3A] : memref<10240x128xf32, #tpu.memory_space<vmem_shared>> -> memref<640x128xf32, #tpu.memory_space<vmem_shared>>
      tpu.wait_dma2 semaphore(%run_scoped3A_28 : memref<!tpu.dma_semaphore, #tpu.memory_space<semaphore_mem>>) src(%arg5 : memref<640x128xf32, #tpu.memory_space<hbm>>) dst(%dma_wait3A_30 : memref<640x128xf32, #tpu.memory_space<vmem_shared>>)
      tpu.yield
    }) : () -> ()
    %barrier3A_16 = arith.constant 0 : index
    tpu.barrier barrier_id(%barrier3A_16)
    %scan3A_17 = arith.constant 0 : i32
    %scan3A_18 = arith.constant 0 : i32
    %scan3A_19 = arith.constant 4 : i32
    %scan3A_20 = arith.addi %scan3A_18, %scan3A_19 : i32
    %scan3A_21 = arith.constant 1 : i32
    scf.for %scan3A_28 = %scan3A_18 to %scan3A_20 step %scan3A_21  : i32 {
      %mul3A_29 = arith.constant 40 : i32
      %mul3A_30 = arith.muli %scan3A_28, %mul3A_29 : i32
      "tpu.region"() ({
        %run_scoped3A_229 = tpu.sem_alloc : memref<!tpu.dma_semaphore, #tpu.memory_space<semaphore_mem>>
        %dma_start3A_230 = arith.constant 0 : i32
        %dma_start3A_231 = arith.constant 0 : i32
        %dma_start3A_232 = tpu.memref_slice %arg3[%add3A, %dma_start3A_230, %dma_start3A_231] : memref<32x160x64xi32, #tpu.memory_space<hbm>> -> memref<1x160x64xi32, #tpu.memory_space<hbm>>
        %dma_start3A_233 = tpu.memref_squeeze %dma_start3A_232 : memref<1x160x64xi32, #tpu.memory_space<hbm>> -> memref<160x64xi32, #tpu.memory_space<hbm>>
        %dma_start3A_234 = arith.constant 0 : i32
        %dma_start3A_235 = tpu.memref_slice %dma_start3A_233[%mul3A_30, %dma_start3A_234] : memref<160x64xi32, #tpu.memory_space<hbm>> -> memref<40x64xi32, #tpu.memory_space<hbm>>
        %dma_start3A_236 = arith.constant 0 : i32
        %dma_start3A_237 = arith.constant 0 : i32
        %dma_start3A_238 = tpu.memref_slice %arg3[%add3A, %dma_start3A_236, %dma_start3A_237] : memref<32x160x64xi32, #tpu.memory_space<hbm>> -> memref<1x160x64xi32, #tpu.memory_space<hbm>>
        %dma_start3A_239 = tpu.memref_squeeze %dma_start3A_238 : memref<1x160x64xi32, #tpu.memory_space<hbm>> -> memref<160x64xi32, #tpu.memory_space<hbm>>
        %dma_start3A_240 = arith.constant 0 : i32
        %dma_start3A_241 = tpu.memref_slice %dma_start3A_239[%mul3A_30, %dma_start3A_240] : memref<160x64xi32, #tpu.memory_space<hbm>> -> memref<40x64xi32, #tpu.memory_space<hbm>>
        tpu.enqueue_dma source(%dma_start3A_241 : memref<40x64xi32, #tpu.memory_space<hbm>>) target(%arg10 : memref<40x64xi32, #tpu.memory_space<vmem>>) target_semaphore(%run_scoped3A_229 : memref<!tpu.dma_semaphore, #tpu.memory_space<semaphore_mem>>)
        %dma_wait3A_242 = arith.constant 0 : i32
        %dma_wait3A_243 = arith.constant 0 : i32
        %dma_wait3A_244 = tpu.memref_slice %arg3[%add3A, %dma_wait3A_242, %dma_wait3A_243] : memref<32x160x64xi32, #tpu.memory_space<hbm>> -> memref<1x160x64xi32, #tpu.memory_space<hbm>>
        %dma_wait3A_245 = tpu.memref_squeeze %dma_wait3A_244 : memref<1x160x64xi32, #tpu.memory_space<hbm>> -> memref<160x64xi32, #tpu.memory_space<hbm>>
        %dma_wait3A_246 = arith.constant 0 : i32
        %dma_wait3A_247 = tpu.memref_slice %dma_wait3A_245[%mul3A_30, %dma_wait3A_246] : memref<160x64xi32, #tpu.memory_space<hbm>> -> memref<40x64xi32, #tpu.memory_space<hbm>>
        %dma_wait3A_248 = arith.constant 0 : i32
        %dma_wait3A_249 = arith.constant 0 : i32
        %dma_wait3A_250 = tpu.memref_slice %arg3[%add3A, %dma_wait3A_248, %dma_wait3A_249] : memref<32x160x64xi32, #tpu.memory_space<hbm>> -> memref<1x160x64xi32, #tpu.memory_space<hbm>>
        %dma_wait3A_251 = tpu.memref_squeeze %dma_wait3A_250 : memref<1x160x64xi32, #tpu.memory_space<hbm>> -> memref<160x64xi32, #tpu.memory_space<hbm>>
        %dma_wait3A_252 = arith.constant 0 : i32
        %dma_wait3A_253 = tpu.memref_slice %dma_wait3A_251[%mul3A_30, %dma_wait3A_252] : memref<160x64xi32, #tpu.memory_space<hbm>> -> memref<40x64xi32, #tpu.memory_space<hbm>>
        tpu.wait_dma2 semaphore(%run_scoped3A_229 : memref<!tpu.dma_semaphore, #tpu.memory_space<semaphore_mem>>) src(%dma_wait3A_253 : memref<40x64xi32, #tpu.memory_space<hbm>>) dst(%arg10 : memref<40x64xi32, #tpu.memory_space<vmem>>)
        tpu.yield
      }) : () -> ()
      %mul3A_31 = arith.constant 40 : i32
      %mul3A_32 = arith.muli %scan3A_28, %mul3A_31 : i32
      "tpu.region"() ({
        %run_scoped3A_229 = tpu.sem_alloc : memref<!tpu.dma_semaphore, #tpu.memory_space<semaphore_mem>>
        %dma_start3A_230 = arith.constant 0 : i32
        %dma_start3A_231 = arith.constant 0 : i32
        %dma_start3A_232 = tpu.memref_slice %arg4[%add3A, %dma_start3A_230, %dma_start3A_231] : memref<32x160x64xi32, #tpu.memory_space<hbm>> -> memref<1x160x64xi32, #tpu.memory_space<hbm>>
        %dma_start3A_233 = tpu.memref_squeeze %dma_start3A_232 : memref<1x160x64xi32, #tpu.memory_space<hbm>> -> memref<160x64xi32, #tpu.memory_space<hbm>>
        %dma_start3A_234 = arith.constant 0 : i32
        %dma_start3A_235 = tpu.memref_slice %dma_start3A_233[%mul3A_32, %dma_start3A_234] : memref<160x64xi32, #tpu.memory_space<hbm>> -> memref<40x64xi32, #tpu.memory_space<hbm>>
        %dma_start3A_236 = arith.constant 0 : i32
        %dma_start3A_237 = arith.constant 0 : i32
        %dma_start3A_238 = tpu.memref_slice %arg4[%add3A, %dma_start3A_236, %dma_start3A_237] : memref<32x160x64xi32, #tpu.memory_space<hbm>> -> memref<1x160x64xi32, #tpu.memory_space<hbm>>
        %dma_start3A_239 = tpu.memref_squeeze %dma_start3A_238 : memref<1x160x64xi32, #tpu.memory_space<hbm>> -> memref<160x64xi32, #tpu.memory_space<hbm>>
        %dma_start3A_240 = arith.constant 0 : i32
        %dma_start3A_241 = tpu.memref_slice %dma_start3A_239[%mul3A_32, %dma_start3A_240] : memref<160x64xi32, #tpu.memory_space<hbm>> -> memref<40x64xi32, #tpu.memory_space<hbm>>
        tpu.enqueue_dma source(%dma_start3A_241 : memref<40x64xi32, #tpu.memory_space<hbm>>) target(%arg11 : memref<40x64xi32, #tpu.memory_space<vmem>>) target_semaphore(%run_scoped3A_229 : memref<!tpu.dma_semaphore, #tpu.memory_space<semaphore_mem>>)
        %dma_wait3A_242 = arith.constant 0 : i32
        %dma_wait3A_243 = arith.constant 0 : i32
        %dma_wait3A_244 = tpu.memref_slice %arg4[%add3A, %dma_wait3A_242, %dma_wait3A_243] : memref<32x160x64xi32, #tpu.memory_space<hbm>> -> memref<1x160x64xi32, #tpu.memory_space<hbm>>
        %dma_wait3A_245 = tpu.memref_squeeze %dma_wait3A_244 : memref<1x160x64xi32, #tpu.memory_space<hbm>> -> memref<160x64xi32, #tpu.memory_space<hbm>>
        %dma_wait3A_246 = arith.constant 0 : i32
        %dma_wait3A_247 = tpu.memref_slice %dma_wait3A_245[%mul3A_32, %dma_wait3A_246] : memref<160x64xi32, #tpu.memory_space<hbm>> -> memref<40x64xi32, #tpu.memory_space<hbm>>
        %dma_wait3A_248 = arith.constant 0 : i32
        %dma_wait3A_249 = arith.constant 0 : i32
        %dma_wait3A_250 = tpu.memref_slice %arg4[%add3A, %dma_wait3A_248, %dma_wait3A_249] : memref<32x160x64xi32, #tpu.memory_space<hbm>> -> memref<1x160x64xi32, #tpu.memory_space<hbm>>
        %dma_wait3A_251 = tpu.memref_squeeze %dma_wait3A_250 : memref<1x160x64xi32, #tpu.memory_space<hbm>> -> memref<160x64xi32, #tpu.memory_space<hbm>>
        %dma_wait3A_252 = arith.constant 0 : i32
        %dma_wait3A_253 = tpu.memref_slice %dma_wait3A_251[%mul3A_32, %dma_wait3A_252] : memref<160x64xi32, #tpu.memory_space<hbm>> -> memref<40x64xi32, #tpu.memory_space<hbm>>
        tpu.wait_dma2 semaphore(%run_scoped3A_229 : memref<!tpu.dma_semaphore, #tpu.memory_space<semaphore_mem>>) src(%dma_wait3A_253 : memref<40x64xi32, #tpu.memory_space<hbm>>) dst(%arg11 : memref<40x64xi32, #tpu.memory_space<vmem>>)
        tpu.yield
      }) : () -> ()
      %dma_start3A = arith.constant 0 : i32
      %dma_start3A_33 = arith.constant 0 : i32
      %dma_start3A_34 = arith.constant 0 : i32
      %dma_start3A_35 = arith.constant 0 : i32
      %dma_start3A_36 = tpu.memref_slice %arg12[%dma_start3A_33, %dma_start3A_34, %dma_start3A_35] : memref<4x64x128xf32, #tpu.memory_space<vmem>> -> memref<1x64x128xf32, #tpu.memory_space<vmem>>
      %dma_start3A_37 = tpu.memref_squeeze %dma_start3A_36 : memref<1x64x128xf32, #tpu.memory_space<vmem>> -> memref<64x128xf32, #tpu.memory_space<vmem>>
      %dma_start3A_38 = arith.constant 0 : i32
      %dma_start3A_39 = tpu.memref_slice %arg10[%dma_start3A, %dma_start3A_38] : memref<40x64xi32, #tpu.memory_space<vmem>> -> memref<1x64xi32, #tpu.memory_space<vmem>>
      %dma_start3A_40 = tpu.memref_squeeze %dma_start3A_39 : memref<1x64xi32, #tpu.memory_space<vmem>> -> memref<64xi32, #tpu.memory_space<vmem>>
      %dma_start3A_41 = arith.constant 0 : i32
      %dma_start3A_42 = arith.constant 0 : i32
      %dma_start3A_43 = tpu.memref_slice %arg2[%dma_start3A_41, %dma_start3A_42] : memref<10240x128xf32, #tpu.memory_space<hbm>> -> memref<10240x128xf32, #tpu.memory_space<hbm>>
      tpu.enqueue_indirect_dma source(%dma_start3A_43 : memref<10240x128xf32, #tpu.memory_space<hbm>>) target(%dma_start3A_37 : memref<64x128xf32, #tpu.memory_space<vmem>>) offsets(%dma_start3A_40 : memref<64xi32, #tpu.memory_space<vmem>>) semaphore(%arg13 : memref<!tpu.dma_semaphore, #tpu.memory_space<semaphore_mem>>)
      %dma_start3A_44 = arith.constant 1 : i32
      %dma_start3A_45 = arith.constant 1 : i32
      %dma_start3A_46 = arith.constant 0 : i32
      %dma_start3A_47 = arith.constant 0 : i32
      %dma_start3A_48 = tpu.memref_slice %arg12[%dma_start3A_45, %dma_start3A_46, %dma_start3A_47] : memref<4x64x128xf32, #tpu.memory_space<vmem>> -> memref<1x64x128xf32, #tpu.memory_space<vmem>>
      %dma_start3A_49 = tpu.memref_squeeze %dma_start3A_48 : memref<1x64x128xf32, #tpu.memory_space<vmem>> -> memref<64x128xf32, #tpu.memory_space<vmem>>
      %dma_start3A_50 = arith.constant 0 : i32
      %dma_start3A_51 = tpu.memref_slice %arg10[%dma_start3A_44, %dma_start3A_50] : memref<40x64xi32, #tpu.memory_space<vmem>> -> memref<1x64xi32, #tpu.memory_space<vmem>>
      %dma_start3A_52 = tpu.memref_squeeze %dma_start3A_51 : memref<1x64xi32, #tpu.memory_space<vmem>> -> memref<64xi32, #tpu.memory_space<vmem>>
      %dma_start3A_53 = arith.constant 0 : i32
      %dma_start3A_54 = arith.constant 0 : i32
      %dma_start3A_55 = tpu.memref_slice %arg2[%dma_start3A_53, %dma_start3A_54] : memref<10240x128xf32, #tpu.memory_space<hbm>> -> memref<10240x128xf32, #tpu.memory_space<hbm>>
      tpu.enqueue_indirect_dma source(%dma_start3A_55 : memref<10240x128xf32, #tpu.memory_space<hbm>>) target(%dma_start3A_49 : memref<64x128xf32, #tpu.memory_space<vmem>>) offsets(%dma_start3A_52 : memref<64xi32, #tpu.memory_space<vmem>>) semaphore(%arg14 : memref<!tpu.dma_semaphore, #tpu.memory_space<semaphore_mem>>)
      %dma_start3A_56 = arith.constant 2 : i32
      %dma_start3A_57 = arith.constant 2 : i32
      %dma_start3A_58 = arith.constant 0 : i32
      %dma_start3A_59 = arith.constant 0 : i32
      %dma_start3A_60 = tpu.memref_slice %arg12[%dma_start3A_57, %dma_start3A_58, %dma_start3A_59] : memref<4x64x128xf32, #tpu.memory_space<vmem>> -> memref<1x64x128xf32, #tpu.memory_space<vmem>>
      %dma_start3A_61 = tpu.memref_squeeze %dma_start3A_60 : memref<1x64x128xf32, #tpu.memory_space<vmem>> -> memref<64x128xf32, #tpu.memory_space<vmem>>
      %dma_start3A_62 = arith.constant 0 : i32
      %dma_start3A_63 = tpu.memref_slice %arg10[%dma_start3A_56, %dma_start3A_62] : memref<40x64xi32, #tpu.memory_space<vmem>> -> memref<1x64xi32, #tpu.memory_space<vmem>>
      %dma_start3A_64 = tpu.memref_squeeze %dma_start3A_63 : memref<1x64xi32, #tpu.memory_space<vmem>> -> memref<64xi32, #tpu.memory_space<vmem>>
      %dma_start3A_65 = arith.constant 0 : i32
      %dma_start3A_66 = arith.constant 0 : i32
      %dma_start3A_67 = tpu.memref_slice %arg2[%dma_start3A_65, %dma_start3A_66] : memref<10240x128xf32, #tpu.memory_space<hbm>> -> memref<10240x128xf32, #tpu.memory_space<hbm>>
      tpu.enqueue_indirect_dma source(%dma_start3A_67 : memref<10240x128xf32, #tpu.memory_space<hbm>>) target(%dma_start3A_61 : memref<64x128xf32, #tpu.memory_space<vmem>>) offsets(%dma_start3A_64 : memref<64xi32, #tpu.memory_space<vmem>>) semaphore(%arg15 : memref<!tpu.dma_semaphore, #tpu.memory_space<semaphore_mem>>)
      %dma_wait3A = arith.constant 0 : i32
      %dma_wait3A_68 = arith.constant 0 : i32
      %dma_wait3A_69 = arith.constant 0 : i32
      %dma_wait3A_70 = arith.constant 0 : i32
      %dma_wait3A_71 = tpu.memref_slice %arg12[%dma_wait3A_68, %dma_wait3A_69, %dma_wait3A_70] : memref<4x64x128xf32, #tpu.memory_space<vmem>> -> memref<1x64x128xf32, #tpu.memory_space<vmem>>
      %dma_wait3A_72 = tpu.memref_squeeze %dma_wait3A_71 : memref<1x64x128xf32, #tpu.memory_space<vmem>> -> memref<64x128xf32, #tpu.memory_space<vmem>>
      %dma_wait3A_73 = arith.constant 0 : i32
      %dma_wait3A_74 = tpu.memref_slice %arg10[%dma_wait3A, %dma_wait3A_73] : memref<40x64xi32, #tpu.memory_space<vmem>> -> memref<1x64xi32, #tpu.memory_space<vmem>>
      %dma_wait3A_75 = tpu.memref_squeeze %dma_wait3A_74 : memref<1x64xi32, #tpu.memory_space<vmem>> -> memref<64xi32, #tpu.memory_space<vmem>>
      %dma_wait3A_76 = arith.constant 0 : i32
      %dma_wait3A_77 = arith.constant 0 : i32
      %dma_wait3A_78 = tpu.memref_slice %arg2[%dma_wait3A_76, %dma_wait3A_77] : memref<10240x128xf32, #tpu.memory_space<hbm>> -> memref<10240x128xf32, #tpu.memory_space<hbm>>
      tpu.wait_indirect_dma semaphore(%arg13 : memref<!tpu.dma_semaphore, #tpu.memory_space<semaphore_mem>>) src(%dma_wait3A_78 : memref<10240x128xf32, #tpu.memory_space<hbm>>) dst(%dma_wait3A_72 : memref<64x128xf32, #tpu.memory_space<vmem>>)
      %dma_start3A_79 = arith.constant 0 : i32
      %dma_start3A_80 = arith.constant 0 : i32
      %dma_start3A_81 = arith.constant 0 : i32
      %dma_start3A_82 = arith.constant 0 : i32
      %dma_start3A_83 = tpu.memref_slice %arg12[%dma_start3A_79, %dma_start3A_81, %dma_start3A_82] : memref<4x64x128xf32, #tpu.memory_space<vmem>> -> memref<1x64x128xf32, #tpu.memory_space<vmem>>
      %dma_start3A_84 = tpu.memref_squeeze %dma_start3A_83 : memref<1x64x128xf32, #tpu.memory_space<vmem>> -> memref<64x128xf32, #tpu.memory_space<vmem>>
      %dma_start3A_85 = arith.constant 0 : i32
      %dma_start3A_86 = tpu.memref_slice %arg11[%dma_start3A_80, %dma_start3A_85] : memref<40x64xi32, #tpu.memory_space<vmem>> -> memref<1x64xi32, #tpu.memory_space<vmem>>
      %dma_start3A_87 = tpu.memref_squeeze %dma_start3A_86 : memref<1x64xi32, #tpu.memory_space<vmem>> -> memref<64xi32, #tpu.memory_space<vmem>>
      %dma_start3A_88 = arith.constant 0 : i32
      %dma_start3A_89 = arith.constant 0 : i32
      %dma_start3A_90 = tpu.memref_slice %arg9[%dma_start3A_88, %dma_start3A_89] : memref<10240x128xf32, #tpu.memory_space<vmem_shared>> -> memref<10240x128xf32, #tpu.memory_space<vmem_shared>>
      tpu.enqueue_indirect_dma source(%dma_start3A_84 : memref<64x128xf32, #tpu.memory_space<vmem>>) target(%dma_start3A_90 : memref<10240x128xf32, #tpu.memory_space<vmem_shared>>) offsets(%dma_start3A_87 : memref<64xi32, #tpu.memory_space<vmem>>) semaphore(%arg17 : memref<!tpu.dma_semaphore, #tpu.memory_space<semaphore_mem>>) {add = true}
      %dma_start3A_91 = arith.constant 3 : i32
      %dma_start3A_92 = arith.constant 3 : i32
      %dma_start3A_93 = arith.constant 0 : i32
      %dma_start3A_94 = arith.constant 0 : i32
      %dma_start3A_95 = tpu.memref_slice %arg12[%dma_start3A_92, %dma_start3A_93, %dma_start3A_94] : memref<4x64x128xf32, #tpu.memory_space<vmem>> -> memref<1x64x128xf32, #tpu.memory_space<vmem>>
      %dma_start3A_96 = tpu.memref_squeeze %dma_start3A_95 : memref<1x64x128xf32, #tpu.memory_space<vmem>> -> memref<64x128xf32, #tpu.memory_space<vmem>>
      %dma_start3A_97 = arith.constant 0 : i32
      %dma_start3A_98 = tpu.memref_slice %arg10[%dma_start3A_91, %dma_start3A_97] : memref<40x64xi32, #tpu.memory_space<vmem>> -> memref<1x64xi32, #tpu.memory_space<vmem>>
      %dma_start3A_99 = tpu.memref_squeeze %dma_start3A_98 : memref<1x64xi32, #tpu.memory_space<vmem>> -> memref<64xi32, #tpu.memory_space<vmem>>
      %dma_start3A_100 = arith.constant 0 : i32
      %dma_start3A_101 = arith.constant 0 : i32
      %dma_start3A_102 = tpu.memref_slice %arg2[%dma_start3A_100, %dma_start3A_101] : memref<10240x128xf32, #tpu.memory_space<hbm>> -> memref<10240x128xf32, #tpu.memory_space<hbm>>
      tpu.enqueue_indirect_dma source(%dma_start3A_102 : memref<10240x128xf32, #tpu.memory_space<hbm>>) target(%dma_start3A_96 : memref<64x128xf32, #tpu.memory_space<vmem>>) offsets(%dma_start3A_99 : memref<64xi32, #tpu.memory_space<vmem>>) semaphore(%arg16 : memref<!tpu.dma_semaphore, #tpu.memory_space<semaphore_mem>>)
      %dma_wait3A_103 = arith.constant 1 : i32
      %dma_wait3A_104 = arith.constant 1 : i32
      %dma_wait3A_105 = arith.constant 0 : i32
      %dma_wait3A_106 = arith.constant 0 : i32
      %dma_wait3A_107 = tpu.memref_slice %arg12[%dma_wait3A_104, %dma_wait3A_105, %dma_wait3A_106] : memref<4x64x128xf32, #tpu.memory_space<vmem>> -> memref<1x64x128xf32, #tpu.memory_space<vmem>>
      %dma_wait3A_108 = tpu.memref_squeeze %dma_wait3A_107 : memref<1x64x128xf32, #tpu.memory_space<vmem>> -> memref<64x128xf32, #tpu.memory_space<vmem>>
      %dma_wait3A_109 = arith.constant 0 : i32
      %dma_wait3A_110 = tpu.memref_slice %arg10[%dma_wait3A_103, %dma_wait3A_109] : memref<40x64xi32, #tpu.memory_space<vmem>> -> memref<1x64xi32, #tpu.memory_space<vmem>>
      %dma_wait3A_111 = tpu.memref_squeeze %dma_wait3A_110 : memref<1x64xi32, #tpu.memory_space<vmem>> -> memref<64xi32, #tpu.memory_space<vmem>>
      %dma_wait3A_112 = arith.constant 0 : i32
      %dma_wait3A_113 = arith.constant 0 : i32
      %dma_wait3A_114 = tpu.memref_slice %arg2[%dma_wait3A_112, %dma_wait3A_113] : memref<10240x128xf32, #tpu.memory_space<hbm>> -> memref<10240x128xf32, #tpu.memory_space<hbm>>
      tpu.wait_indirect_dma semaphore(%arg14 : memref<!tpu.dma_semaphore, #tpu.memory_space<semaphore_mem>>) src(%dma_wait3A_114 : memref<10240x128xf32, #tpu.memory_space<hbm>>) dst(%dma_wait3A_108 : memref<64x128xf32, #tpu.memory_space<vmem>>)
      %dma_start3A_115 = arith.constant 1 : i32
      %dma_start3A_116 = arith.constant 1 : i32
      %dma_start3A_117 = arith.constant 0 : i32
      %dma_start3A_118 = arith.constant 0 : i32
      %dma_start3A_119 = tpu.memref_slice %arg12[%dma_start3A_115, %dma_start3A_117, %dma_start3A_118] : memref<4x64x128xf32, #tpu.memory_space<vmem>> -> memref<1x64x128xf32, #tpu.memory_space<vmem>>
      %dma_start3A_120 = tpu.memref_squeeze %dma_start3A_119 : memref<1x64x128xf32, #tpu.memory_space<vmem>> -> memref<64x128xf32, #tpu.memory_space<vmem>>
      %dma_start3A_121 = arith.constant 0 : i32
      %dma_start3A_122 = tpu.memref_slice %arg11[%dma_start3A_116, %dma_start3A_121] : memref<40x64xi32, #tpu.memory_space<vmem>> -> memref<1x64xi32, #tpu.memory_space<vmem>>
      %dma_start3A_123 = tpu.memref_squeeze %dma_start3A_122 : memref<1x64xi32, #tpu.memory_space<vmem>> -> memref<64xi32, #tpu.memory_space<vmem>>
      %dma_start3A_124 = arith.constant 0 : i32
      %dma_start3A_125 = arith.constant 0 : i32
      %dma_start3A_126 = tpu.memref_slice %arg9[%dma_start3A_124, %dma_start3A_125] : memref<10240x128xf32, #tpu.memory_space<vmem_shared>> -> memref<10240x128xf32, #tpu.memory_space<vmem_shared>>
      tpu.enqueue_indirect_dma source(%dma_start3A_120 : memref<64x128xf32, #tpu.memory_space<vmem>>) target(%dma_start3A_126 : memref<10240x128xf32, #tpu.memory_space<vmem_shared>>) offsets(%dma_start3A_123 : memref<64xi32, #tpu.memory_space<vmem>>) semaphore(%arg18 : memref<!tpu.dma_semaphore, #tpu.memory_space<semaphore_mem>>) {add = true}
      %scan3A_127 = arith.constant 0 : i32
      %scan3A_128 = arith.constant 0 : i32
      %scan3A_129 = arith.constant 9 : i32
      %scan3A_130 = arith.addi %scan3A_128, %scan3A_129 : i32
      %scan3A_131 = arith.constant 1 : i32
      scf.for %scan3A_229 = %scan3A_128 to %scan3A_130 step %scan3A_131  : i32 {
        %mul3A_230 = arith.constant 4 : i32
        %mul3A_231 = arith.muli %mul3A_230, %scan3A_229 : i32
        %add3A_232 = arith.constant 2 : i32
        %add3A_233 = arith.addi %mul3A_231, %add3A_232 : i32
        %add3A_234 = arith.constant 0 : i32
        %add3A_235 = arith.addi %add3A_233, %add3A_234 : i32
        %sub3A = arith.constant 2 : i32
        %sub3A_236 = arith.subi %add3A_235, %sub3A : i32
        %dma_wait3A_237 = arith.constant 0 : i32
        %dma_wait3A_238 = arith.constant 0 : i32
        %dma_wait3A_239 = arith.constant 0 : i32
        %dma_wait3A_240 = tpu.memref_slice %arg12[%dma_wait3A_237, %dma_wait3A_238, %dma_wait3A_239] : memref<4x64x128xf32, #tpu.memory_space<vmem>> -> memref<1x64x128xf32, #tpu.memory_space<vmem>>
        %dma_wait3A_241 = tpu.memref_squeeze %dma_wait3A_240 : memref<1x64x128xf32, #tpu.memory_space<vmem>> -> memref<64x128xf32, #tpu.memory_space<vmem>>
        %dma_wait3A_242 = arith.constant 0 : i32
        %dma_wait3A_243 = tpu.memref_slice %arg11[%sub3A_236, %dma_wait3A_242] : memref<40x64xi32, #tpu.memory_space<vmem>> -> memref<1x64xi32, #tpu.memory_space<vmem>>
        %dma_wait3A_244 = tpu.memref_squeeze %dma_wait3A_243 : memref<1x64xi32, #tpu.memory_space<vmem>> -> memref<64xi32, #tpu.memory_space<vmem>>
        %dma_wait3A_245 = arith.constant 0 : i32
        %dma_wait3A_246 = arith.constant 0 : i32
        %dma_wait3A_247 = tpu.memref_slice %arg9[%dma_wait3A_245, %dma_wait3A_246] : memref<10240x128xf32, #tpu.memory_space<vmem_shared>> -> memref<10240x128xf32, #tpu.memory_space<vmem_shared>>
        tpu.wait_indirect_dma semaphore(%arg17 : memref<!tpu.dma_semaphore, #tpu.memory_space<semaphore_mem>>) src(%dma_wait3A_241 : memref<64x128xf32, #tpu.memory_space<vmem>>) dst(%dma_wait3A_247 : memref<10240x128xf32, #tpu.memory_space<vmem_shared>>)
        %add3A_248 = arith.constant 2 : i32
        %add3A_249 = arith.addi %add3A_235, %add3A_248 : i32
        %dma_start3A_250 = arith.constant 0 : i32
        %dma_start3A_251 = arith.constant 0 : i32
        %dma_start3A_252 = arith.constant 0 : i32
        %dma_start3A_253 = tpu.memref_slice %arg12[%dma_start3A_250, %dma_start3A_251, %dma_start3A_252] : memref<4x64x128xf32, #tpu.memory_space<vmem>> -> memref<1x64x128xf32, #tpu.memory_space<vmem>>
        %dma_start3A_254 = tpu.memref_squeeze %dma_start3A_253 : memref<1x64x128xf32, #tpu.memory_space<vmem>> -> memref<64x128xf32, #tpu.memory_space<vmem>>
        %dma_start3A_255 = arith.constant 0 : i32
        %dma_start3A_256 = tpu.memref_slice %arg10[%add3A_249, %dma_start3A_255] : memref<40x64xi32, #tpu.memory_space<vmem>> -> memref<1x64xi32, #tpu.memory_space<vmem>>
        %dma_start3A_257 = tpu.memref_squeeze %dma_start3A_256 : memref<1x64xi32, #tpu.memory_space<vmem>> -> memref<64xi32, #tpu.memory_space<vmem>>
        %dma_start3A_258 = arith.constant 0 : i32
        %dma_start3A_259 = arith.constant 0 : i32
        %dma_start3A_260 = tpu.memref_slice %arg2[%dma_start3A_258, %dma_start3A_259] : memref<10240x128xf32, #tpu.memory_space<hbm>> -> memref<10240x128xf32, #tpu.memory_space<hbm>>
        tpu.enqueue_indirect_dma source(%dma_start3A_260 : memref<10240x128xf32, #tpu.memory_space<hbm>>) target(%dma_start3A_254 : memref<64x128xf32, #tpu.memory_space<vmem>>) offsets(%dma_start3A_257 : memref<64xi32, #tpu.memory_space<vmem>>) semaphore(%arg13 : memref<!tpu.dma_semaphore, #tpu.memory_space<semaphore_mem>>)
        %dma_wait3A_261 = arith.constant 2 : i32
        %dma_wait3A_262 = arith.constant 0 : i32
        %dma_wait3A_263 = arith.constant 0 : i32
        %dma_wait3A_264 = tpu.memref_slice %arg12[%dma_wait3A_261, %dma_wait3A_262, %dma_wait3A_263] : memref<4x64x128xf32, #tpu.memory_space<vmem>> -> memref<1x64x128xf32, #tpu.memory_space<vmem>>
        %dma_wait3A_265 = tpu.memref_squeeze %dma_wait3A_264 : memref<1x64x128xf32, #tpu.memory_space<vmem>> -> memref<64x128xf32, #tpu.memory_space<vmem>>
        %dma_wait3A_266 = arith.constant 0 : i32
        %dma_wait3A_267 = tpu.memref_slice %arg10[%add3A_235, %dma_wait3A_266] : memref<40x64xi32, #tpu.memory_space<vmem>> -> memref<1x64xi32, #tpu.memory_space<vmem>>
        %dma_wait3A_268 = tpu.memref_squeeze %dma_wait3A_267 : memref<1x64xi32, #tpu.memory_space<vmem>> -> memref<64xi32, #tpu.memory_space<vmem>>
        %dma_wait3A_269 = arith.constant 0 : i32
        %dma_wait3A_270 = arith.constant 0 : i32
        %dma_wait3A_271 = tpu.memref_slice %arg2[%dma_wait3A_269, %dma_wait3A_270] : memref<10240x128xf32, #tpu.memory_space<hbm>> -> memref<10240x128xf32, #tpu.memory_space<hbm>>
        tpu.wait_indirect_dma semaphore(%arg15 : memref<!tpu.dma_semaphore, #tpu.memory_space<semaphore_mem>>) src(%dma_wait3A_271 : memref<10240x128xf32, #tpu.memory_space<hbm>>) dst(%dma_wait3A_265 : memref<64x128xf32, #tpu.memory_space<vmem>>)
        %dma_start3A_272 = arith.constant 2 : i32
        %dma_start3A_273 = arith.constant 0 : i32
        %dma_start3A_274 = arith.constant 0 : i32
        %dma_start3A_275 = tpu.memref_slice %arg12[%dma_start3A_272, %dma_start3A_273, %dma_start3A_274] : memref<4x64x128xf32, #tpu.memory_space<vmem>> -> memref<1x64x128xf32, #tpu.memory_space<vmem>>
        %dma_start3A_276 = tpu.memref_squeeze %dma_start3A_275 : memref<1x64x128xf32, #tpu.memory_space<vmem>> -> memref<64x128xf32, #tpu.memory_space<vmem>>
        %dma_start3A_277 = arith.constant 0 : i32
        %dma_start3A_278 = tpu.memref_slice %arg11[%add3A_235, %dma_start3A_277] : memref<40x64xi32, #tpu.memory_space<vmem>> -> memref<1x64xi32, #tpu.memory_space<vmem>>
        %dma_start3A_279 = tpu.memref_squeeze %dma_start3A_278 : memref<1x64xi32, #tpu.memory_space<vmem>> -> memref<64xi32, #tpu.memory_space<vmem>>
        %dma_start3A_280 = arith.constant 0 : i32
        %dma_start3A_281 = arith.constant 0 : i32
        %dma_start3A_282 = tpu.memref_slice %arg9[%dma_start3A_280, %dma_start3A_281] : memref<10240x128xf32, #tpu.memory_space<vmem_shared>> -> memref<10240x128xf32, #tpu.memory_space<vmem_shared>>
        tpu.enqueue_indirect_dma source(%dma_start3A_276 : memref<64x128xf32, #tpu.memory_space<vmem>>) target(%dma_start3A_282 : memref<10240x128xf32, #tpu.memory_space<vmem_shared>>) offsets(%dma_start3A_279 : memref<64xi32, #tpu.memory_space<vmem>>) semaphore(%arg19 : memref<!tpu.dma_semaphore, #tpu.memory_space<semaphore_mem>>) {add = true}
        %mul3A_283 = arith.constant 4 : i32
        %mul3A_284 = arith.muli %mul3A_283, %scan3A_229 : i32
        %add3A_285 = arith.constant 2 : i32
        %add3A_286 = arith.addi %mul3A_284, %add3A_285 : i32
        %add3A_287 = arith.constant 1 : i32
        %add3A_288 = arith.addi %add3A_286, %add3A_287 : i32
        %sub3A_289 = arith.constant 2 : i32
        %sub3A_290 = arith.subi %add3A_288, %sub3A_289 : i32
        %dma_wait3A_291 = arith.constant 1 : i32
        %dma_wait3A_292 = arith.constant 0 : i32
        %dma_wait3A_293 = arith.constant 0 : i32
        %dma_wait3A_294 = tpu.memref_slice %arg12[%dma_wait3A_291, %dma_wait3A_292, %dma_wait3A_293] : memref<4x64x128xf32, #tpu.memory_space<vmem>> -> memref<1x64x128xf32, #tpu.memory_space<vmem>>
        %dma_wait3A_295 = tpu.memref_squeeze %dma_wait3A_294 : memref<1x64x128xf32, #tpu.memory_space<vmem>> -> memref<64x128xf32, #tpu.memory_space<vmem>>
        %dma_wait3A_296 = arith.constant 0 : i32
        %dma_wait3A_297 = tpu.memref_slice %arg11[%sub3A_290, %dma_wait3A_296] : memref<40x64xi32, #tpu.memory_space<vmem>> -> memref<1x64xi32, #tpu.memory_space<vmem>>
        %dma_wait3A_298 = tpu.memref_squeeze %dma_wait3A_297 : memref<1x64xi32, #tpu.memory_space<vmem>> -> memref<64xi32, #tpu.memory_space<vmem>>
        %dma_wait3A_299 = arith.constant 0 : i32
        %dma_wait3A_300 = arith.constant 0 : i32
        %dma_wait3A_301 = tpu.memref_slice %arg9[%dma_wait3A_299, %dma_wait3A_300] : memref<10240x128xf32, #tpu.memory_space<vmem_shared>> -> memref<10240x128xf32, #tpu.memory_space<vmem_shared>>
        tpu.wait_indirect_dma semaphore(%arg18 : memref<!tpu.dma_semaphore, #tpu.memory_space<semaphore_mem>>) src(%dma_wait3A_295 : memref<64x128xf32, #tpu.memory_space<vmem>>) dst(%dma_wait3A_301 : memref<10240x128xf32, #tpu.memory_space<vmem_shared>>)
        %add3A_302 = arith.constant 2 : i32
        %add3A_303 = arith.addi %add3A_288, %add3A_302 : i32
        %dma_start3A_304 = arith.constant 1 : i32
        %dma_start3A_305 = arith.constant 0 : i32
        %dma_start3A_306 = arith.constant 0 : i32
        %dma_start3A_307 = tpu.memref_slice %arg12[%dma_start3A_304, %dma_start3A_305, %dma_start3A_306] : memref<4x64x128xf32, #tpu.memory_space<vmem>> -> memref<1x64x128xf32, #tpu.memory_space<vmem>>
        %dma_start3A_308 = tpu.memref_squeeze %dma_start3A_307 : memref<1x64x128xf32, #tpu.memory_space<vmem>> -> memref<64x128xf32, #tpu.memory_space<vmem>>
        %dma_start3A_309 = arith.constant 0 : i32
        %dma_start3A_310 = tpu.memref_slice %arg10[%add3A_303, %dma_start3A_309] : memref<40x64xi32, #tpu.memory_space<vmem>> -> memref<1x64xi32, #tpu.memory_space<vmem>>
        %dma_start3A_311 = tpu.memref_squeeze %dma_start3A_310 : memref<1x64xi32, #tpu.memory_space<vmem>> -> memref<64xi32, #tpu.memory_space<vmem>>
        %dma_start3A_312 = arith.constant 0 : i32
        %dma_start3A_313 = arith.constant 0 : i32
        %dma_start3A_314 = tpu.memref_slice %arg2[%dma_start3A_312, %dma_start3A_313] : memref<10240x128xf32, #tpu.memory_space<hbm>> -> memref<10240x128xf32, #tpu.memory_space<hbm>>
        tpu.enqueue_indirect_dma source(%dma_start3A_314 : memref<10240x128xf32, #tpu.memory_space<hbm>>) target(%dma_start3A_308 : memref<64x128xf32, #tpu.memory_space<vmem>>) offsets(%dma_start3A_311 : memref<64xi32, #tpu.memory_space<vmem>>) semaphore(%arg14 : memref<!tpu.dma_semaphore, #tpu.memory_space<semaphore_mem>>)
        %dma_wait3A_315 = arith.constant 3 : i32
        %dma_wait3A_316 = arith.constant 0 : i32
        %dma_wait3A_317 = arith.constant 0 : i32
        %dma_wait3A_318 = tpu.memref_slice %arg12[%dma_wait3A_315, %dma_wait3A_316, %dma_wait3A_317] : memref<4x64x128xf32, #tpu.memory_space<vmem>> -> memref<1x64x128xf32, #tpu.memory_space<vmem>>
        %dma_wait3A_319 = tpu.memref_squeeze %dma_wait3A_318 : memref<1x64x128xf32, #tpu.memory_space<vmem>> -> memref<64x128xf32, #tpu.memory_space<vmem>>
        %dma_wait3A_320 = arith.constant 0 : i32
        %dma_wait3A_321 = tpu.memref_slice %arg10[%add3A_288, %dma_wait3A_320] : memref<40x64xi32, #tpu.memory_space<vmem>> -> memref<1x64xi32, #tpu.memory_space<vmem>>
        %dma_wait3A_322 = tpu.memref_squeeze %dma_wait3A_321 : memref<1x64xi32, #tpu.memory_space<vmem>> -> memref<64xi32, #tpu.memory_space<vmem>>
        %dma_wait3A_323 = arith.constant 0 : i32
        %dma_wait3A_324 = arith.constant 0 : i32
        %dma_wait3A_325 = tpu.memref_slice %arg2[%dma_wait3A_323, %dma_wait3A_324] : memref<10240x128xf32, #tpu.memory_space<hbm>> -> memref<10240x128xf32, #tpu.memory_space<hbm>>
        tpu.wait_indirect_dma semaphore(%arg16 : memref<!tpu.dma_semaphore, #tpu.memory_space<semaphore_mem>>) src(%dma_wait3A_325 : memref<10240x128xf32, #tpu.memory_space<hbm>>) dst(%dma_wait3A_319 : memref<64x128xf32, #tpu.memory_space<vmem>>)
        %dma_start3A_326 = arith.constant 3 : i32
        %dma_start3A_327 = arith.constant 0 : i32
        %dma_start3A_328 = arith.constant 0 : i32
        %dma_start3A_329 = tpu.memref_slice %arg12[%dma_start3A_326, %dma_start3A_327, %dma_start3A_328] : memref<4x64x128xf32, #tpu.memory_space<vmem>> -> memref<1x64x128xf32, #tpu.memory_space<vmem>>
        %dma_start3A_330 = tpu.memref_squeeze %dma_start3A_329 : memref<1x64x128xf32, #tpu.memory_space<vmem>> -> memref<64x128xf32, #tpu.memory_space<vmem>>
        %dma_start3A_331 = arith.constant 0 : i32
        %dma_start3A_332 = tpu.memref_slice %arg11[%add3A_288, %dma_start3A_331] : memref<40x64xi32, #tpu.memory_space<vmem>> -> memref<1x64xi32, #tpu.memory_space<vmem>>
        %dma_start3A_333 = tpu.memref_squeeze %dma_start3A_332 : memref<1x64xi32, #tpu.memory_space<vmem>> -> memref<64xi32, #tpu.memory_space<vmem>>
        %dma_start3A_334 = arith.constant 0 : i32
        %dma_start3A_335 = arith.constant 0 : i32
        %dma_start3A_336 = tpu.memref_slice %arg9[%dma_start3A_334, %dma_start3A_335] : memref<10240x128xf32, #tpu.memory_space<vmem_shared>> -> memref<10240x128xf32, #tpu.memory_space<vmem_shared>>
        tpu.enqueue_indirect_dma source(%dma_start3A_330 : memref<64x128xf32, #tpu.memory_space<vmem>>) target(%dma_start3A_336 : memref<10240x128xf32, #tpu.memory_space<vmem_shared>>) offsets(%dma_start3A_333 : memref<64xi32, #tpu.memory_space<vmem>>) semaphore(%arg20 : memref<!tpu.dma_semaphore, #tpu.memory_space<semaphore_mem>>) {add = true}
        %mul3A_337 = arith.constant 4 : i32
        %mul3A_338 = arith.muli %mul3A_337, %scan3A_229 : i32
        %add3A_339 = arith.constant 2 : i32
        %add3A_340 = arith.addi %mul3A_338, %add3A_339 : i32
        %add3A_341 = arith.constant 2 : i32
        %add3A_342 = arith.addi %add3A_340, %add3A_341 : i32
        %sub3A_343 = arith.constant 2 : i32
        %sub3A_344 = arith.subi %add3A_342, %sub3A_343 : i32
        %dma_wait3A_345 = arith.constant 2 : i32
        %dma_wait3A_346 = arith.constant 0 : i32
        %dma_wait3A_347 = arith.constant 0 : i32
        %dma_wait3A_348 = tpu.memref_slice %arg12[%dma_wait3A_345, %dma_wait3A_346, %dma_wait3A_347] : memref<4x64x128xf32, #tpu.memory_space<vmem>> -> memref<1x64x128xf32, #tpu.memory_space<vmem>>
        %dma_wait3A_349 = tpu.memref_squeeze %dma_wait3A_348 : memref<1x64x128xf32, #tpu.memory_space<vmem>> -> memref<64x128xf32, #tpu.memory_space<vmem>>
        %dma_wait3A_350 = arith.constant 0 : i32
        %dma_wait3A_351 = tpu.memref_slice %arg11[%sub3A_344, %dma_wait3A_350] : memref<40x64xi32, #tpu.memory_space<vmem>> -> memref<1x64xi32, #tpu.memory_space<vmem>>
        %dma_wait3A_352 = tpu.memref_squeeze %dma_wait3A_351 : memref<1x64xi32, #tpu.memory_space<vmem>> -> memref<64xi32, #tpu.memory_space<vmem>>
        %dma_wait3A_353 = arith.constant 0 : i32
        %dma_wait3A_354 = arith.constant 0 : i32
        %dma_wait3A_355 = tpu.memref_slice %arg9[%dma_wait3A_353, %dma_wait3A_354] : memref<10240x128xf32, #tpu.memory_space<vmem_shared>> -> memref<10240x128xf32, #tpu.memory_space<vmem_shared>>
        tpu.wait_indirect_dma semaphore(%arg19 : memref<!tpu.dma_semaphore, #tpu.memory_space<semaphore_mem>>) src(%dma_wait3A_349 : memref<64x128xf32, #tpu.memory_space<vmem>>) dst(%dma_wait3A_355 : memref<10240x128xf32, #tpu.memory_space<vmem_shared>>)
        %add3A_356 = arith.constant 2 : i32
        %add3A_357 = arith.addi %add3A_342, %add3A_356 : i32
        %dma_start3A_358 = arith.constant 2 : i32
        %dma_start3A_359 = arith.constant 0 : i32
        %dma_start3A_360 = arith.constant 0 : i32
        %dma_start3A_361 = tpu.memref_slice %arg12[%dma_start3A_358, %dma_start3A_359, %dma_start3A_360] : memref<4x64x128xf32, #tpu.memory_space<vmem>> -> memref<1x64x128xf32, #tpu.memory_space<vmem>>
        %dma_start3A_362 = tpu.memref_squeeze %dma_start3A_361 : memref<1x64x128xf32, #tpu.memory_space<vmem>> -> memref<64x128xf32, #tpu.memory_space<vmem>>
        %dma_start3A_363 = arith.constant 0 : i32
        %dma_start3A_364 = tpu.memref_slice %arg10[%add3A_357, %dma_start3A_363] : memref<40x64xi32, #tpu.memory_space<vmem>> -> memref<1x64xi32, #tpu.memory_space<vmem>>
        %dma_start3A_365 = tpu.memref_squeeze %dma_start3A_364 : memref<1x64xi32, #tpu.memory_space<vmem>> -> memref<64xi32, #tpu.memory_space<vmem>>
        %dma_start3A_366 = arith.constant 0 : i32
        %dma_start3A_367 = arith.constant 0 : i32
        %dma_start3A_368 = tpu.memref_slice %arg2[%dma_start3A_366, %dma_start3A_367] : memref<10240x128xf32, #tpu.memory_space<hbm>> -> memref<10240x128xf32, #tpu.memory_space<hbm>>
        tpu.enqueue_indirect_dma source(%dma_start3A_368 : memref<10240x128xf32, #tpu.memory_space<hbm>>) target(%dma_start3A_362 : memref<64x128xf32, #tpu.memory_space<vmem>>) offsets(%dma_start3A_365 : memref<64xi32, #tpu.memory_space<vmem>>) semaphore(%arg15 : memref<!tpu.dma_semaphore, #tpu.memory_space<semaphore_mem>>)
        %dma_wait3A_369 = arith.constant 0 : i32
        %dma_wait3A_370 = arith.constant 0 : i32
        %dma_wait3A_371 = arith.constant 0 : i32
        %dma_wait3A_372 = tpu.memref_slice %arg12[%dma_wait3A_369, %dma_wait3A_370, %dma_wait3A_371] : memref<4x64x128xf32, #tpu.memory_space<vmem>> -> memref<1x64x128xf32, #tpu.memory_space<vmem>>
        %dma_wait3A_373 = tpu.memref_squeeze %dma_wait3A_372 : memref<1x64x128xf32, #tpu.memory_space<vmem>> -> memref<64x128xf32, #tpu.memory_space<vmem>>
        %dma_wait3A_374 = arith.constant 0 : i32
        %dma_wait3A_375 = tpu.memref_slice %arg10[%add3A_342, %dma_wait3A_374] : memref<40x64xi32, #tpu.memory_space<vmem>> -> memref<1x64xi32, #tpu.memory_space<vmem>>
        %dma_wait3A_376 = tpu.memref_squeeze %dma_wait3A_375 : memref<1x64xi32, #tpu.memory_space<vmem>> -> memref<64xi32, #tpu.memory_space<vmem>>
        %dma_wait3A_377 = arith.constant 0 : i32
        %dma_wait3A_378 = arith.constant 0 : i32
        %dma_wait3A_379 = tpu.memref_slice %arg2[%dma_wait3A_377, %dma_wait3A_378] : memref<10240x128xf32, #tpu.memory_space<hbm>> -> memref<10240x128xf32, #tpu.memory_space<hbm>>
        tpu.wait_indirect_dma semaphore(%arg13 : memref<!tpu.dma_semaphore, #tpu.memory_space<semaphore_mem>>) src(%dma_wait3A_379 : memref<10240x128xf32, #tpu.memory_space<hbm>>) dst(%dma_wait3A_373 : memref<64x128xf32, #tpu.memory_space<vmem>>)
        %dma_start3A_380 = arith.constant 0 : i32
        %dma_start3A_381 = arith.constant 0 : i32
        %dma_start3A_382 = arith.constant 0 : i32
        %dma_start3A_383 = tpu.memref_slice %arg12[%dma_start3A_380, %dma_start3A_381, %dma_start3A_382] : memref<4x64x128xf32, #tpu.memory_space<vmem>> -> memref<1x64x128xf32, #tpu.memory_space<vmem>>
        %dma_start3A_384 = tpu.memref_squeeze %dma_start3A_383 : memref<1x64x128xf32, #tpu.memory_space<vmem>> -> memref<64x128xf32, #tpu.memory_space<vmem>>
        %dma_start3A_385 = arith.constant 0 : i32
        %dma_start3A_386 = tpu.memref_slice %arg11[%add3A_342, %dma_start3A_385] : memref<40x64xi32, #tpu.memory_space<vmem>> -> memref<1x64xi32, #tpu.memory_space<vmem>>
        %dma_start3A_387 = tpu.memref_squeeze %dma_start3A_386 : memref<1x64xi32, #tpu.memory_space<vmem>> -> memref<64xi32, #tpu.memory_space<vmem>>
        %dma_start3A_388 = arith.constant 0 : i32
        %dma_start3A_389 = arith.constant 0 : i32
        %dma_start3A_390 = tpu.memref_slice %arg9[%dma_start3A_388, %dma_start3A_389] : memref<10240x128xf32, #tpu.memory_space<vmem_shared>> -> memref<10240x128xf32, #tpu.memory_space<vmem_shared>>
        tpu.enqueue_indirect_dma source(%dma_start3A_384 : memref<64x128xf32, #tpu.memory_space<vmem>>) target(%dma_start3A_390 : memref<10240x128xf32, #tpu.memory_space<vmem_shared>>) offsets(%dma_start3A_387 : memref<64xi32, #tpu.memory_space<vmem>>) semaphore(%arg17 : memref<!tpu.dma_semaphore, #tpu.memory_space<semaphore_mem>>) {add = true}
        %mul3A_391 = arith.constant 4 : i32
        %mul3A_392 = arith.muli %mul3A_391, %scan3A_229 : i32
        %add3A_393 = arith.constant 2 : i32
        %add3A_394 = arith.addi %mul3A_392, %add3A_393 : i32
        %add3A_395 = arith.constant 3 : i32
        %add3A_396 = arith.addi %add3A_394, %add3A_395 : i32
        %sub3A_397 = arith.constant 2 : i32
        %sub3A_398 = arith.subi %add3A_396, %sub3A_397 : i32
        %dma_wait3A_399 = arith.constant 3 : i32
        %dma_wait3A_400 = arith.constant 0 : i32
        %dma_wait3A_401 = arith.constant 0 : i32
        %dma_wait3A_402 = tpu.memref_slice %arg12[%dma_wait3A_399, %dma_wait3A_400, %dma_wait3A_401] : memref<4x64x128xf32, #tpu.memory_space<vmem>> -> memref<1x64x128xf32, #tpu.memory_space<vmem>>
        %dma_wait3A_403 = tpu.memref_squeeze %dma_wait3A_402 : memref<1x64x128xf32, #tpu.memory_space<vmem>> -> memref<64x128xf32, #tpu.memory_space<vmem>>
        %dma_wait3A_404 = arith.constant 0 : i32
        %dma_wait3A_405 = tpu.memref_slice %arg11[%sub3A_398, %dma_wait3A_404] : memref<40x64xi32, #tpu.memory_space<vmem>> -> memref<1x64xi32, #tpu.memory_space<vmem>>
        %dma_wait3A_406 = tpu.memref_squeeze %dma_wait3A_405 : memref<1x64xi32, #tpu.memory_space<vmem>> -> memref<64xi32, #tpu.memory_space<vmem>>
        %dma_wait3A_407 = arith.constant 0 : i32
        %dma_wait3A_408 = arith.constant 0 : i32
        %dma_wait3A_409 = tpu.memref_slice %arg9[%dma_wait3A_407, %dma_wait3A_408] : memref<10240x128xf32, #tpu.memory_space<vmem_shared>> -> memref<10240x128xf32, #tpu.memory_space<vmem_shared>>
        tpu.wait_indirect_dma semaphore(%arg20 : memref<!tpu.dma_semaphore, #tpu.memory_space<semaphore_mem>>) src(%dma_wait3A_403 : memref<64x128xf32, #tpu.memory_space<vmem>>) dst(%dma_wait3A_409 : memref<10240x128xf32, #tpu.memory_space<vmem_shared>>)
        %add3A_410 = arith.constant 2 : i32
        %add3A_411 = arith.addi %add3A_396, %add3A_410 : i32
        %dma_start3A_412 = arith.constant 3 : i32
        %dma_start3A_413 = arith.constant 0 : i32
        %dma_start3A_414 = arith.constant 0 : i32
        %dma_start3A_415 = tpu.memref_slice %arg12[%dma_start3A_412, %dma_start3A_413, %dma_start3A_414] : memref<4x64x128xf32, #tpu.memory_space<vmem>> -> memref<1x64x128xf32, #tpu.memory_space<vmem>>
        %dma_start3A_416 = tpu.memref_squeeze %dma_start3A_415 : memref<1x64x128xf32, #tpu.memory_space<vmem>> -> memref<64x128xf32, #tpu.memory_space<vmem>>
        %dma_start3A_417 = arith.constant 0 : i32
        %dma_start3A_418 = tpu.memref_slice %arg10[%add3A_411, %dma_start3A_417] : memref<40x64xi32, #tpu.memory_space<vmem>> -> memref<1x64xi32, #tpu.memory_space<vmem>>
        %dma_start3A_419 = tpu.memref_squeeze %dma_start3A_418 : memref<1x64xi32, #tpu.memory_space<vmem>> -> memref<64xi32, #tpu.memory_space<vmem>>
        %dma_start3A_420 = arith.constant 0 : i32
        %dma_start3A_421 = arith.constant 0 : i32
        %dma_start3A_422 = tpu.memref_slice %arg2[%dma_start3A_420, %dma_start3A_421] : memref<10240x128xf32, #tpu.memory_space<hbm>> -> memref<10240x128xf32, #tpu.memory_space<hbm>>
        tpu.enqueue_indirect_dma source(%dma_start3A_422 : memref<10240x128xf32, #tpu.memory_space<hbm>>) target(%dma_start3A_416 : memref<64x128xf32, #tpu.memory_space<vmem>>) offsets(%dma_start3A_419 : memref<64xi32, #tpu.memory_space<vmem>>) semaphore(%arg16 : memref<!tpu.dma_semaphore, #tpu.memory_space<semaphore_mem>>)
        %dma_wait3A_423 = arith.constant 1 : i32
        %dma_wait3A_424 = arith.constant 0 : i32
        %dma_wait3A_425 = arith.constant 0 : i32
        %dma_wait3A_426 = tpu.memref_slice %arg12[%dma_wait3A_423, %dma_wait3A_424, %dma_wait3A_425] : memref<4x64x128xf32, #tpu.memory_space<vmem>> -> memref<1x64x128xf32, #tpu.memory_space<vmem>>
        %dma_wait3A_427 = tpu.memref_squeeze %dma_wait3A_426 : memref<1x64x128xf32, #tpu.memory_space<vmem>> -> memref<64x128xf32, #tpu.memory_space<vmem>>
        %dma_wait3A_428 = arith.constant 0 : i32
        %dma_wait3A_429 = tpu.memref_slice %arg10[%add3A_396, %dma_wait3A_428] : memref<40x64xi32, #tpu.memory_space<vmem>> -> memref<1x64xi32, #tpu.memory_space<vmem>>
        %dma_wait3A_430 = tpu.memref_squeeze %dma_wait3A_429 : memref<1x64xi32, #tpu.memory_space<vmem>> -> memref<64xi32, #tpu.memory_space<vmem>>
        %dma_wait3A_431 = arith.constant 0 : i32
        %dma_wait3A_432 = arith.constant 0 : i32
        %dma_wait3A_433 = tpu.memref_slice %arg2[%dma_wait3A_431, %dma_wait3A_432] : memref<10240x128xf32, #tpu.memory_space<hbm>> -> memref<10240x128xf32, #tpu.memory_space<hbm>>
        tpu.wait_indirect_dma semaphore(%arg14 : memref<!tpu.dma_semaphore, #tpu.memory_space<semaphore_mem>>) src(%dma_wait3A_433 : memref<10240x128xf32, #tpu.memory_space<hbm>>) dst(%dma_wait3A_427 : memref<64x128xf32, #tpu.memory_space<vmem>>)
        %dma_start3A_434 = arith.constant 1 : i32
        %dma_start3A_435 = arith.constant 0 : i32
        %dma_start3A_436 = arith.constant 0 : i32
        %dma_start3A_437 = tpu.memref_slice %arg12[%dma_start3A_434, %dma_start3A_435, %dma_start3A_436] : memref<4x64x128xf32, #tpu.memory_space<vmem>> -> memref<1x64x128xf32, #tpu.memory_space<vmem>>
        %dma_start3A_438 = tpu.memref_squeeze %dma_start3A_437 : memref<1x64x128xf32, #tpu.memory_space<vmem>> -> memref<64x128xf32, #tpu.memory_space<vmem>>
        %dma_start3A_439 = arith.constant 0 : i32
        %dma_start3A_440 = tpu.memref_slice %arg11[%add3A_396, %dma_start3A_439] : memref<40x64xi32, #tpu.memory_space<vmem>> -> memref<1x64xi32, #tpu.memory_space<vmem>>
        %dma_start3A_441 = tpu.memref_squeeze %dma_start3A_440 : memref<1x64xi32, #tpu.memory_space<vmem>> -> memref<64xi32, #tpu.memory_space<vmem>>
        %dma_start3A_442 = arith.constant 0 : i32
        %dma_start3A_443 = arith.constant 0 : i32
        %dma_start3A_444 = tpu.memref_slice %arg9[%dma_start3A_442, %dma_start3A_443] : memref<10240x128xf32, #tpu.memory_space<vmem_shared>> -> memref<10240x128xf32, #tpu.memory_space<vmem_shared>>
        tpu.enqueue_indirect_dma source(%dma_start3A_438 : memref<64x128xf32, #tpu.memory_space<vmem>>) target(%dma_start3A_444 : memref<10240x128xf32, #tpu.memory_space<vmem_shared>>) offsets(%dma_start3A_441 : memref<64xi32, #tpu.memory_space<vmem>>) semaphore(%arg18 : memref<!tpu.dma_semaphore, #tpu.memory_space<semaphore_mem>>) {add = true}
      }
      %scan3A_132 = arith.constant 9 : i32
      %dma_wait3A_133 = arith.constant 0 : i32
      %dma_wait3A_134 = arith.constant 36 : i32
      %dma_wait3A_135 = arith.constant 0 : i32
      %dma_wait3A_136 = arith.constant 0 : i32
      %dma_wait3A_137 = tpu.memref_slice %arg12[%dma_wait3A_133, %dma_wait3A_135, %dma_wait3A_136] : memref<4x64x128xf32, #tpu.memory_space<vmem>> -> memref<1x64x128xf32, #tpu.memory_space<vmem>>
      %dma_wait3A_138 = tpu.memref_squeeze %dma_wait3A_137 : memref<1x64x128xf32, #tpu.memory_space<vmem>> -> memref<64x128xf32, #tpu.memory_space<vmem>>
      %dma_wait3A_139 = arith.constant 0 : i32
      %dma_wait3A_140 = tpu.memref_slice %arg11[%dma_wait3A_134, %dma_wait3A_139] : memref<40x64xi32, #tpu.memory_space<vmem>> -> memref<1x64xi32, #tpu.memory_space<vmem>>
      %dma_wait3A_141 = tpu.memref_squeeze %dma_wait3A_140 : memref<1x64xi32, #tpu.memory_space<vmem>> -> memref<64xi32, #tpu.memory_space<vmem>>
      %dma_wait3A_142 = arith.constant 0 : i32
      %dma_wait3A_143 = arith.constant 0 : i32
      %dma_wait3A_144 = tpu.memref_slice %arg9[%dma_wait3A_142, %dma_wait3A_143] : memref<10240x128xf32, #tpu.memory_space<vmem_shared>> -> memref<10240x128xf32, #tpu.memory_space<vmem_shared>>
      tpu.wait_indirect_dma semaphore(%arg17 : memref<!tpu.dma_semaphore, #tpu.memory_space<semaphore_mem>>) src(%dma_wait3A_138 : memref<64x128xf32, #tpu.memory_space<vmem>>) dst(%dma_wait3A_144 : memref<10240x128xf32, #tpu.memory_space<vmem_shared>>)
      %dma_wait3A_145 = arith.constant 38 : i32
      %dma_wait3A_146 = arith.constant 2 : i32
      %dma_wait3A_147 = arith.constant 0 : i32
      %dma_wait3A_148 = arith.constant 0 : i32
      %dma_wait3A_149 = tpu.memref_slice %arg12[%dma_wait3A_146, %dma_wait3A_147, %dma_wait3A_148] : memref<4x64x128xf32, #tpu.memory_space<vmem>> -> memref<1x64x128xf32, #tpu.memory_space<vmem>>
      %dma_wait3A_150 = tpu.memref_squeeze %dma_wait3A_149 : memref<1x64x128xf32, #tpu.memory_space<vmem>> -> memref<64x128xf32, #tpu.memory_space<vmem>>
      %dma_wait3A_151 = arith.constant 0 : i32
      %dma_wait3A_152 = tpu.memref_slice %arg10[%dma_wait3A_145, %dma_wait3A_151] : memref<40x64xi32, #tpu.memory_space<vmem>> -> memref<1x64xi32, #tpu.memory_space<vmem>>
      %dma_wait3A_153 = tpu.memref_squeeze %dma_wait3A_152 : memref<1x64xi32, #tpu.memory_space<vmem>> -> memref<64xi32, #tpu.memory_space<vmem>>
      %dma_wait3A_154 = arith.constant 0 : i32
      %dma_wait3A_155 = arith.constant 0 : i32
      %dma_wait3A_156 = tpu.memref_slice %arg2[%dma_wait3A_154, %dma_wait3A_155] : memref<10240x128xf32, #tpu.memory_space<hbm>> -> memref<10240x128xf32, #tpu.memory_space<hbm>>
      tpu.wait_indirect_dma semaphore(%arg15 : memref<!tpu.dma_semaphore, #tpu.memory_space<semaphore_mem>>) src(%dma_wait3A_156 : memref<10240x128xf32, #tpu.memory_space<hbm>>) dst(%dma_wait3A_150 : memref<64x128xf32, #tpu.memory_space<vmem>>)
      %dma_start3A_157 = arith.constant 2 : i32
      %dma_start3A_158 = arith.constant 38 : i32
      %dma_start3A_159 = arith.constant 0 : i32
      %dma_start3A_160 = arith.constant 0 : i32
      %dma_start3A_161 = tpu.memref_slice %arg12[%dma_start3A_157, %dma_start3A_159, %dma_start3A_160] : memref<4x64x128xf32, #tpu.memory_space<vmem>> -> memref<1x64x128xf32, #tpu.memory_space<vmem>>
      %dma_start3A_162 = tpu.memref_squeeze %dma_start3A_161 : memref<1x64x128xf32, #tpu.memory_space<vmem>> -> memref<64x128xf32, #tpu.memory_space<vmem>>
      %dma_start3A_163 = arith.constant 0 : i32
      %dma_start3A_164 = tpu.memref_slice %arg11[%dma_start3A_158, %dma_start3A_163] : memref<40x64xi32, #tpu.memory_space<vmem>> -> memref<1x64xi32, #tpu.memory_space<vmem>>
      %dma_start3A_165 = tpu.memref_squeeze %dma_start3A_164 : memref<1x64xi32, #tpu.memory_space<vmem>> -> memref<64xi32, #tpu.memory_space<vmem>>
      %dma_start3A_166 = arith.constant 0 : i32
      %dma_start3A_167 = arith.constant 0 : i32
      %dma_start3A_168 = tpu.memref_slice %arg9[%dma_start3A_166, %dma_start3A_167] : memref<10240x128xf32, #tpu.memory_space<vmem_shared>> -> memref<10240x128xf32, #tpu.memory_space<vmem_shared>>
      tpu.enqueue_indirect_dma source(%dma_start3A_162 : memref<64x128xf32, #tpu.memory_space<vmem>>) target(%dma_start3A_168 : memref<10240x128xf32, #tpu.memory_space<vmem_shared>>) offsets(%dma_start3A_165 : memref<64xi32, #tpu.memory_space<vmem>>) semaphore(%arg19 : memref<!tpu.dma_semaphore, #tpu.memory_space<semaphore_mem>>) {add = true}
      %dma_wait3A_169 = arith.constant 1 : i32
      %dma_wait3A_170 = arith.constant 37 : i32
      %dma_wait3A_171 = arith.constant 0 : i32
      %dma_wait3A_172 = arith.constant 0 : i32
      %dma_wait3A_173 = tpu.memref_slice %arg12[%dma_wait3A_169, %dma_wait3A_171, %dma_wait3A_172] : memref<4x64x128xf32, #tpu.memory_space<vmem>> -> memref<1x64x128xf32, #tpu.memory_space<vmem>>
      %dma_wait3A_174 = tpu.memref_squeeze %dma_wait3A_173 : memref<1x64x128xf32, #tpu.memory_space<vmem>> -> memref<64x128xf32, #tpu.memory_space<vmem>>
      %dma_wait3A_175 = arith.constant 0 : i32
      %dma_wait3A_176 = tpu.memref_slice %arg11[%dma_wait3A_170, %dma_wait3A_175] : memref<40x64xi32, #tpu.memory_space<vmem>> -> memref<1x64xi32, #tpu.memory_space<vmem>>
      %dma_wait3A_177 = tpu.memref_squeeze %dma_wait3A_176 : memref<1x64xi32, #tpu.memory_space<vmem>> -> memref<64xi32, #tpu.memory_space<vmem>>
      %dma_wait3A_178 = arith.constant 0 : i32
      %dma_wait3A_179 = arith.constant 0 : i32
      %dma_wait3A_180 = tpu.memref_slice %arg9[%dma_wait3A_178, %dma_wait3A_179] : memref<10240x128xf32, #tpu.memory_space<vmem_shared>> -> memref<10240x128xf32, #tpu.memory_space<vmem_shared>>
      tpu.wait_indirect_dma semaphore(%arg18 : memref<!tpu.dma_semaphore, #tpu.memory_space<semaphore_mem>>) src(%dma_wait3A_174 : memref<64x128xf32, #tpu.memory_space<vmem>>) dst(%dma_wait3A_180 : memref<10240x128xf32, #tpu.memory_space<vmem_shared>>)
      %dma_wait3A_181 = arith.constant 39 : i32
      %dma_wait3A_182 = arith.constant 3 : i32
      %dma_wait3A_183 = arith.constant 0 : i32
      %dma_wait3A_184 = arith.constant 0 : i32
      %dma_wait3A_185 = tpu.memref_slice %arg12[%dma_wait3A_182, %dma_wait3A_183, %dma_wait3A_184] : memref<4x64x128xf32, #tpu.memory_space<vmem>> -> memref<1x64x128xf32, #tpu.memory_space<vmem>>
      %dma_wait3A_186 = tpu.memref_squeeze %dma_wait3A_185 : memref<1x64x128xf32, #tpu.memory_space<vmem>> -> memref<64x128xf32, #tpu.memory_space<vmem>>
      %dma_wait3A_187 = arith.constant 0 : i32
      %dma_wait3A_188 = tpu.memref_slice %arg10[%dma_wait3A_181, %dma_wait3A_187] : memref<40x64xi32, #tpu.memory_space<vmem>> -> memref<1x64xi32, #tpu.memory_space<vmem>>
      %dma_wait3A_189 = tpu.memref_squeeze %dma_wait3A_188 : memref<1x64xi32, #tpu.memory_space<vmem>> -> memref<64xi32, #tpu.memory_space<vmem>>
      %dma_wait3A_190 = arith.constant 0 : i32
      %dma_wait3A_191 = arith.constant 0 : i32
      %dma_wait3A_192 = tpu.memref_slice %arg2[%dma_wait3A_190, %dma_wait3A_191] : memref<10240x128xf32, #tpu.memory_space<hbm>> -> memref<10240x128xf32, #tpu.memory_space<hbm>>
      tpu.wait_indirect_dma semaphore(%arg16 : memref<!tpu.dma_semaphore, #tpu.memory_space<semaphore_mem>>) src(%dma_wait3A_192 : memref<10240x128xf32, #tpu.memory_space<hbm>>) dst(%dma_wait3A_186 : memref<64x128xf32, #tpu.memory_space<vmem>>)
      %dma_start3A_193 = arith.constant 3 : i32
      %dma_start3A_194 = arith.constant 39 : i32
      %dma_start3A_195 = arith.constant 0 : i32
      %dma_start3A_196 = arith.constant 0 : i32
      %dma_start3A_197 = tpu.memref_slice %arg12[%dma_start3A_193, %dma_start3A_195, %dma_start3A_196] : memref<4x64x128xf32, #tpu.memory_space<vmem>> -> memref<1x64x128xf32, #tpu.memory_space<vmem>>
      %dma_start3A_198 = tpu.memref_squeeze %dma_start3A_197 : memref<1x64x128xf32, #tpu.memory_space<vmem>> -> memref<64x128xf32, #tpu.memory_space<vmem>>
      %dma_start3A_199 = arith.constant 0 : i32
      %dma_start3A_200 = tpu.memref_slice %arg11[%dma_start3A_194, %dma_start3A_199] : memref<40x64xi32, #tpu.memory_space<vmem>> -> memref<1x64xi32, #tpu.memory_space<vmem>>
      %dma_start3A_201 = tpu.memref_squeeze %dma_start3A_200 : memref<1x64xi32, #tpu.memory_space<vmem>> -> memref<64xi32, #tpu.memory_space<vmem>>
      %dma_start3A_202 = arith.constant 0 : i32
      %dma_start3A_203 = arith.constant 0 : i32
      %dma_start3A_204 = tpu.memref_slice %arg9[%dma_start3A_202, %dma_start3A_203] : memref<10240x128xf32, #tpu.memory_space<vmem_shared>> -> memref<10240x128xf32, #tpu.memory_space<vmem_shared>>
      tpu.enqueue_indirect_dma source(%dma_start3A_198 : memref<64x128xf32, #tpu.memory_space<vmem>>) target(%dma_start3A_204 : memref<10240x128xf32, #tpu.memory_space<vmem_shared>>) offsets(%dma_start3A_201 : memref<64xi32, #tpu.memory_space<vmem>>) semaphore(%arg20 : memref<!tpu.dma_semaphore, #tpu.memory_space<semaphore_mem>>) {add = true}
      %dma_wait3A_205 = arith.constant 2 : i32
      %dma_wait3A_206 = arith.constant 38 : i32
      %dma_wait3A_207 = arith.constant 0 : i32
      %dma_wait3A_208 = arith.constant 0 : i32
      %dma_wait3A_209 = tpu.memref_slice %arg12[%dma_wait3A_205, %dma_wait3A_207, %dma_wait3A_208] : memref<4x64x128xf32, #tpu.memory_space<vmem>> -> memref<1x64x128xf32, #tpu.memory_space<vmem>>
      %dma_wait3A_210 = tpu.memref_squeeze %dma_wait3A_209 : memref<1x64x128xf32, #tpu.memory_space<vmem>> -> memref<64x128xf32, #tpu.memory_space<vmem>>
      %dma_wait3A_211 = arith.constant 0 : i32
      %dma_wait3A_212 = tpu.memref_slice %arg11[%dma_wait3A_206, %dma_wait3A_211] : memref<40x64xi32, #tpu.memory_space<vmem>> -> memref<1x64xi32, #tpu.memory_space<vmem>>
      %dma_wait3A_213 = tpu.memref_squeeze %dma_wait3A_212 : memref<1x64xi32, #tpu.memory_space<vmem>> -> memref<64xi32, #tpu.memory_space<vmem>>
      %dma_wait3A_214 = arith.constant 0 : i32
      %dma_wait3A_215 = arith.constant 0 : i32
      %dma_wait3A_216 = tpu.memref_slice %arg9[%dma_wait3A_214, %dma_wait3A_215] : memref<10240x128xf32, #tpu.memory_space<vmem_shared>> -> memref<10240x128xf32, #tpu.memory_space<vmem_shared>>
      tpu.wait_indirect_dma semaphore(%arg19 : memref<!tpu.dma_semaphore, #tpu.memory_space<semaphore_mem>>) src(%dma_wait3A_210 : memref<64x128xf32, #tpu.memory_space<vmem>>) dst(%dma_wait3A_216 : memref<10240x128xf32, #tpu.memory_space<vmem_shared>>)
      %dma_wait3A_217 = arith.constant 3 : i32
      %dma_wait3A_218 = arith.constant 39 : i32
      %dma_wait3A_219 = arith.constant 0 : i32
      %dma_wait3A_220 = arith.constant 0 : i32
      %dma_wait3A_221 = tpu.memref_slice %arg12[%dma_wait3A_217, %dma_wait3A_219, %dma_wait3A_220] : memref<4x64x128xf32, #tpu.memory_space<vmem>> -> memref<1x64x128xf32, #tpu.memory_space<vmem>>
      %dma_wait3A_222 = tpu.memref_squeeze %dma_wait3A_221 : memref<1x64x128xf32, #tpu.memory_space<vmem>> -> memref<64x128xf32, #tpu.memory_space<vmem>>
      %dma_wait3A_223 = arith.constant 0 : i32
      %dma_wait3A_224 = tpu.memref_slice %arg11[%dma_wait3A_218, %dma_wait3A_223] : memref<40x64xi32, #tpu.memory_space<vmem>> -> memref<1x64xi32, #tpu.memory_space<vmem>>
      %dma_wait3A_225 = tpu.memref_squeeze %dma_wait3A_224 : memref<1x64xi32, #tpu.memory_space<vmem>> -> memref<64xi32, #tpu.memory_space<vmem>>
      %dma_wait3A_226 = arith.constant 0 : i32
      %dma_wait3A_227 = arith.constant 0 : i32
      %dma_wait3A_228 = tpu.memref_slice %arg9[%dma_wait3A_226, %dma_wait3A_227] : memref<10240x128xf32, #tpu.memory_space<vmem_shared>> -> memref<10240x128xf32, #tpu.memory_space<vmem_shared>>
      tpu.wait_indirect_dma semaphore(%arg20 : memref<!tpu.dma_semaphore, #tpu.memory_space<semaphore_mem>>) src(%dma_wait3A_222 : memref<64x128xf32, #tpu.memory_space<vmem>>) dst(%dma_wait3A_228 : memref<10240x128xf32, #tpu.memory_space<vmem_shared>>)
    }
    %scan3A_22 = arith.constant 4 : i32
    %barrier3A_23 = arith.constant 0 : index
    tpu.barrier barrier_id(%barrier3A_23)
    %mul3A_24 = arith.constant 640 : i32
    %mul3A_25 = arith.muli %arg1, %mul3A_24 : i32
    %mul3A_26 = arith.constant 640 : i32
    %mul3A_27 = arith.muli %arg1, %mul3A_26 : i32
    "tpu.region"() ({
      %run_scoped3A_28 = tpu.sem_alloc : memref<!tpu.dma_semaphore, #tpu.memory_space<semaphore_mem>>
      %dma_start3A = arith.constant 0 : i32
      %dma_start3A_29 = arith.constant 0 : i32
      %dma_start3A_30 = tpu.memref_slice %arg7[%arg0, %dma_start3A, %dma_start3A_29] : memref<2x10240x128xf32, #tpu.memory_space<hbm>> -> memref<1x10240x128xf32, #tpu.memory_space<hbm>>
      %dma_start3A_31 = tpu.memref_squeeze %dma_start3A_30 : memref<1x10240x128xf32, #tpu.memory_space<hbm>> -> memref<10240x128xf32, #tpu.memory_space<hbm>>
      %dma_start3A_32 = arith.constant 0 : i32
      %dma_start3A_33 = tpu.memref_slice %dma_start3A_31[%mul3A_27, %dma_start3A_32] : memref<10240x128xf32, #tpu.memory_space<hbm>> -> memref<640x128xf32, #tpu.memory_space<hbm>>
      %dma_start3A_34 = arith.constant 0 : i32
      %dma_start3A_35 = tpu.memref_slice %arg9[%mul3A_25, %dma_start3A_34] : memref<10240x128xf32, #tpu.memory_space<vmem_shared>> -> memref<640x128xf32, #tpu.memory_space<vmem_shared>>
      tpu.enqueue_dma source(%dma_start3A_35 : memref<640x128xf32, #tpu.memory_space<vmem_shared>>) target(%dma_start3A_33 : memref<640x128xf32, #tpu.memory_space<hbm>>) target_semaphore(%run_scoped3A_28 : memref<!tpu.dma_semaphore, #tpu.memory_space<semaphore_mem>>)
      %dma_wait3A = arith.constant 0 : i32
      %dma_wait3A_36 = arith.constant 0 : i32
      %dma_wait3A_37 = tpu.memref_slice %arg7[%arg0, %dma_wait3A, %dma_wait3A_36] : memref<2x10240x128xf32, #tpu.memory_space<hbm>> -> memref<1x10240x128xf32, #tpu.memory_space<hbm>>
      %dma_wait3A_38 = tpu.memref_squeeze %dma_wait3A_37 : memref<1x10240x128xf32, #tpu.memory_space<hbm>> -> memref<10240x128xf32, #tpu.memory_space<hbm>>
      %dma_wait3A_39 = arith.constant 0 : i32
      %dma_wait3A_40 = tpu.memref_slice %dma_wait3A_38[%mul3A_27, %dma_wait3A_39] : memref<10240x128xf32, #tpu.memory_space<hbm>> -> memref<640x128xf32, #tpu.memory_space<hbm>>
      %dma_wait3A_41 = arith.constant 0 : i32
      %dma_wait3A_42 = tpu.memref_slice %arg9[%mul3A_25, %dma_wait3A_41] : memref<10240x128xf32, #tpu.memory_space<vmem_shared>> -> memref<640x128xf32, #tpu.memory_space<vmem_shared>>
      tpu.wait_dma2 semaphore(%run_scoped3A_28 : memref<!tpu.dma_semaphore, #tpu.memory_space<semaphore_mem>>) src(%dma_wait3A_42 : memref<640x128xf32, #tpu.memory_space<vmem_shared>>) dst(%dma_wait3A_40 : memref<640x128xf32, #tpu.memory_space<hbm>>)
      tpu.yield
    }) : () -> ()
    return
  }
}

#map = affine_map<(d0, d1) -> (0, 0)>
#map1 = affine_map<(d0, d1) -> (0, 0, 0)>
module attributes {stable_mosaic.version = 14 : i64} {
  func.func @body(%arg0: i32, %arg1: i32, %arg2: memref<10240x128xf32, #tpu.memory_space<hbm>>, %arg3: memref<32x160x64xi32, #tpu.memory_space<hbm>>, %arg4: memref<32x160x64xi32, #tpu.memory_space<hbm>>, %arg5: memref<640x128xf32, #tpu.memory_space<hbm>>, %arg6: memref<2x10240x128xf32, #tpu.memory_space<hbm>>, %arg7: memref<10240x128xf32, #tpu.memory_space<vmem_shared>>, %arg8: memref<40x64xi32, #tpu.memory_space<vmem>>, %arg9: memref<40x64xi32, #tpu.memory_space<vmem>>, %arg10: memref<4x64x128xf32, #tpu.memory_space<vmem>>, %arg11: memref<!tpu.dma_semaphore, #tpu.memory_space<semaphore_mem>>, %arg12: memref<!tpu.dma_semaphore, #tpu.memory_space<semaphore_mem>>, %arg13: memref<!tpu.dma_semaphore, #tpu.memory_space<semaphore_mem>>, %arg14: memref<!tpu.dma_semaphore, #tpu.memory_space<semaphore_mem>>, %arg15: memref<!tpu.dma_semaphore, #tpu.memory_space<semaphore_mem>>, %arg16: memref<!tpu.dma_semaphore, #tpu.memory_space<semaphore_mem>>, %arg17: memref<!tpu.dma_semaphore, #tpu.memory_space<semaphore_mem>>, %arg18: memref<!tpu.dma_semaphore, #tpu.memory_space<semaphore_mem>>) attributes {dimension_semantics = [#tpu.dimension_semantics<core_parallel>, #tpu.dimension_semantics<subcore_parallel>], iteration_bounds = array<i64: 2, 16>, scalar_prefetch = 0 : i64, scratch_operands = 12 : i64, tpu.core_type = #tpu.core_type<sc_vector_subcore>, window_params = [{transform_indices = #map}, {transform_indices = #map1}, {transform_indices = #map1}, {transform_indices = #map}, {transform_indices = #map1}]} {
    %mul3A = arith.constant 16 : i32
    %mul3A_0 = arith.muli %arg0, %mul3A : i32
    %add3A = arith.addi %mul3A_0, %arg1 : i32
    %mul3A_1 = arith.constant 640 : i32
    %mul3A_2 = arith.muli %arg1, %mul3A_1 : i32
    "tpu.region"() ({
      %run_scoped3A = tpu.sem_alloc : memref<!tpu.dma_semaphore, #tpu.memory_space<semaphore_mem>>
      %dma_start3A = arith.constant 0 : i32
      %dma_start3A_13 = tpu.memref_slice %arg7[%mul3A_2, %dma_start3A] : memref<10240x128xf32, #tpu.memory_space<vmem_shared>> -> memref<640x128xf32, #tpu.memory_space<vmem_shared>>
      tpu.enqueue_dma source(%arg5 : memref<640x128xf32, #tpu.memory_space<hbm>>) target(%dma_start3A_13 : memref<640x128xf32, #tpu.memory_space<vmem_shared>>) target_semaphore(%run_scoped3A : memref<!tpu.dma_semaphore, #tpu.memory_space<semaphore_mem>>)
      %dma_wait3A = arith.constant 0 : i32
      %dma_wait3A_14 = tpu.memref_slice %arg7[%mul3A_2, %dma_wait3A] : memref<10240x128xf32, #tpu.memory_space<vmem_shared>> -> memref<640x128xf32, #tpu.memory_space<vmem_shared>>
      tpu.wait_dma2 semaphore(%run_scoped3A : memref<!tpu.dma_semaphore, #tpu.memory_space<semaphore_mem>>) src(%arg5 : memref<640x128xf32, #tpu.memory_space<hbm>>) dst(%dma_wait3A_14 : memref<640x128xf32, #tpu.memory_space<vmem_shared>>)
      tpu.yield
    }) : () -> ()
    %barrier3A = arith.constant 0 : index
    tpu.barrier barrier_id(%barrier3A)
    %scan3A = arith.constant 0 : i32
    %scan3A_3 = arith.constant 0 : i32
    %scan3A_4 = arith.constant 4 : i32
    %scan3A_5 = arith.addi %scan3A_3, %scan3A_4 : i32
    %scan3A_6 = arith.constant 1 : i32
    scf.for %scan3A_13 = %scan3A_3 to %scan3A_5 step %scan3A_6  : i32 {
      %mul3A_14 = arith.constant 40 : i32
      %mul3A_15 = arith.muli %scan3A_13, %mul3A_14 : i32
      "tpu.region"() ({
        %run_scoped3A = tpu.sem_alloc : memref<!tpu.dma_semaphore, #tpu.memory_space<semaphore_mem>>
        %dma_start3A_214 = arith.constant 0 : i32
        %dma_start3A_215 = arith.constant 0 : i32
        %dma_start3A_216 = tpu.memref_slice %arg3[%add3A, %dma_start3A_214, %dma_start3A_215] : memref<32x160x64xi32, #tpu.memory_space<hbm>> -> memref<1x160x64xi32, #tpu.memory_space<hbm>>
        %dma_start3A_217 = tpu.memref_squeeze %dma_start3A_216 : memref<1x160x64xi32, #tpu.memory_space<hbm>> -> memref<160x64xi32, #tpu.memory_space<hbm>>
        %dma_start3A_218 = arith.constant 0 : i32
        %dma_start3A_219 = tpu.memref_slice %dma_start3A_217[%mul3A_15, %dma_start3A_218] : memref<160x64xi32, #tpu.memory_space<hbm>> -> memref<40x64xi32, #tpu.memory_space<hbm>>
        %dma_start3A_220 = arith.constant 0 : i32
        %dma_start3A_221 = arith.constant 0 : i32
        %dma_start3A_222 = tpu.memref_slice %arg3[%add3A, %dma_start3A_220, %dma_start3A_221] : memref<32x160x64xi32, #tpu.memory_space<hbm>> -> memref<1x160x64xi32, #tpu.memory_space<hbm>>
        %dma_start3A_223 = tpu.memref_squeeze %dma_start3A_222 : memref<1x160x64xi32, #tpu.memory_space<hbm>> -> memref<160x64xi32, #tpu.memory_space<hbm>>
        %dma_start3A_224 = arith.constant 0 : i32
        %dma_start3A_225 = tpu.memref_slice %dma_start3A_223[%mul3A_15, %dma_start3A_224] : memref<160x64xi32, #tpu.memory_space<hbm>> -> memref<40x64xi32, #tpu.memory_space<hbm>>
        tpu.enqueue_dma source(%dma_start3A_225 : memref<40x64xi32, #tpu.memory_space<hbm>>) target(%arg8 : memref<40x64xi32, #tpu.memory_space<vmem>>) target_semaphore(%run_scoped3A : memref<!tpu.dma_semaphore, #tpu.memory_space<semaphore_mem>>)
        %dma_wait3A_226 = arith.constant 0 : i32
        %dma_wait3A_227 = arith.constant 0 : i32
        %dma_wait3A_228 = tpu.memref_slice %arg3[%add3A, %dma_wait3A_226, %dma_wait3A_227] : memref<32x160x64xi32, #tpu.memory_space<hbm>> -> memref<1x160x64xi32, #tpu.memory_space<hbm>>
        %dma_wait3A_229 = tpu.memref_squeeze %dma_wait3A_228 : memref<1x160x64xi32, #tpu.memory_space<hbm>> -> memref<160x64xi32, #tpu.memory_space<hbm>>
        %dma_wait3A_230 = arith.constant 0 : i32
        %dma_wait3A_231 = tpu.memref_slice %dma_wait3A_229[%mul3A_15, %dma_wait3A_230] : memref<160x64xi32, #tpu.memory_space<hbm>> -> memref<40x64xi32, #tpu.memory_space<hbm>>
        %dma_wait3A_232 = arith.constant 0 : i32
        %dma_wait3A_233 = arith.constant 0 : i32
        %dma_wait3A_234 = tpu.memref_slice %arg3[%add3A, %dma_wait3A_232, %dma_wait3A_233] : memref<32x160x64xi32, #tpu.memory_space<hbm>> -> memref<1x160x64xi32, #tpu.memory_space<hbm>>
        %dma_wait3A_235 = tpu.memref_squeeze %dma_wait3A_234 : memref<1x160x64xi32, #tpu.memory_space<hbm>> -> memref<160x64xi32, #tpu.memory_space<hbm>>
        %dma_wait3A_236 = arith.constant 0 : i32
        %dma_wait3A_237 = tpu.memref_slice %dma_wait3A_235[%mul3A_15, %dma_wait3A_236] : memref<160x64xi32, #tpu.memory_space<hbm>> -> memref<40x64xi32, #tpu.memory_space<hbm>>
        tpu.wait_dma2 semaphore(%run_scoped3A : memref<!tpu.dma_semaphore, #tpu.memory_space<semaphore_mem>>) src(%dma_wait3A_237 : memref<40x64xi32, #tpu.memory_space<hbm>>) dst(%arg8 : memref<40x64xi32, #tpu.memory_space<vmem>>)
        tpu.yield
      }) : () -> ()
      %mul3A_16 = arith.constant 40 : i32
      %mul3A_17 = arith.muli %scan3A_13, %mul3A_16 : i32
      "tpu.region"() ({
        %run_scoped3A = tpu.sem_alloc : memref<!tpu.dma_semaphore, #tpu.memory_space<semaphore_mem>>
        %dma_start3A_214 = arith.constant 0 : i32
        %dma_start3A_215 = arith.constant 0 : i32
        %dma_start3A_216 = tpu.memref_slice %arg4[%add3A, %dma_start3A_214, %dma_start3A_215] : memref<32x160x64xi32, #tpu.memory_space<hbm>> -> memref<1x160x64xi32, #tpu.memory_space<hbm>>
        %dma_start3A_217 = tpu.memref_squeeze %dma_start3A_216 : memref<1x160x64xi32, #tpu.memory_space<hbm>> -> memref<160x64xi32, #tpu.memory_space<hbm>>
        %dma_start3A_218 = arith.constant 0 : i32
        %dma_start3A_219 = tpu.memref_slice %dma_start3A_217[%mul3A_17, %dma_start3A_218] : memref<160x64xi32, #tpu.memory_space<hbm>> -> memref<40x64xi32, #tpu.memory_space<hbm>>
        %dma_start3A_220 = arith.constant 0 : i32
        %dma_start3A_221 = arith.constant 0 : i32
        %dma_start3A_222 = tpu.memref_slice %arg4[%add3A, %dma_start3A_220, %dma_start3A_221] : memref<32x160x64xi32, #tpu.memory_space<hbm>> -> memref<1x160x64xi32, #tpu.memory_space<hbm>>
        %dma_start3A_223 = tpu.memref_squeeze %dma_start3A_222 : memref<1x160x64xi32, #tpu.memory_space<hbm>> -> memref<160x64xi32, #tpu.memory_space<hbm>>
        %dma_start3A_224 = arith.constant 0 : i32
        %dma_start3A_225 = tpu.memref_slice %dma_start3A_223[%mul3A_17, %dma_start3A_224] : memref<160x64xi32, #tpu.memory_space<hbm>> -> memref<40x64xi32, #tpu.memory_space<hbm>>
        tpu.enqueue_dma source(%dma_start3A_225 : memref<40x64xi32, #tpu.memory_space<hbm>>) target(%arg9 : memref<40x64xi32, #tpu.memory_space<vmem>>) target_semaphore(%run_scoped3A : memref<!tpu.dma_semaphore, #tpu.memory_space<semaphore_mem>>)
        %dma_wait3A_226 = arith.constant 0 : i32
        %dma_wait3A_227 = arith.constant 0 : i32
        %dma_wait3A_228 = tpu.memref_slice %arg4[%add3A, %dma_wait3A_226, %dma_wait3A_227] : memref<32x160x64xi32, #tpu.memory_space<hbm>> -> memref<1x160x64xi32, #tpu.memory_space<hbm>>
        %dma_wait3A_229 = tpu.memref_squeeze %dma_wait3A_228 : memref<1x160x64xi32, #tpu.memory_space<hbm>> -> memref<160x64xi32, #tpu.memory_space<hbm>>
        %dma_wait3A_230 = arith.constant 0 : i32
        %dma_wait3A_231 = tpu.memref_slice %dma_wait3A_229[%mul3A_17, %dma_wait3A_230] : memref<160x64xi32, #tpu.memory_space<hbm>> -> memref<40x64xi32, #tpu.memory_space<hbm>>
        %dma_wait3A_232 = arith.constant 0 : i32
        %dma_wait3A_233 = arith.constant 0 : i32
        %dma_wait3A_234 = tpu.memref_slice %arg4[%add3A, %dma_wait3A_232, %dma_wait3A_233] : memref<32x160x64xi32, #tpu.memory_space<hbm>> -> memref<1x160x64xi32, #tpu.memory_space<hbm>>
        %dma_wait3A_235 = tpu.memref_squeeze %dma_wait3A_234 : memref<1x160x64xi32, #tpu.memory_space<hbm>> -> memref<160x64xi32, #tpu.memory_space<hbm>>
        %dma_wait3A_236 = arith.constant 0 : i32
        %dma_wait3A_237 = tpu.memref_slice %dma_wait3A_235[%mul3A_17, %dma_wait3A_236] : memref<160x64xi32, #tpu.memory_space<hbm>> -> memref<40x64xi32, #tpu.memory_space<hbm>>
        tpu.wait_dma2 semaphore(%run_scoped3A : memref<!tpu.dma_semaphore, #tpu.memory_space<semaphore_mem>>) src(%dma_wait3A_237 : memref<40x64xi32, #tpu.memory_space<hbm>>) dst(%arg9 : memref<40x64xi32, #tpu.memory_space<vmem>>)
        tpu.yield
      }) : () -> ()
      %dma_start3A = arith.constant 0 : i32
      %dma_start3A_18 = arith.constant 0 : i32
      %dma_start3A_19 = arith.constant 0 : i32
      %dma_start3A_20 = arith.constant 0 : i32
      %dma_start3A_21 = tpu.memref_slice %arg10[%dma_start3A_18, %dma_start3A_19, %dma_start3A_20] : memref<4x64x128xf32, #tpu.memory_space<vmem>> -> memref<1x64x128xf32, #tpu.memory_space<vmem>>
      %dma_start3A_22 = tpu.memref_squeeze %dma_start3A_21 : memref<1x64x128xf32, #tpu.memory_space<vmem>> -> memref<64x128xf32, #tpu.memory_space<vmem>>
      %dma_start3A_23 = arith.constant 0 : i32
      %dma_start3A_24 = tpu.memref_slice %arg8[%dma_start3A, %dma_start3A_23] : memref<40x64xi32, #tpu.memory_space<vmem>> -> memref<1x64xi32, #tpu.memory_space<vmem>>
      %dma_start3A_25 = tpu.memref_squeeze %dma_start3A_24 : memref<1x64xi32, #tpu.memory_space<vmem>> -> memref<64xi32, #tpu.memory_space<vmem>>
      %dma_start3A_26 = arith.constant 0 : i32
      %dma_start3A_27 = arith.constant 0 : i32
      %dma_start3A_28 = tpu.memref_slice %arg2[%dma_start3A_26, %dma_start3A_27] : memref<10240x128xf32, #tpu.memory_space<hbm>> -> memref<10240x128xf32, #tpu.memory_space<hbm>>
      tpu.enqueue_indirect_dma source(%dma_start3A_28 : memref<10240x128xf32, #tpu.memory_space<hbm>>) target(%dma_start3A_22 : memref<64x128xf32, #tpu.memory_space<vmem>>) offsets(%dma_start3A_25 : memref<64xi32, #tpu.memory_space<vmem>>) semaphore(%arg11 : memref<!tpu.dma_semaphore, #tpu.memory_space<semaphore_mem>>)
      %dma_start3A_29 = arith.constant 1 : i32
      %dma_start3A_30 = arith.constant 1 : i32
      %dma_start3A_31 = arith.constant 0 : i32
      %dma_start3A_32 = arith.constant 0 : i32
      %dma_start3A_33 = tpu.memref_slice %arg10[%dma_start3A_30, %dma_start3A_31, %dma_start3A_32] : memref<4x64x128xf32, #tpu.memory_space<vmem>> -> memref<1x64x128xf32, #tpu.memory_space<vmem>>
      %dma_start3A_34 = tpu.memref_squeeze %dma_start3A_33 : memref<1x64x128xf32, #tpu.memory_space<vmem>> -> memref<64x128xf32, #tpu.memory_space<vmem>>
      %dma_start3A_35 = arith.constant 0 : i32
      %dma_start3A_36 = tpu.memref_slice %arg8[%dma_start3A_29, %dma_start3A_35] : memref<40x64xi32, #tpu.memory_space<vmem>> -> memref<1x64xi32, #tpu.memory_space<vmem>>
      %dma_start3A_37 = tpu.memref_squeeze %dma_start3A_36 : memref<1x64xi32, #tpu.memory_space<vmem>> -> memref<64xi32, #tpu.memory_space<vmem>>
      %dma_start3A_38 = arith.constant 0 : i32
      %dma_start3A_39 = arith.constant 0 : i32
      %dma_start3A_40 = tpu.memref_slice %arg2[%dma_start3A_38, %dma_start3A_39] : memref<10240x128xf32, #tpu.memory_space<hbm>> -> memref<10240x128xf32, #tpu.memory_space<hbm>>
      tpu.enqueue_indirect_dma source(%dma_start3A_40 : memref<10240x128xf32, #tpu.memory_space<hbm>>) target(%dma_start3A_34 : memref<64x128xf32, #tpu.memory_space<vmem>>) offsets(%dma_start3A_37 : memref<64xi32, #tpu.memory_space<vmem>>) semaphore(%arg12 : memref<!tpu.dma_semaphore, #tpu.memory_space<semaphore_mem>>)
      %dma_start3A_41 = arith.constant 2 : i32
      %dma_start3A_42 = arith.constant 2 : i32
      %dma_start3A_43 = arith.constant 0 : i32
      %dma_start3A_44 = arith.constant 0 : i32
      %dma_start3A_45 = tpu.memref_slice %arg10[%dma_start3A_42, %dma_start3A_43, %dma_start3A_44] : memref<4x64x128xf32, #tpu.memory_space<vmem>> -> memref<1x64x128xf32, #tpu.memory_space<vmem>>
      %dma_start3A_46 = tpu.memref_squeeze %dma_start3A_45 : memref<1x64x128xf32, #tpu.memory_space<vmem>> -> memref<64x128xf32, #tpu.memory_space<vmem>>
      %dma_start3A_47 = arith.constant 0 : i32
      %dma_start3A_48 = tpu.memref_slice %arg8[%dma_start3A_41, %dma_start3A_47] : memref<40x64xi32, #tpu.memory_space<vmem>> -> memref<1x64xi32, #tpu.memory_space<vmem>>
      %dma_start3A_49 = tpu.memref_squeeze %dma_start3A_48 : memref<1x64xi32, #tpu.memory_space<vmem>> -> memref<64xi32, #tpu.memory_space<vmem>>
      %dma_start3A_50 = arith.constant 0 : i32
      %dma_start3A_51 = arith.constant 0 : i32
      %dma_start3A_52 = tpu.memref_slice %arg2[%dma_start3A_50, %dma_start3A_51] : memref<10240x128xf32, #tpu.memory_space<hbm>> -> memref<10240x128xf32, #tpu.memory_space<hbm>>
      tpu.enqueue_indirect_dma source(%dma_start3A_52 : memref<10240x128xf32, #tpu.memory_space<hbm>>) target(%dma_start3A_46 : memref<64x128xf32, #tpu.memory_space<vmem>>) offsets(%dma_start3A_49 : memref<64xi32, #tpu.memory_space<vmem>>) semaphore(%arg13 : memref<!tpu.dma_semaphore, #tpu.memory_space<semaphore_mem>>)
      %dma_wait3A = arith.constant 0 : i32
      %dma_wait3A_53 = arith.constant 0 : i32
      %dma_wait3A_54 = arith.constant 0 : i32
      %dma_wait3A_55 = arith.constant 0 : i32
      %dma_wait3A_56 = tpu.memref_slice %arg10[%dma_wait3A_53, %dma_wait3A_54, %dma_wait3A_55] : memref<4x64x128xf32, #tpu.memory_space<vmem>> -> memref<1x64x128xf32, #tpu.memory_space<vmem>>
      %dma_wait3A_57 = tpu.memref_squeeze %dma_wait3A_56 : memref<1x64x128xf32, #tpu.memory_space<vmem>> -> memref<64x128xf32, #tpu.memory_space<vmem>>
      %dma_wait3A_58 = arith.constant 0 : i32
      %dma_wait3A_59 = tpu.memref_slice %arg8[%dma_wait3A, %dma_wait3A_58] : memref<40x64xi32, #tpu.memory_space<vmem>> -> memref<1x64xi32, #tpu.memory_space<vmem>>
      %dma_wait3A_60 = tpu.memref_squeeze %dma_wait3A_59 : memref<1x64xi32, #tpu.memory_space<vmem>> -> memref<64xi32, #tpu.memory_space<vmem>>
      %dma_wait3A_61 = arith.constant 0 : i32
      %dma_wait3A_62 = arith.constant 0 : i32
      %dma_wait3A_63 = tpu.memref_slice %arg2[%dma_wait3A_61, %dma_wait3A_62] : memref<10240x128xf32, #tpu.memory_space<hbm>> -> memref<10240x128xf32, #tpu.memory_space<hbm>>
      tpu.wait_indirect_dma semaphore(%arg11 : memref<!tpu.dma_semaphore, #tpu.memory_space<semaphore_mem>>) src(%dma_wait3A_63 : memref<10240x128xf32, #tpu.memory_space<hbm>>) dst(%dma_wait3A_57 : memref<64x128xf32, #tpu.memory_space<vmem>>)
      %dma_start3A_64 = arith.constant 0 : i32
      %dma_start3A_65 = arith.constant 0 : i32
      %dma_start3A_66 = arith.constant 0 : i32
      %dma_start3A_67 = arith.constant 0 : i32
      %dma_start3A_68 = tpu.memref_slice %arg10[%dma_start3A_64, %dma_start3A_66, %dma_start3A_67] : memref<4x64x128xf32, #tpu.memory_space<vmem>> -> memref<1x64x128xf32, #tpu.memory_space<vmem>>
      %dma_start3A_69 = tpu.memref_squeeze %dma_start3A_68 : memref<1x64x128xf32, #tpu.memory_space<vmem>> -> memref<64x128xf32, #tpu.memory_space<vmem>>
      %dma_start3A_70 = arith.constant 0 : i32
      %dma_start3A_71 = tpu.memref_slice %arg9[%dma_start3A_65, %dma_start3A_70] : memref<40x64xi32, #tpu.memory_space<vmem>> -> memref<1x64xi32, #tpu.memory_space<vmem>>
      %dma_start3A_72 = tpu.memref_squeeze %dma_start3A_71 : memref<1x64xi32, #tpu.memory_space<vmem>> -> memref<64xi32, #tpu.memory_space<vmem>>
      %dma_start3A_73 = arith.constant 0 : i32
      %dma_start3A_74 = arith.constant 0 : i32
      %dma_start3A_75 = tpu.memref_slice %arg7[%dma_start3A_73, %dma_start3A_74] : memref<10240x128xf32, #tpu.memory_space<vmem_shared>> -> memref<10240x128xf32, #tpu.memory_space<vmem_shared>>
      tpu.enqueue_indirect_dma source(%dma_start3A_69 : memref<64x128xf32, #tpu.memory_space<vmem>>) target(%dma_start3A_75 : memref<10240x128xf32, #tpu.memory_space<vmem_shared>>) offsets(%dma_start3A_72 : memref<64xi32, #tpu.memory_space<vmem>>) semaphore(%arg15 : memref<!tpu.dma_semaphore, #tpu.memory_space<semaphore_mem>>) {add = true}
      %dma_start3A_76 = arith.constant 3 : i32
      %dma_start3A_77 = arith.constant 3 : i32
      %dma_start3A_78 = arith.constant 0 : i32
      %dma_start3A_79 = arith.constant 0 : i32
      %dma_start3A_80 = tpu.memref_slice %arg10[%dma_start3A_77, %dma_start3A_78, %dma_start3A_79] : memref<4x64x128xf32, #tpu.memory_space<vmem>> -> memref<1x64x128xf32, #tpu.memory_space<vmem>>
      %dma_start3A_81 = tpu.memref_squeeze %dma_start3A_80 : memref<1x64x128xf32, #tpu.memory_space<vmem>> -> memref<64x128xf32, #tpu.memory_space<vmem>>
      %dma_start3A_82 = arith.constant 0 : i32
      %dma_start3A_83 = tpu.memref_slice %arg8[%dma_start3A_76, %dma_start3A_82] : memref<40x64xi32, #tpu.memory_space<vmem>> -> memref<1x64xi32, #tpu.memory_space<vmem>>
      %dma_start3A_84 = tpu.memref_squeeze %dma_start3A_83 : memref<1x64xi32, #tpu.memory_space<vmem>> -> memref<64xi32, #tpu.memory_space<vmem>>
      %dma_start3A_85 = arith.constant 0 : i32
      %dma_start3A_86 = arith.constant 0 : i32
      %dma_start3A_87 = tpu.memref_slice %arg2[%dma_start3A_85, %dma_start3A_86] : memref<10240x128xf32, #tpu.memory_space<hbm>> -> memref<10240x128xf32, #tpu.memory_space<hbm>>
      tpu.enqueue_indirect_dma source(%dma_start3A_87 : memref<10240x128xf32, #tpu.memory_space<hbm>>) target(%dma_start3A_81 : memref<64x128xf32, #tpu.memory_space<vmem>>) offsets(%dma_start3A_84 : memref<64xi32, #tpu.memory_space<vmem>>) semaphore(%arg14 : memref<!tpu.dma_semaphore, #tpu.memory_space<semaphore_mem>>)
      %dma_wait3A_88 = arith.constant 1 : i32
      %dma_wait3A_89 = arith.constant 1 : i32
      %dma_wait3A_90 = arith.constant 0 : i32
      %dma_wait3A_91 = arith.constant 0 : i32
      %dma_wait3A_92 = tpu.memref_slice %arg10[%dma_wait3A_89, %dma_wait3A_90, %dma_wait3A_91] : memref<4x64x128xf32, #tpu.memory_space<vmem>> -> memref<1x64x128xf32, #tpu.memory_space<vmem>>
      %dma_wait3A_93 = tpu.memref_squeeze %dma_wait3A_92 : memref<1x64x128xf32, #tpu.memory_space<vmem>> -> memref<64x128xf32, #tpu.memory_space<vmem>>
      %dma_wait3A_94 = arith.constant 0 : i32
      %dma_wait3A_95 = tpu.memref_slice %arg8[%dma_wait3A_88, %dma_wait3A_94] : memref<40x64xi32, #tpu.memory_space<vmem>> -> memref<1x64xi32, #tpu.memory_space<vmem>>
      %dma_wait3A_96 = tpu.memref_squeeze %dma_wait3A_95 : memref<1x64xi32, #tpu.memory_space<vmem>> -> memref<64xi32, #tpu.memory_space<vmem>>
      %dma_wait3A_97 = arith.constant 0 : i32
      %dma_wait3A_98 = arith.constant 0 : i32
      %dma_wait3A_99 = tpu.memref_slice %arg2[%dma_wait3A_97, %dma_wait3A_98] : memref<10240x128xf32, #tpu.memory_space<hbm>> -> memref<10240x128xf32, #tpu.memory_space<hbm>>
      tpu.wait_indirect_dma semaphore(%arg12 : memref<!tpu.dma_semaphore, #tpu.memory_space<semaphore_mem>>) src(%dma_wait3A_99 : memref<10240x128xf32, #tpu.memory_space<hbm>>) dst(%dma_wait3A_93 : memref<64x128xf32, #tpu.memory_space<vmem>>)
      %dma_start3A_100 = arith.constant 1 : i32
      %dma_start3A_101 = arith.constant 1 : i32
      %dma_start3A_102 = arith.constant 0 : i32
      %dma_start3A_103 = arith.constant 0 : i32
      %dma_start3A_104 = tpu.memref_slice %arg10[%dma_start3A_100, %dma_start3A_102, %dma_start3A_103] : memref<4x64x128xf32, #tpu.memory_space<vmem>> -> memref<1x64x128xf32, #tpu.memory_space<vmem>>
      %dma_start3A_105 = tpu.memref_squeeze %dma_start3A_104 : memref<1x64x128xf32, #tpu.memory_space<vmem>> -> memref<64x128xf32, #tpu.memory_space<vmem>>
      %dma_start3A_106 = arith.constant 0 : i32
      %dma_start3A_107 = tpu.memref_slice %arg9[%dma_start3A_101, %dma_start3A_106] : memref<40x64xi32, #tpu.memory_space<vmem>> -> memref<1x64xi32, #tpu.memory_space<vmem>>
      %dma_start3A_108 = tpu.memref_squeeze %dma_start3A_107 : memref<1x64xi32, #tpu.memory_space<vmem>> -> memref<64xi32, #tpu.memory_space<vmem>>
      %dma_start3A_109 = arith.constant 0 : i32
      %dma_start3A_110 = arith.constant 0 : i32
      %dma_start3A_111 = tpu.memref_slice %arg7[%dma_start3A_109, %dma_start3A_110] : memref<10240x128xf32, #tpu.memory_space<vmem_shared>> -> memref<10240x128xf32, #tpu.memory_space<vmem_shared>>
      tpu.enqueue_indirect_dma source(%dma_start3A_105 : memref<64x128xf32, #tpu.memory_space<vmem>>) target(%dma_start3A_111 : memref<10240x128xf32, #tpu.memory_space<vmem_shared>>) offsets(%dma_start3A_108 : memref<64xi32, #tpu.memory_space<vmem>>) semaphore(%arg16 : memref<!tpu.dma_semaphore, #tpu.memory_space<semaphore_mem>>) {add = true}
      %scan3A_112 = arith.constant 0 : i32
      %scan3A_113 = arith.constant 0 : i32
      %scan3A_114 = arith.constant 9 : i32
      %scan3A_115 = arith.addi %scan3A_113, %scan3A_114 : i32
      %scan3A_116 = arith.constant 1 : i32
      scf.for %scan3A_214 = %scan3A_113 to %scan3A_115 step %scan3A_116  : i32 {
        %mul3A_215 = arith.constant 4 : i32
        %mul3A_216 = arith.muli %mul3A_215, %scan3A_214 : i32
        %add3A_217 = arith.constant 2 : i32
        %add3A_218 = arith.addi %mul3A_216, %add3A_217 : i32
        %add3A_219 = arith.constant 0 : i32
        %add3A_220 = arith.addi %add3A_218, %add3A_219 : i32
        %sub3A = arith.constant 2 : i32
        %sub3A_221 = arith.subi %add3A_220, %sub3A : i32
        %dma_wait3A_222 = arith.constant 0 : i32
        %dma_wait3A_223 = arith.constant 0 : i32
        %dma_wait3A_224 = arith.constant 0 : i32
        %dma_wait3A_225 = tpu.memref_slice %arg10[%dma_wait3A_222, %dma_wait3A_223, %dma_wait3A_224] : memref<4x64x128xf32, #tpu.memory_space<vmem>> -> memref<1x64x128xf32, #tpu.memory_space<vmem>>
        %dma_wait3A_226 = tpu.memref_squeeze %dma_wait3A_225 : memref<1x64x128xf32, #tpu.memory_space<vmem>> -> memref<64x128xf32, #tpu.memory_space<vmem>>
        %dma_wait3A_227 = arith.constant 0 : i32
        %dma_wait3A_228 = tpu.memref_slice %arg9[%sub3A_221, %dma_wait3A_227] : memref<40x64xi32, #tpu.memory_space<vmem>> -> memref<1x64xi32, #tpu.memory_space<vmem>>
        %dma_wait3A_229 = tpu.memref_squeeze %dma_wait3A_228 : memref<1x64xi32, #tpu.memory_space<vmem>> -> memref<64xi32, #tpu.memory_space<vmem>>
        %dma_wait3A_230 = arith.constant 0 : i32
        %dma_wait3A_231 = arith.constant 0 : i32
        %dma_wait3A_232 = tpu.memref_slice %arg7[%dma_wait3A_230, %dma_wait3A_231] : memref<10240x128xf32, #tpu.memory_space<vmem_shared>> -> memref<10240x128xf32, #tpu.memory_space<vmem_shared>>
        tpu.wait_indirect_dma semaphore(%arg15 : memref<!tpu.dma_semaphore, #tpu.memory_space<semaphore_mem>>) src(%dma_wait3A_226 : memref<64x128xf32, #tpu.memory_space<vmem>>) dst(%dma_wait3A_232 : memref<10240x128xf32, #tpu.memory_space<vmem_shared>>)
        %add3A_233 = arith.constant 2 : i32
        %add3A_234 = arith.addi %add3A_220, %add3A_233 : i32
        %dma_start3A_235 = arith.constant 0 : i32
        %dma_start3A_236 = arith.constant 0 : i32
        %dma_start3A_237 = arith.constant 0 : i32
        %dma_start3A_238 = tpu.memref_slice %arg10[%dma_start3A_235, %dma_start3A_236, %dma_start3A_237] : memref<4x64x128xf32, #tpu.memory_space<vmem>> -> memref<1x64x128xf32, #tpu.memory_space<vmem>>
        %dma_start3A_239 = tpu.memref_squeeze %dma_start3A_238 : memref<1x64x128xf32, #tpu.memory_space<vmem>> -> memref<64x128xf32, #tpu.memory_space<vmem>>
        %dma_start3A_240 = arith.constant 0 : i32
        %dma_start3A_241 = tpu.memref_slice %arg8[%add3A_234, %dma_start3A_240] : memref<40x64xi32, #tpu.memory_space<vmem>> -> memref<1x64xi32, #tpu.memory_space<vmem>>
        %dma_start3A_242 = tpu.memref_squeeze %dma_start3A_241 : memref<1x64xi32, #tpu.memory_space<vmem>> -> memref<64xi32, #tpu.memory_space<vmem>>
        %dma_start3A_243 = arith.constant 0 : i32
        %dma_start3A_244 = arith.constant 0 : i32
        %dma_start3A_245 = tpu.memref_slice %arg2[%dma_start3A_243, %dma_start3A_244] : memref<10240x128xf32, #tpu.memory_space<hbm>> -> memref<10240x128xf32, #tpu.memory_space<hbm>>
        tpu.enqueue_indirect_dma source(%dma_start3A_245 : memref<10240x128xf32, #tpu.memory_space<hbm>>) target(%dma_start3A_239 : memref<64x128xf32, #tpu.memory_space<vmem>>) offsets(%dma_start3A_242 : memref<64xi32, #tpu.memory_space<vmem>>) semaphore(%arg11 : memref<!tpu.dma_semaphore, #tpu.memory_space<semaphore_mem>>)
        %dma_wait3A_246 = arith.constant 2 : i32
        %dma_wait3A_247 = arith.constant 0 : i32
        %dma_wait3A_248 = arith.constant 0 : i32
        %dma_wait3A_249 = tpu.memref_slice %arg10[%dma_wait3A_246, %dma_wait3A_247, %dma_wait3A_248] : memref<4x64x128xf32, #tpu.memory_space<vmem>> -> memref<1x64x128xf32, #tpu.memory_space<vmem>>
        %dma_wait3A_250 = tpu.memref_squeeze %dma_wait3A_249 : memref<1x64x128xf32, #tpu.memory_space<vmem>> -> memref<64x128xf32, #tpu.memory_space<vmem>>
        %dma_wait3A_251 = arith.constant 0 : i32
        %dma_wait3A_252 = tpu.memref_slice %arg8[%add3A_220, %dma_wait3A_251] : memref<40x64xi32, #tpu.memory_space<vmem>> -> memref<1x64xi32, #tpu.memory_space<vmem>>
        %dma_wait3A_253 = tpu.memref_squeeze %dma_wait3A_252 : memref<1x64xi32, #tpu.memory_space<vmem>> -> memref<64xi32, #tpu.memory_space<vmem>>
        %dma_wait3A_254 = arith.constant 0 : i32
        %dma_wait3A_255 = arith.constant 0 : i32
        %dma_wait3A_256 = tpu.memref_slice %arg2[%dma_wait3A_254, %dma_wait3A_255] : memref<10240x128xf32, #tpu.memory_space<hbm>> -> memref<10240x128xf32, #tpu.memory_space<hbm>>
        tpu.wait_indirect_dma semaphore(%arg13 : memref<!tpu.dma_semaphore, #tpu.memory_space<semaphore_mem>>) src(%dma_wait3A_256 : memref<10240x128xf32, #tpu.memory_space<hbm>>) dst(%dma_wait3A_250 : memref<64x128xf32, #tpu.memory_space<vmem>>)
        %dma_start3A_257 = arith.constant 2 : i32
        %dma_start3A_258 = arith.constant 0 : i32
        %dma_start3A_259 = arith.constant 0 : i32
        %dma_start3A_260 = tpu.memref_slice %arg10[%dma_start3A_257, %dma_start3A_258, %dma_start3A_259] : memref<4x64x128xf32, #tpu.memory_space<vmem>> -> memref<1x64x128xf32, #tpu.memory_space<vmem>>
        %dma_start3A_261 = tpu.memref_squeeze %dma_start3A_260 : memref<1x64x128xf32, #tpu.memory_space<vmem>> -> memref<64x128xf32, #tpu.memory_space<vmem>>
        %dma_start3A_262 = arith.constant 0 : i32
        %dma_start3A_263 = tpu.memref_slice %arg9[%add3A_220, %dma_start3A_262] : memref<40x64xi32, #tpu.memory_space<vmem>> -> memref<1x64xi32, #tpu.memory_space<vmem>>
        %dma_start3A_264 = tpu.memref_squeeze %dma_start3A_263 : memref<1x64xi32, #tpu.memory_space<vmem>> -> memref<64xi32, #tpu.memory_space<vmem>>
        %dma_start3A_265 = arith.constant 0 : i32
        %dma_start3A_266 = arith.constant 0 : i32
        %dma_start3A_267 = tpu.memref_slice %arg7[%dma_start3A_265, %dma_start3A_266] : memref<10240x128xf32, #tpu.memory_space<vmem_shared>> -> memref<10240x128xf32, #tpu.memory_space<vmem_shared>>
        tpu.enqueue_indirect_dma source(%dma_start3A_261 : memref<64x128xf32, #tpu.memory_space<vmem>>) target(%dma_start3A_267 : memref<10240x128xf32, #tpu.memory_space<vmem_shared>>) offsets(%dma_start3A_264 : memref<64xi32, #tpu.memory_space<vmem>>) semaphore(%arg17 : memref<!tpu.dma_semaphore, #tpu.memory_space<semaphore_mem>>) {add = true}
        %mul3A_268 = arith.constant 4 : i32
        %mul3A_269 = arith.muli %mul3A_268, %scan3A_214 : i32
        %add3A_270 = arith.constant 2 : i32
        %add3A_271 = arith.addi %mul3A_269, %add3A_270 : i32
        %add3A_272 = arith.constant 1 : i32
        %add3A_273 = arith.addi %add3A_271, %add3A_272 : i32
        %sub3A_274 = arith.constant 2 : i32
        %sub3A_275 = arith.subi %add3A_273, %sub3A_274 : i32
        %dma_wait3A_276 = arith.constant 1 : i32
        %dma_wait3A_277 = arith.constant 0 : i32
        %dma_wait3A_278 = arith.constant 0 : i32
        %dma_wait3A_279 = tpu.memref_slice %arg10[%dma_wait3A_276, %dma_wait3A_277, %dma_wait3A_278] : memref<4x64x128xf32, #tpu.memory_space<vmem>> -> memref<1x64x128xf32, #tpu.memory_space<vmem>>
        %dma_wait3A_280 = tpu.memref_squeeze %dma_wait3A_279 : memref<1x64x128xf32, #tpu.memory_space<vmem>> -> memref<64x128xf32, #tpu.memory_space<vmem>>
        %dma_wait3A_281 = arith.constant 0 : i32
        %dma_wait3A_282 = tpu.memref_slice %arg9[%sub3A_275, %dma_wait3A_281] : memref<40x64xi32, #tpu.memory_space<vmem>> -> memref<1x64xi32, #tpu.memory_space<vmem>>
        %dma_wait3A_283 = tpu.memref_squeeze %dma_wait3A_282 : memref<1x64xi32, #tpu.memory_space<vmem>> -> memref<64xi32, #tpu.memory_space<vmem>>
        %dma_wait3A_284 = arith.constant 0 : i32
        %dma_wait3A_285 = arith.constant 0 : i32
        %dma_wait3A_286 = tpu.memref_slice %arg7[%dma_wait3A_284, %dma_wait3A_285] : memref<10240x128xf32, #tpu.memory_space<vmem_shared>> -> memref<10240x128xf32, #tpu.memory_space<vmem_shared>>
        tpu.wait_indirect_dma semaphore(%arg16 : memref<!tpu.dma_semaphore, #tpu.memory_space<semaphore_mem>>) src(%dma_wait3A_280 : memref<64x128xf32, #tpu.memory_space<vmem>>) dst(%dma_wait3A_286 : memref<10240x128xf32, #tpu.memory_space<vmem_shared>>)
        %add3A_287 = arith.constant 2 : i32
        %add3A_288 = arith.addi %add3A_273, %add3A_287 : i32
        %dma_start3A_289 = arith.constant 1 : i32
        %dma_start3A_290 = arith.constant 0 : i32
        %dma_start3A_291 = arith.constant 0 : i32
        %dma_start3A_292 = tpu.memref_slice %arg10[%dma_start3A_289, %dma_start3A_290, %dma_start3A_291] : memref<4x64x128xf32, #tpu.memory_space<vmem>> -> memref<1x64x128xf32, #tpu.memory_space<vmem>>
        %dma_start3A_293 = tpu.memref_squeeze %dma_start3A_292 : memref<1x64x128xf32, #tpu.memory_space<vmem>> -> memref<64x128xf32, #tpu.memory_space<vmem>>
        %dma_start3A_294 = arith.constant 0 : i32
        %dma_start3A_295 = tpu.memref_slice %arg8[%add3A_288, %dma_start3A_294] : memref<40x64xi32, #tpu.memory_space<vmem>> -> memref<1x64xi32, #tpu.memory_space<vmem>>
        %dma_start3A_296 = tpu.memref_squeeze %dma_start3A_295 : memref<1x64xi32, #tpu.memory_space<vmem>> -> memref<64xi32, #tpu.memory_space<vmem>>
        %dma_start3A_297 = arith.constant 0 : i32
        %dma_start3A_298 = arith.constant 0 : i32
        %dma_start3A_299 = tpu.memref_slice %arg2[%dma_start3A_297, %dma_start3A_298] : memref<10240x128xf32, #tpu.memory_space<hbm>> -> memref<10240x128xf32, #tpu.memory_space<hbm>>
        tpu.enqueue_indirect_dma source(%dma_start3A_299 : memref<10240x128xf32, #tpu.memory_space<hbm>>) target(%dma_start3A_293 : memref<64x128xf32, #tpu.memory_space<vmem>>) offsets(%dma_start3A_296 : memref<64xi32, #tpu.memory_space<vmem>>) semaphore(%arg12 : memref<!tpu.dma_semaphore, #tpu.memory_space<semaphore_mem>>)
        %dma_wait3A_300 = arith.constant 3 : i32
        %dma_wait3A_301 = arith.constant 0 : i32
        %dma_wait3A_302 = arith.constant 0 : i32
        %dma_wait3A_303 = tpu.memref_slice %arg10[%dma_wait3A_300, %dma_wait3A_301, %dma_wait3A_302] : memref<4x64x128xf32, #tpu.memory_space<vmem>> -> memref<1x64x128xf32, #tpu.memory_space<vmem>>
        %dma_wait3A_304 = tpu.memref_squeeze %dma_wait3A_303 : memref<1x64x128xf32, #tpu.memory_space<vmem>> -> memref<64x128xf32, #tpu.memory_space<vmem>>
        %dma_wait3A_305 = arith.constant 0 : i32
        %dma_wait3A_306 = tpu.memref_slice %arg8[%add3A_273, %dma_wait3A_305] : memref<40x64xi32, #tpu.memory_space<vmem>> -> memref<1x64xi32, #tpu.memory_space<vmem>>
        %dma_wait3A_307 = tpu.memref_squeeze %dma_wait3A_306 : memref<1x64xi32, #tpu.memory_space<vmem>> -> memref<64xi32, #tpu.memory_space<vmem>>
        %dma_wait3A_308 = arith.constant 0 : i32
        %dma_wait3A_309 = arith.constant 0 : i32
        %dma_wait3A_310 = tpu.memref_slice %arg2[%dma_wait3A_308, %dma_wait3A_309] : memref<10240x128xf32, #tpu.memory_space<hbm>> -> memref<10240x128xf32, #tpu.memory_space<hbm>>
        tpu.wait_indirect_dma semaphore(%arg14 : memref<!tpu.dma_semaphore, #tpu.memory_space<semaphore_mem>>) src(%dma_wait3A_310 : memref<10240x128xf32, #tpu.memory_space<hbm>>) dst(%dma_wait3A_304 : memref<64x128xf32, #tpu.memory_space<vmem>>)
        %dma_start3A_311 = arith.constant 3 : i32
        %dma_start3A_312 = arith.constant 0 : i32
        %dma_start3A_313 = arith.constant 0 : i32
        %dma_start3A_314 = tpu.memref_slice %arg10[%dma_start3A_311, %dma_start3A_312, %dma_start3A_313] : memref<4x64x128xf32, #tpu.memory_space<vmem>> -> memref<1x64x128xf32, #tpu.memory_space<vmem>>
        %dma_start3A_315 = tpu.memref_squeeze %dma_start3A_314 : memref<1x64x128xf32, #tpu.memory_space<vmem>> -> memref<64x128xf32, #tpu.memory_space<vmem>>
        %dma_start3A_316 = arith.constant 0 : i32
        %dma_start3A_317 = tpu.memref_slice %arg9[%add3A_273, %dma_start3A_316] : memref<40x64xi32, #tpu.memory_space<vmem>> -> memref<1x64xi32, #tpu.memory_space<vmem>>
        %dma_start3A_318 = tpu.memref_squeeze %dma_start3A_317 : memref<1x64xi32, #tpu.memory_space<vmem>> -> memref<64xi32, #tpu.memory_space<vmem>>
        %dma_start3A_319 = arith.constant 0 : i32
        %dma_start3A_320 = arith.constant 0 : i32
        %dma_start3A_321 = tpu.memref_slice %arg7[%dma_start3A_319, %dma_start3A_320] : memref<10240x128xf32, #tpu.memory_space<vmem_shared>> -> memref<10240x128xf32, #tpu.memory_space<vmem_shared>>
        tpu.enqueue_indirect_dma source(%dma_start3A_315 : memref<64x128xf32, #tpu.memory_space<vmem>>) target(%dma_start3A_321 : memref<10240x128xf32, #tpu.memory_space<vmem_shared>>) offsets(%dma_start3A_318 : memref<64xi32, #tpu.memory_space<vmem>>) semaphore(%arg18 : memref<!tpu.dma_semaphore, #tpu.memory_space<semaphore_mem>>) {add = true}
        %mul3A_322 = arith.constant 4 : i32
        %mul3A_323 = arith.muli %mul3A_322, %scan3A_214 : i32
        %add3A_324 = arith.constant 2 : i32
        %add3A_325 = arith.addi %mul3A_323, %add3A_324 : i32
        %add3A_326 = arith.constant 2 : i32
        %add3A_327 = arith.addi %add3A_325, %add3A_326 : i32
        %sub3A_328 = arith.constant 2 : i32
        %sub3A_329 = arith.subi %add3A_327, %sub3A_328 : i32
        %dma_wait3A_330 = arith.constant 2 : i32
        %dma_wait3A_331 = arith.constant 0 : i32
        %dma_wait3A_332 = arith.constant 0 : i32
        %dma_wait3A_333 = tpu.memref_slice %arg10[%dma_wait3A_330, %dma_wait3A_331, %dma_wait3A_332] : memref<4x64x128xf32, #tpu.memory_space<vmem>> -> memref<1x64x128xf32, #tpu.memory_space<vmem>>
        %dma_wait3A_334 = tpu.memref_squeeze %dma_wait3A_333 : memref<1x64x128xf32, #tpu.memory_space<vmem>> -> memref<64x128xf32, #tpu.memory_space<vmem>>
        %dma_wait3A_335 = arith.constant 0 : i32
        %dma_wait3A_336 = tpu.memref_slice %arg9[%sub3A_329, %dma_wait3A_335] : memref<40x64xi32, #tpu.memory_space<vmem>> -> memref<1x64xi32, #tpu.memory_space<vmem>>
        %dma_wait3A_337 = tpu.memref_squeeze %dma_wait3A_336 : memref<1x64xi32, #tpu.memory_space<vmem>> -> memref<64xi32, #tpu.memory_space<vmem>>
        %dma_wait3A_338 = arith.constant 0 : i32
        %dma_wait3A_339 = arith.constant 0 : i32
        %dma_wait3A_340 = tpu.memref_slice %arg7[%dma_wait3A_338, %dma_wait3A_339] : memref<10240x128xf32, #tpu.memory_space<vmem_shared>> -> memref<10240x128xf32, #tpu.memory_space<vmem_shared>>
        tpu.wait_indirect_dma semaphore(%arg17 : memref<!tpu.dma_semaphore, #tpu.memory_space<semaphore_mem>>) src(%dma_wait3A_334 : memref<64x128xf32, #tpu.memory_space<vmem>>) dst(%dma_wait3A_340 : memref<10240x128xf32, #tpu.memory_space<vmem_shared>>)
        %add3A_341 = arith.constant 2 : i32
        %add3A_342 = arith.addi %add3A_327, %add3A_341 : i32
        %dma_start3A_343 = arith.constant 2 : i32
        %dma_start3A_344 = arith.constant 0 : i32
        %dma_start3A_345 = arith.constant 0 : i32
        %dma_start3A_346 = tpu.memref_slice %arg10[%dma_start3A_343, %dma_start3A_344, %dma_start3A_345] : memref<4x64x128xf32, #tpu.memory_space<vmem>> -> memref<1x64x128xf32, #tpu.memory_space<vmem>>
        %dma_start3A_347 = tpu.memref_squeeze %dma_start3A_346 : memref<1x64x128xf32, #tpu.memory_space<vmem>> -> memref<64x128xf32, #tpu.memory_space<vmem>>
        %dma_start3A_348 = arith.constant 0 : i32
        %dma_start3A_349 = tpu.memref_slice %arg8[%add3A_342, %dma_start3A_348] : memref<40x64xi32, #tpu.memory_space<vmem>> -> memref<1x64xi32, #tpu.memory_space<vmem>>
        %dma_start3A_350 = tpu.memref_squeeze %dma_start3A_349 : memref<1x64xi32, #tpu.memory_space<vmem>> -> memref<64xi32, #tpu.memory_space<vmem>>
        %dma_start3A_351 = arith.constant 0 : i32
        %dma_start3A_352 = arith.constant 0 : i32
        %dma_start3A_353 = tpu.memref_slice %arg2[%dma_start3A_351, %dma_start3A_352] : memref<10240x128xf32, #tpu.memory_space<hbm>> -> memref<10240x128xf32, #tpu.memory_space<hbm>>
        tpu.enqueue_indirect_dma source(%dma_start3A_353 : memref<10240x128xf32, #tpu.memory_space<hbm>>) target(%dma_start3A_347 : memref<64x128xf32, #tpu.memory_space<vmem>>) offsets(%dma_start3A_350 : memref<64xi32, #tpu.memory_space<vmem>>) semaphore(%arg13 : memref<!tpu.dma_semaphore, #tpu.memory_space<semaphore_mem>>)
        %dma_wait3A_354 = arith.constant 0 : i32
        %dma_wait3A_355 = arith.constant 0 : i32
        %dma_wait3A_356 = arith.constant 0 : i32
        %dma_wait3A_357 = tpu.memref_slice %arg10[%dma_wait3A_354, %dma_wait3A_355, %dma_wait3A_356] : memref<4x64x128xf32, #tpu.memory_space<vmem>> -> memref<1x64x128xf32, #tpu.memory_space<vmem>>
        %dma_wait3A_358 = tpu.memref_squeeze %dma_wait3A_357 : memref<1x64x128xf32, #tpu.memory_space<vmem>> -> memref<64x128xf32, #tpu.memory_space<vmem>>
        %dma_wait3A_359 = arith.constant 0 : i32
        %dma_wait3A_360 = tpu.memref_slice %arg8[%add3A_327, %dma_wait3A_359] : memref<40x64xi32, #tpu.memory_space<vmem>> -> memref<1x64xi32, #tpu.memory_space<vmem>>
        %dma_wait3A_361 = tpu.memref_squeeze %dma_wait3A_360 : memref<1x64xi32, #tpu.memory_space<vmem>> -> memref<64xi32, #tpu.memory_space<vmem>>
        %dma_wait3A_362 = arith.constant 0 : i32
        %dma_wait3A_363 = arith.constant 0 : i32
        %dma_wait3A_364 = tpu.memref_slice %arg2[%dma_wait3A_362, %dma_wait3A_363] : memref<10240x128xf32, #tpu.memory_space<hbm>> -> memref<10240x128xf32, #tpu.memory_space<hbm>>
        tpu.wait_indirect_dma semaphore(%arg11 : memref<!tpu.dma_semaphore, #tpu.memory_space<semaphore_mem>>) src(%dma_wait3A_364 : memref<10240x128xf32, #tpu.memory_space<hbm>>) dst(%dma_wait3A_358 : memref<64x128xf32, #tpu.memory_space<vmem>>)
        %dma_start3A_365 = arith.constant 0 : i32
        %dma_start3A_366 = arith.constant 0 : i32
        %dma_start3A_367 = arith.constant 0 : i32
        %dma_start3A_368 = tpu.memref_slice %arg10[%dma_start3A_365, %dma_start3A_366, %dma_start3A_367] : memref<4x64x128xf32, #tpu.memory_space<vmem>> -> memref<1x64x128xf32, #tpu.memory_space<vmem>>
        %dma_start3A_369 = tpu.memref_squeeze %dma_start3A_368 : memref<1x64x128xf32, #tpu.memory_space<vmem>> -> memref<64x128xf32, #tpu.memory_space<vmem>>
        %dma_start3A_370 = arith.constant 0 : i32
        %dma_start3A_371 = tpu.memref_slice %arg9[%add3A_327, %dma_start3A_370] : memref<40x64xi32, #tpu.memory_space<vmem>> -> memref<1x64xi32, #tpu.memory_space<vmem>>
        %dma_start3A_372 = tpu.memref_squeeze %dma_start3A_371 : memref<1x64xi32, #tpu.memory_space<vmem>> -> memref<64xi32, #tpu.memory_space<vmem>>
        %dma_start3A_373 = arith.constant 0 : i32
        %dma_start3A_374 = arith.constant 0 : i32
        %dma_start3A_375 = tpu.memref_slice %arg7[%dma_start3A_373, %dma_start3A_374] : memref<10240x128xf32, #tpu.memory_space<vmem_shared>> -> memref<10240x128xf32, #tpu.memory_space<vmem_shared>>
        tpu.enqueue_indirect_dma source(%dma_start3A_369 : memref<64x128xf32, #tpu.memory_space<vmem>>) target(%dma_start3A_375 : memref<10240x128xf32, #tpu.memory_space<vmem_shared>>) offsets(%dma_start3A_372 : memref<64xi32, #tpu.memory_space<vmem>>) semaphore(%arg15 : memref<!tpu.dma_semaphore, #tpu.memory_space<semaphore_mem>>) {add = true}
        %mul3A_376 = arith.constant 4 : i32
        %mul3A_377 = arith.muli %mul3A_376, %scan3A_214 : i32
        %add3A_378 = arith.constant 2 : i32
        %add3A_379 = arith.addi %mul3A_377, %add3A_378 : i32
        %add3A_380 = arith.constant 3 : i32
        %add3A_381 = arith.addi %add3A_379, %add3A_380 : i32
        %sub3A_382 = arith.constant 2 : i32
        %sub3A_383 = arith.subi %add3A_381, %sub3A_382 : i32
        %dma_wait3A_384 = arith.constant 3 : i32
        %dma_wait3A_385 = arith.constant 0 : i32
        %dma_wait3A_386 = arith.constant 0 : i32
        %dma_wait3A_387 = tpu.memref_slice %arg10[%dma_wait3A_384, %dma_wait3A_385, %dma_wait3A_386] : memref<4x64x128xf32, #tpu.memory_space<vmem>> -> memref<1x64x128xf32, #tpu.memory_space<vmem>>
        %dma_wait3A_388 = tpu.memref_squeeze %dma_wait3A_387 : memref<1x64x128xf32, #tpu.memory_space<vmem>> -> memref<64x128xf32, #tpu.memory_space<vmem>>
        %dma_wait3A_389 = arith.constant 0 : i32
        %dma_wait3A_390 = tpu.memref_slice %arg9[%sub3A_383, %dma_wait3A_389] : memref<40x64xi32, #tpu.memory_space<vmem>> -> memref<1x64xi32, #tpu.memory_space<vmem>>
        %dma_wait3A_391 = tpu.memref_squeeze %dma_wait3A_390 : memref<1x64xi32, #tpu.memory_space<vmem>> -> memref<64xi32, #tpu.memory_space<vmem>>
        %dma_wait3A_392 = arith.constant 0 : i32
        %dma_wait3A_393 = arith.constant 0 : i32
        %dma_wait3A_394 = tpu.memref_slice %arg7[%dma_wait3A_392, %dma_wait3A_393] : memref<10240x128xf32, #tpu.memory_space<vmem_shared>> -> memref<10240x128xf32, #tpu.memory_space<vmem_shared>>
        tpu.wait_indirect_dma semaphore(%arg18 : memref<!tpu.dma_semaphore, #tpu.memory_space<semaphore_mem>>) src(%dma_wait3A_388 : memref<64x128xf32, #tpu.memory_space<vmem>>) dst(%dma_wait3A_394 : memref<10240x128xf32, #tpu.memory_space<vmem_shared>>)
        %add3A_395 = arith.constant 2 : i32
        %add3A_396 = arith.addi %add3A_381, %add3A_395 : i32
        %dma_start3A_397 = arith.constant 3 : i32
        %dma_start3A_398 = arith.constant 0 : i32
        %dma_start3A_399 = arith.constant 0 : i32
        %dma_start3A_400 = tpu.memref_slice %arg10[%dma_start3A_397, %dma_start3A_398, %dma_start3A_399] : memref<4x64x128xf32, #tpu.memory_space<vmem>> -> memref<1x64x128xf32, #tpu.memory_space<vmem>>
        %dma_start3A_401 = tpu.memref_squeeze %dma_start3A_400 : memref<1x64x128xf32, #tpu.memory_space<vmem>> -> memref<64x128xf32, #tpu.memory_space<vmem>>
        %dma_start3A_402 = arith.constant 0 : i32
        %dma_start3A_403 = tpu.memref_slice %arg8[%add3A_396, %dma_start3A_402] : memref<40x64xi32, #tpu.memory_space<vmem>> -> memref<1x64xi32, #tpu.memory_space<vmem>>
        %dma_start3A_404 = tpu.memref_squeeze %dma_start3A_403 : memref<1x64xi32, #tpu.memory_space<vmem>> -> memref<64xi32, #tpu.memory_space<vmem>>
        %dma_start3A_405 = arith.constant 0 : i32
        %dma_start3A_406 = arith.constant 0 : i32
        %dma_start3A_407 = tpu.memref_slice %arg2[%dma_start3A_405, %dma_start3A_406] : memref<10240x128xf32, #tpu.memory_space<hbm>> -> memref<10240x128xf32, #tpu.memory_space<hbm>>
        tpu.enqueue_indirect_dma source(%dma_start3A_407 : memref<10240x128xf32, #tpu.memory_space<hbm>>) target(%dma_start3A_401 : memref<64x128xf32, #tpu.memory_space<vmem>>) offsets(%dma_start3A_404 : memref<64xi32, #tpu.memory_space<vmem>>) semaphore(%arg14 : memref<!tpu.dma_semaphore, #tpu.memory_space<semaphore_mem>>)
        %dma_wait3A_408 = arith.constant 1 : i32
        %dma_wait3A_409 = arith.constant 0 : i32
        %dma_wait3A_410 = arith.constant 0 : i32
        %dma_wait3A_411 = tpu.memref_slice %arg10[%dma_wait3A_408, %dma_wait3A_409, %dma_wait3A_410] : memref<4x64x128xf32, #tpu.memory_space<vmem>> -> memref<1x64x128xf32, #tpu.memory_space<vmem>>
        %dma_wait3A_412 = tpu.memref_squeeze %dma_wait3A_411 : memref<1x64x128xf32, #tpu.memory_space<vmem>> -> memref<64x128xf32, #tpu.memory_space<vmem>>
        %dma_wait3A_413 = arith.constant 0 : i32
        %dma_wait3A_414 = tpu.memref_slice %arg8[%add3A_381, %dma_wait3A_413] : memref<40x64xi32, #tpu.memory_space<vmem>> -> memref<1x64xi32, #tpu.memory_space<vmem>>
        %dma_wait3A_415 = tpu.memref_squeeze %dma_wait3A_414 : memref<1x64xi32, #tpu.memory_space<vmem>> -> memref<64xi32, #tpu.memory_space<vmem>>
        %dma_wait3A_416 = arith.constant 0 : i32
        %dma_wait3A_417 = arith.constant 0 : i32
        %dma_wait3A_418 = tpu.memref_slice %arg2[%dma_wait3A_416, %dma_wait3A_417] : memref<10240x128xf32, #tpu.memory_space<hbm>> -> memref<10240x128xf32, #tpu.memory_space<hbm>>
        tpu.wait_indirect_dma semaphore(%arg12 : memref<!tpu.dma_semaphore, #tpu.memory_space<semaphore_mem>>) src(%dma_wait3A_418 : memref<10240x128xf32, #tpu.memory_space<hbm>>) dst(%dma_wait3A_412 : memref<64x128xf32, #tpu.memory_space<vmem>>)
        %dma_start3A_419 = arith.constant 1 : i32
        %dma_start3A_420 = arith.constant 0 : i32
        %dma_start3A_421 = arith.constant 0 : i32
        %dma_start3A_422 = tpu.memref_slice %arg10[%dma_start3A_419, %dma_start3A_420, %dma_start3A_421] : memref<4x64x128xf32, #tpu.memory_space<vmem>> -> memref<1x64x128xf32, #tpu.memory_space<vmem>>
        %dma_start3A_423 = tpu.memref_squeeze %dma_start3A_422 : memref<1x64x128xf32, #tpu.memory_space<vmem>> -> memref<64x128xf32, #tpu.memory_space<vmem>>
        %dma_start3A_424 = arith.constant 0 : i32
        %dma_start3A_425 = tpu.memref_slice %arg9[%add3A_381, %dma_start3A_424] : memref<40x64xi32, #tpu.memory_space<vmem>> -> memref<1x64xi32, #tpu.memory_space<vmem>>
        %dma_start3A_426 = tpu.memref_squeeze %dma_start3A_425 : memref<1x64xi32, #tpu.memory_space<vmem>> -> memref<64xi32, #tpu.memory_space<vmem>>
        %dma_start3A_427 = arith.constant 0 : i32
        %dma_start3A_428 = arith.constant 0 : i32
        %dma_start3A_429 = tpu.memref_slice %arg7[%dma_start3A_427, %dma_start3A_428] : memref<10240x128xf32, #tpu.memory_space<vmem_shared>> -> memref<10240x128xf32, #tpu.memory_space<vmem_shared>>
        tpu.enqueue_indirect_dma source(%dma_start3A_423 : memref<64x128xf32, #tpu.memory_space<vmem>>) target(%dma_start3A_429 : memref<10240x128xf32, #tpu.memory_space<vmem_shared>>) offsets(%dma_start3A_426 : memref<64xi32, #tpu.memory_space<vmem>>) semaphore(%arg16 : memref<!tpu.dma_semaphore, #tpu.memory_space<semaphore_mem>>) {add = true}
      }
      %scan3A_117 = arith.constant 9 : i32
      %dma_wait3A_118 = arith.constant 0 : i32
      %dma_wait3A_119 = arith.constant 36 : i32
      %dma_wait3A_120 = arith.constant 0 : i32
      %dma_wait3A_121 = arith.constant 0 : i32
      %dma_wait3A_122 = tpu.memref_slice %arg10[%dma_wait3A_118, %dma_wait3A_120, %dma_wait3A_121] : memref<4x64x128xf32, #tpu.memory_space<vmem>> -> memref<1x64x128xf32, #tpu.memory_space<vmem>>
      %dma_wait3A_123 = tpu.memref_squeeze %dma_wait3A_122 : memref<1x64x128xf32, #tpu.memory_space<vmem>> -> memref<64x128xf32, #tpu.memory_space<vmem>>
      %dma_wait3A_124 = arith.constant 0 : i32
      %dma_wait3A_125 = tpu.memref_slice %arg9[%dma_wait3A_119, %dma_wait3A_124] : memref<40x64xi32, #tpu.memory_space<vmem>> -> memref<1x64xi32, #tpu.memory_space<vmem>>
      %dma_wait3A_126 = tpu.memref_squeeze %dma_wait3A_125 : memref<1x64xi32, #tpu.memory_space<vmem>> -> memref<64xi32, #tpu.memory_space<vmem>>
      %dma_wait3A_127 = arith.constant 0 : i32
      %dma_wait3A_128 = arith.constant 0 : i32
      %dma_wait3A_129 = tpu.memref_slice %arg7[%dma_wait3A_127, %dma_wait3A_128] : memref<10240x128xf32, #tpu.memory_space<vmem_shared>> -> memref<10240x128xf32, #tpu.memory_space<vmem_shared>>
      tpu.wait_indirect_dma semaphore(%arg15 : memref<!tpu.dma_semaphore, #tpu.memory_space<semaphore_mem>>) src(%dma_wait3A_123 : memref<64x128xf32, #tpu.memory_space<vmem>>) dst(%dma_wait3A_129 : memref<10240x128xf32, #tpu.memory_space<vmem_shared>>)
      %dma_wait3A_130 = arith.constant 38 : i32
      %dma_wait3A_131 = arith.constant 2 : i32
      %dma_wait3A_132 = arith.constant 0 : i32
      %dma_wait3A_133 = arith.constant 0 : i32
      %dma_wait3A_134 = tpu.memref_slice %arg10[%dma_wait3A_131, %dma_wait3A_132, %dma_wait3A_133] : memref<4x64x128xf32, #tpu.memory_space<vmem>> -> memref<1x64x128xf32, #tpu.memory_space<vmem>>
      %dma_wait3A_135 = tpu.memref_squeeze %dma_wait3A_134 : memref<1x64x128xf32, #tpu.memory_space<vmem>> -> memref<64x128xf32, #tpu.memory_space<vmem>>
      %dma_wait3A_136 = arith.constant 0 : i32
      %dma_wait3A_137 = tpu.memref_slice %arg8[%dma_wait3A_130, %dma_wait3A_136] : memref<40x64xi32, #tpu.memory_space<vmem>> -> memref<1x64xi32, #tpu.memory_space<vmem>>
      %dma_wait3A_138 = tpu.memref_squeeze %dma_wait3A_137 : memref<1x64xi32, #tpu.memory_space<vmem>> -> memref<64xi32, #tpu.memory_space<vmem>>
      %dma_wait3A_139 = arith.constant 0 : i32
      %dma_wait3A_140 = arith.constant 0 : i32
      %dma_wait3A_141 = tpu.memref_slice %arg2[%dma_wait3A_139, %dma_wait3A_140] : memref<10240x128xf32, #tpu.memory_space<hbm>> -> memref<10240x128xf32, #tpu.memory_space<hbm>>
      tpu.wait_indirect_dma semaphore(%arg13 : memref<!tpu.dma_semaphore, #tpu.memory_space<semaphore_mem>>) src(%dma_wait3A_141 : memref<10240x128xf32, #tpu.memory_space<hbm>>) dst(%dma_wait3A_135 : memref<64x128xf32, #tpu.memory_space<vmem>>)
      %dma_start3A_142 = arith.constant 2 : i32
      %dma_start3A_143 = arith.constant 38 : i32
      %dma_start3A_144 = arith.constant 0 : i32
      %dma_start3A_145 = arith.constant 0 : i32
      %dma_start3A_146 = tpu.memref_slice %arg10[%dma_start3A_142, %dma_start3A_144, %dma_start3A_145] : memref<4x64x128xf32, #tpu.memory_space<vmem>> -> memref<1x64x128xf32, #tpu.memory_space<vmem>>
      %dma_start3A_147 = tpu.memref_squeeze %dma_start3A_146 : memref<1x64x128xf32, #tpu.memory_space<vmem>> -> memref<64x128xf32, #tpu.memory_space<vmem>>
      %dma_start3A_148 = arith.constant 0 : i32
      %dma_start3A_149 = tpu.memref_slice %arg9[%dma_start3A_143, %dma_start3A_148] : memref<40x64xi32, #tpu.memory_space<vmem>> -> memref<1x64xi32, #tpu.memory_space<vmem>>
      %dma_start3A_150 = tpu.memref_squeeze %dma_start3A_149 : memref<1x64xi32, #tpu.memory_space<vmem>> -> memref<64xi32, #tpu.memory_space<vmem>>
      %dma_start3A_151 = arith.constant 0 : i32
      %dma_start3A_152 = arith.constant 0 : i32
      %dma_start3A_153 = tpu.memref_slice %arg7[%dma_start3A_151, %dma_start3A_152] : memref<10240x128xf32, #tpu.memory_space<vmem_shared>> -> memref<10240x128xf32, #tpu.memory_space<vmem_shared>>
      tpu.enqueue_indirect_dma source(%dma_start3A_147 : memref<64x128xf32, #tpu.memory_space<vmem>>) target(%dma_start3A_153 : memref<10240x128xf32, #tpu.memory_space<vmem_shared>>) offsets(%dma_start3A_150 : memref<64xi32, #tpu.memory_space<vmem>>) semaphore(%arg17 : memref<!tpu.dma_semaphore, #tpu.memory_space<semaphore_mem>>) {add = true}
      %dma_wait3A_154 = arith.constant 1 : i32
      %dma_wait3A_155 = arith.constant 37 : i32
      %dma_wait3A_156 = arith.constant 0 : i32
      %dma_wait3A_157 = arith.constant 0 : i32
      %dma_wait3A_158 = tpu.memref_slice %arg10[%dma_wait3A_154, %dma_wait3A_156, %dma_wait3A_157] : memref<4x64x128xf32, #tpu.memory_space<vmem>> -> memref<1x64x128xf32, #tpu.memory_space<vmem>>
      %dma_wait3A_159 = tpu.memref_squeeze %dma_wait3A_158 : memref<1x64x128xf32, #tpu.memory_space<vmem>> -> memref<64x128xf32, #tpu.memory_space<vmem>>
      %dma_wait3A_160 = arith.constant 0 : i32
      %dma_wait3A_161 = tpu.memref_slice %arg9[%dma_wait3A_155, %dma_wait3A_160] : memref<40x64xi32, #tpu.memory_space<vmem>> -> memref<1x64xi32, #tpu.memory_space<vmem>>
      %dma_wait3A_162 = tpu.memref_squeeze %dma_wait3A_161 : memref<1x64xi32, #tpu.memory_space<vmem>> -> memref<64xi32, #tpu.memory_space<vmem>>
      %dma_wait3A_163 = arith.constant 0 : i32
      %dma_wait3A_164 = arith.constant 0 : i32
      %dma_wait3A_165 = tpu.memref_slice %arg7[%dma_wait3A_163, %dma_wait3A_164] : memref<10240x128xf32, #tpu.memory_space<vmem_shared>> -> memref<10240x128xf32, #tpu.memory_space<vmem_shared>>
      tpu.wait_indirect_dma semaphore(%arg16 : memref<!tpu.dma_semaphore, #tpu.memory_space<semaphore_mem>>) src(%dma_wait3A_159 : memref<64x128xf32, #tpu.memory_space<vmem>>) dst(%dma_wait3A_165 : memref<10240x128xf32, #tpu.memory_space<vmem_shared>>)
      %dma_wait3A_166 = arith.constant 39 : i32
      %dma_wait3A_167 = arith.constant 3 : i32
      %dma_wait3A_168 = arith.constant 0 : i32
      %dma_wait3A_169 = arith.constant 0 : i32
      %dma_wait3A_170 = tpu.memref_slice %arg10[%dma_wait3A_167, %dma_wait3A_168, %dma_wait3A_169] : memref<4x64x128xf32, #tpu.memory_space<vmem>> -> memref<1x64x128xf32, #tpu.memory_space<vmem>>
      %dma_wait3A_171 = tpu.memref_squeeze %dma_wait3A_170 : memref<1x64x128xf32, #tpu.memory_space<vmem>> -> memref<64x128xf32, #tpu.memory_space<vmem>>
      %dma_wait3A_172 = arith.constant 0 : i32
      %dma_wait3A_173 = tpu.memref_slice %arg8[%dma_wait3A_166, %dma_wait3A_172] : memref<40x64xi32, #tpu.memory_space<vmem>> -> memref<1x64xi32, #tpu.memory_space<vmem>>
      %dma_wait3A_174 = tpu.memref_squeeze %dma_wait3A_173 : memref<1x64xi32, #tpu.memory_space<vmem>> -> memref<64xi32, #tpu.memory_space<vmem>>
      %dma_wait3A_175 = arith.constant 0 : i32
      %dma_wait3A_176 = arith.constant 0 : i32
      %dma_wait3A_177 = tpu.memref_slice %arg2[%dma_wait3A_175, %dma_wait3A_176] : memref<10240x128xf32, #tpu.memory_space<hbm>> -> memref<10240x128xf32, #tpu.memory_space<hbm>>
      tpu.wait_indirect_dma semaphore(%arg14 : memref<!tpu.dma_semaphore, #tpu.memory_space<semaphore_mem>>) src(%dma_wait3A_177 : memref<10240x128xf32, #tpu.memory_space<hbm>>) dst(%dma_wait3A_171 : memref<64x128xf32, #tpu.memory_space<vmem>>)
      %dma_start3A_178 = arith.constant 3 : i32
      %dma_start3A_179 = arith.constant 39 : i32
      %dma_start3A_180 = arith.constant 0 : i32
      %dma_start3A_181 = arith.constant 0 : i32
      %dma_start3A_182 = tpu.memref_slice %arg10[%dma_start3A_178, %dma_start3A_180, %dma_start3A_181] : memref<4x64x128xf32, #tpu.memory_space<vmem>> -> memref<1x64x128xf32, #tpu.memory_space<vmem>>
      %dma_start3A_183 = tpu.memref_squeeze %dma_start3A_182 : memref<1x64x128xf32, #tpu.memory_space<vmem>> -> memref<64x128xf32, #tpu.memory_space<vmem>>
      %dma_start3A_184 = arith.constant 0 : i32
      %dma_start3A_185 = tpu.memref_slice %arg9[%dma_start3A_179, %dma_start3A_184] : memref<40x64xi32, #tpu.memory_space<vmem>> -> memref<1x64xi32, #tpu.memory_space<vmem>>
      %dma_start3A_186 = tpu.memref_squeeze %dma_start3A_185 : memref<1x64xi32, #tpu.memory_space<vmem>> -> memref<64xi32, #tpu.memory_space<vmem>>
      %dma_start3A_187 = arith.constant 0 : i32
      %dma_start3A_188 = arith.constant 0 : i32
      %dma_start3A_189 = tpu.memref_slice %arg7[%dma_start3A_187, %dma_start3A_188] : memref<10240x128xf32, #tpu.memory_space<vmem_shared>> -> memref<10240x128xf32, #tpu.memory_space<vmem_shared>>
      tpu.enqueue_indirect_dma source(%dma_start3A_183 : memref<64x128xf32, #tpu.memory_space<vmem>>) target(%dma_start3A_189 : memref<10240x128xf32, #tpu.memory_space<vmem_shared>>) offsets(%dma_start3A_186 : memref<64xi32, #tpu.memory_space<vmem>>) semaphore(%arg18 : memref<!tpu.dma_semaphore, #tpu.memory_space<semaphore_mem>>) {add = true}
      %dma_wait3A_190 = arith.constant 2 : i32
      %dma_wait3A_191 = arith.constant 38 : i32
      %dma_wait3A_192 = arith.constant 0 : i32
      %dma_wait3A_193 = arith.constant 0 : i32
      %dma_wait3A_194 = tpu.memref_slice %arg10[%dma_wait3A_190, %dma_wait3A_192, %dma_wait3A_193] : memref<4x64x128xf32, #tpu.memory_space<vmem>> -> memref<1x64x128xf32, #tpu.memory_space<vmem>>
      %dma_wait3A_195 = tpu.memref_squeeze %dma_wait3A_194 : memref<1x64x128xf32, #tpu.memory_space<vmem>> -> memref<64x128xf32, #tpu.memory_space<vmem>>
      %dma_wait3A_196 = arith.constant 0 : i32
      %dma_wait3A_197 = tpu.memref_slice %arg9[%dma_wait3A_191, %dma_wait3A_196] : memref<40x64xi32, #tpu.memory_space<vmem>> -> memref<1x64xi32, #tpu.memory_space<vmem>>
      %dma_wait3A_198 = tpu.memref_squeeze %dma_wait3A_197 : memref<1x64xi32, #tpu.memory_space<vmem>> -> memref<64xi32, #tpu.memory_space<vmem>>
      %dma_wait3A_199 = arith.constant 0 : i32
      %dma_wait3A_200 = arith.constant 0 : i32
      %dma_wait3A_201 = tpu.memref_slice %arg7[%dma_wait3A_199, %dma_wait3A_200] : memref<10240x128xf32, #tpu.memory_space<vmem_shared>> -> memref<10240x128xf32, #tpu.memory_space<vmem_shared>>
      tpu.wait_indirect_dma semaphore(%arg17 : memref<!tpu.dma_semaphore, #tpu.memory_space<semaphore_mem>>) src(%dma_wait3A_195 : memref<64x128xf32, #tpu.memory_space<vmem>>) dst(%dma_wait3A_201 : memref<10240x128xf32, #tpu.memory_space<vmem_shared>>)
      %dma_wait3A_202 = arith.constant 3 : i32
      %dma_wait3A_203 = arith.constant 39 : i32
      %dma_wait3A_204 = arith.constant 0 : i32
      %dma_wait3A_205 = arith.constant 0 : i32
      %dma_wait3A_206 = tpu.memref_slice %arg10[%dma_wait3A_202, %dma_wait3A_204, %dma_wait3A_205] : memref<4x64x128xf32, #tpu.memory_space<vmem>> -> memref<1x64x128xf32, #tpu.memory_space<vmem>>
      %dma_wait3A_207 = tpu.memref_squeeze %dma_wait3A_206 : memref<1x64x128xf32, #tpu.memory_space<vmem>> -> memref<64x128xf32, #tpu.memory_space<vmem>>
      %dma_wait3A_208 = arith.constant 0 : i32
      %dma_wait3A_209 = tpu.memref_slice %arg9[%dma_wait3A_203, %dma_wait3A_208] : memref<40x64xi32, #tpu.memory_space<vmem>> -> memref<1x64xi32, #tpu.memory_space<vmem>>
      %dma_wait3A_210 = tpu.memref_squeeze %dma_wait3A_209 : memref<1x64xi32, #tpu.memory_space<vmem>> -> memref<64xi32, #tpu.memory_space<vmem>>
      %dma_wait3A_211 = arith.constant 0 : i32
      %dma_wait3A_212 = arith.constant 0 : i32
      %dma_wait3A_213 = tpu.memref_slice %arg7[%dma_wait3A_211, %dma_wait3A_212] : memref<10240x128xf32, #tpu.memory_space<vmem_shared>> -> memref<10240x128xf32, #tpu.memory_space<vmem_shared>>
      tpu.wait_indirect_dma semaphore(%arg18 : memref<!tpu.dma_semaphore, #tpu.memory_space<semaphore_mem>>) src(%dma_wait3A_207 : memref<64x128xf32, #tpu.memory_space<vmem>>) dst(%dma_wait3A_213 : memref<10240x128xf32, #tpu.memory_space<vmem_shared>>)
    }
    %scan3A_7 = arith.constant 4 : i32
    %barrier3A_8 = arith.constant 0 : index
    tpu.barrier barrier_id(%barrier3A_8)
    %mul3A_9 = arith.constant 640 : i32
    %mul3A_10 = arith.muli %arg1, %mul3A_9 : i32
    %mul3A_11 = arith.constant 640 : i32
    %mul3A_12 = arith.muli %arg1, %mul3A_11 : i32
    "tpu.region"() ({
      %run_scoped3A = tpu.sem_alloc : memref<!tpu.dma_semaphore, #tpu.memory_space<semaphore_mem>>
      %dma_start3A = arith.constant 0 : i32
      %dma_start3A_13 = arith.constant 0 : i32
      %dma_start3A_14 = tpu.memref_slice %arg6[%arg0, %dma_start3A, %dma_start3A_13] : memref<2x10240x128xf32, #tpu.memory_space<hbm>> -> memref<1x10240x128xf32, #tpu.memory_space<hbm>>
      %dma_start3A_15 = tpu.memref_squeeze %dma_start3A_14 : memref<1x10240x128xf32, #tpu.memory_space<hbm>> -> memref<10240x128xf32, #tpu.memory_space<hbm>>
      %dma_start3A_16 = arith.constant 0 : i32
      %dma_start3A_17 = tpu.memref_slice %dma_start3A_15[%mul3A_12, %dma_start3A_16] : memref<10240x128xf32, #tpu.memory_space<hbm>> -> memref<640x128xf32, #tpu.memory_space<hbm>>
      %dma_start3A_18 = arith.constant 0 : i32
      %dma_start3A_19 = tpu.memref_slice %arg7[%mul3A_10, %dma_start3A_18] : memref<10240x128xf32, #tpu.memory_space<vmem_shared>> -> memref<640x128xf32, #tpu.memory_space<vmem_shared>>
      tpu.enqueue_dma source(%dma_start3A_19 : memref<640x128xf32, #tpu.memory_space<vmem_shared>>) target(%dma_start3A_17 : memref<640x128xf32, #tpu.memory_space<hbm>>) target_semaphore(%run_scoped3A : memref<!tpu.dma_semaphore, #tpu.memory_space<semaphore_mem>>)
      %dma_wait3A = arith.constant 0 : i32
      %dma_wait3A_20 = arith.constant 0 : i32
      %dma_wait3A_21 = tpu.memref_slice %arg6[%arg0, %dma_wait3A, %dma_wait3A_20] : memref<2x10240x128xf32, #tpu.memory_space<hbm>> -> memref<1x10240x128xf32, #tpu.memory_space<hbm>>
      %dma_wait3A_22 = tpu.memref_squeeze %dma_wait3A_21 : memref<1x10240x128xf32, #tpu.memory_space<hbm>> -> memref<10240x128xf32, #tpu.memory_space<hbm>>
      %dma_wait3A_23 = arith.constant 0 : i32
      %dma_wait3A_24 = tpu.memref_slice %dma_wait3A_22[%mul3A_12, %dma_wait3A_23] : memref<10240x128xf32, #tpu.memory_space<hbm>> -> memref<640x128xf32, #tpu.memory_space<hbm>>
      %dma_wait3A_25 = arith.constant 0 : i32
      %dma_wait3A_26 = tpu.memref_slice %arg7[%mul3A_10, %dma_wait3A_25] : memref<10240x128xf32, #tpu.memory_space<vmem_shared>> -> memref<640x128xf32, #tpu.memory_space<vmem_shared>>
      tpu.wait_dma2 semaphore(%run_scoped3A : memref<!tpu.dma_semaphore, #tpu.memory_space<semaphore_mem>>) src(%dma_wait3A_26 : memref<640x128xf32, #tpu.memory_space<vmem_shared>>) dst(%dma_wait3A_24 : memref<640x128xf32, #tpu.memory_space<hbm>>)
      tpu.yield
    }) : () -> ()
    return
  }
}

module attributes {stable_mosaic.version = 14 : i64} {
  func.func @body(%arg0: i32, %arg1: memref<1024x128xf32, #tpu.memory_space<vmem>>, %arg2: memref<1024x128xf32, #tpu.memory_space<vmem>>, %arg3: memref<1024x128xf32, #tpu.memory_space<vmem>>, %arg4: memref<1024x128xf32, #tpu.memory_space<vmem>>, %arg5: memref<128x128xf32, #tpu.memory_space<vmem>>, %arg6: memref<1024x128xf32, #tpu.memory_space<vmem>>, %arg7: memref<1024x128xf32, #tpu.memory_space<vmem>>) attributes {dimension_semantics = [#tpu.dimension_semantics<arbitrary>], iteration_bounds = array<i64: 10>, scalar_prefetch = 0 : i64, scratch_operands = 0 : i64, tpu.core_type = #tpu.core_type<tc>, window_params = [{transform_indices = @transform_0, window_bounds = array<i64: 1024, 128>}, {transform_indices = @transform_1, window_bounds = array<i64: 1024, 128>}, {transform_indices = @transform_2, window_bounds = array<i64: 1024, 128>}, {transform_indices = @transform_3, window_bounds = array<i64: 1024, 128>}, {pipeline_mode = #tpu.pipeline_mode<synchronous>, transform_indices = @transform_4, window_bounds = array<i64: 128, 128>}, {transform_indices = @transform_5, window_bounds = array<i64: 1024, 128>}, {transform_indices = @transform_6, window_bounds = array<i64: 1024, 128>}]} {
    %get3A = arith.constant 0 : index
    %get3A_0 = arith.constant 0 : index
    %get3A_1 = vector.load %arg1[%get3A, %get3A_0] : memref<1024x128xf32, #tpu.memory_space<vmem>>, vector<1024x128xf32>
    %get3A_2 = arith.constant 0 : index
    %get3A_3 = arith.constant 0 : index
    %get3A_4 = vector.load %arg2[%get3A_2, %get3A_3] : memref<1024x128xf32, #tpu.memory_space<vmem>>, vector<1024x128xf32>
    %add3A = arith.addf %get3A_1, %get3A_4 : vector<1024x128xf32>
    %get3A_5 = arith.constant 0 : index
    %get3A_6 = arith.constant 0 : index
    %get3A_7 = vector.load %arg5[%get3A_5, %get3A_6] : memref<128x128xf32, #tpu.memory_space<vmem>>, vector<128x128xf32>
    %dot_general3A = arith.constant dense<0.000000e+00> : vector<1024x128xf32>
    %dot_general3A_8 = tpu.matmul %add3A, %get3A_7, %dot_general3A {dimension_numbers = #tpu.dot_dimension_numbers<[1], [1], [0], [0], [0, 0, 1, 0], [], []>, transpose_lhs_hint = false} : vector<1024x128xf32>, vector<128x128xf32>, vector<1024x128xf32> -> vector<1024x128xf32>
    %get3A_9 = arith.constant 0 : index
    %get3A_10 = arith.constant 0 : index
    %get3A_11 = vector.load %arg3[%get3A_9, %get3A_10] : memref<1024x128xf32, #tpu.memory_space<vmem>>, vector<1024x1xf32>
    %get3A_12 = arith.constant 0 : index
    %get3A_13 = arith.constant 0 : index
    %get3A_14 = vector.load %arg4[%get3A_12, %get3A_13] : memref<1024x128xf32, #tpu.memory_space<vmem>>, vector<1024x1xf32>
    %add3A_15 = arith.addf %get3A_11, %get3A_14 : vector<1024x1xf32>
    %max3A = arith.constant 1.000000e+00 : f32
    %max3A_16 = vector.broadcast %max3A : f32 to vector<1024x1xf32>
    %max3A_17 = arith.maximumf %add3A_15, %max3A_16 : vector<1024x1xf32>
    %div3A = arith.constant 1.000000e+00 : f32
    %div3A_18 = vector.broadcast %div3A : f32 to vector<1024x1xf32>
    %div3A_19 = arith.divf %div3A_18, %max3A_17 : vector<1024x1xf32>
    %mul3A = vector.broadcast %div3A_19 : vector<1024x1xf32> to vector<1024x128xf32>
    %mul3A_20 = arith.mulf %dot_general3A_8, %mul3A : vector<1024x128xf32>
    %get3A_21 = arith.constant 0 : index
    %get3A_22 = arith.constant 0 : index
    %get3A_23 = vector.load %arg6[%get3A_21, %get3A_22] : memref<1024x128xf32, #tpu.memory_space<vmem>>, vector<1024x128xf32>
    %add3A_24 = arith.addf %mul3A_20, %get3A_23 : vector<1024x128xf32>
    %swap3A = arith.constant 0 : index
    %swap3A_25 = arith.constant 0 : index
    %swap3A_26 = vector.load %arg7[%swap3A, %swap3A_25] : memref<1024x128xf32, #tpu.memory_space<vmem>>, vector<1024x128xf32>
    tpu.vector_store %arg7[%swap3A, %swap3A_25], %add3A_24 {strides = array<i32>} : memref<1024x128xf32, #tpu.memory_space<vmem>>, vector<1024x128xf32>,
    return
  }
  func.func @transform_0(%arg0: i32) -> (i32, i32) {
    %c0_i32 = arith.constant 0 : i32
    %c0_i32_0 = arith.constant 0 : i32
    return %arg0, %c0_i32 : i32, i32
  }
  func.func @transform_1(%arg0: i32) -> (i32, i32) {
    %c0_i32 = arith.constant 0 : i32
    %c0_i32_0 = arith.constant 0 : i32
    return %arg0, %c0_i32 : i32, i32
  }
  func.func @transform_2(%arg0: i32) -> (i32, i32) {
    %c0_i32 = arith.constant 0 : i32
    %c0_i32_0 = arith.constant 0 : i32
    return %arg0, %c0_i32 : i32, i32
  }
  func.func @transform_3(%arg0: i32) -> (i32, i32) {
    %c0_i32 = arith.constant 0 : i32
    %c0_i32_0 = arith.constant 0 : i32
    return %arg0, %c0_i32 : i32, i32
  }
  func.func @transform_4(%arg0: i32) -> (i32, i32) {
    %c0_i32 = arith.constant 0 : i32
    %c0_i32_0 = arith.constant 0 : i32
    %c0_i32_1 = arith.constant 0 : i32
    return %c0_i32, %c0_i32_0 : i32, i32
  }
  func.func @transform_5(%arg0: i32) -> (i32, i32) {
    %c0_i32 = arith.constant 0 : i32
    %c0_i32_0 = arith.constant 0 : i32
    return %arg0, %c0_i32 : i32, i32
  }
  func.func @transform_6(%arg0: i32) -> (i32, i32) {
    %c0_i32 = arith.constant 0 : i32
    %c0_i32_0 = arith.constant 0 : i32
    return %arg0, %c0_i32 : i32, i32
  }
}

module attributes {stable_mosaic.version = 14 : i64} {
  func.func @body(%arg0: i32, %arg1: memref<1024x128xf32, #tpu.memory_space<vmem>>, %arg2: memref<1024x128xf32, #tpu.memory_space<vmem>>, %arg3: memref<1024x128xf32, #tpu.memory_space<vmem>>, %arg4: memref<1024x128xf32, #tpu.memory_space<vmem>>, %arg5: memref<128x128xf32, #tpu.memory_space<vmem>>, %arg6: memref<1024x128xf32, #tpu.memory_space<vmem>>, %arg7: memref<1024x128xf32, #tpu.memory_space<vmem>>, %arg8: memref<1024x128xf32, #tpu.memory_space<vmem>>) attributes {dimension_semantics = [#tpu.dimension_semantics<arbitrary>], iteration_bounds = array<i64: 10>, scalar_prefetch = 0 : i64, scratch_operands = 0 : i64, tpu.core_type = #tpu.core_type<tc>, window_params = [{transform_indices = @transform_0, window_bounds = array<i64: 1024, 128>}, {transform_indices = @transform_1, window_bounds = array<i64: 1024, 128>}, {transform_indices = @transform_2, window_bounds = array<i64: 1024, 128>}, {transform_indices = @transform_3, window_bounds = array<i64: 1024, 128>}, {pipeline_mode = #tpu.pipeline_mode<synchronous>, transform_indices = @transform_4, window_bounds = array<i64: 128, 128>}, {transform_indices = @transform_5, window_bounds = array<i64: 1024, 128>}, {transform_indices = @transform_6, window_bounds = array<i64: 1024, 128>}, {transform_indices = @transform_7, window_bounds = array<i64: 1024, 128>}]} {
    %get3A = arith.constant 0 : index
    %get3A_0 = arith.constant 0 : index
    %get3A_1 = vector.load %arg1[%get3A, %get3A_0] : memref<1024x128xf32, #tpu.memory_space<vmem>>, vector<1024x128xf32>
    %get3A_2 = arith.constant 0 : index
    %get3A_3 = arith.constant 0 : index
    %get3A_4 = vector.load %arg2[%get3A_2, %get3A_3] : memref<1024x128xf32, #tpu.memory_space<vmem>>, vector<1024x128xf32>
    %add3A = arith.addf %get3A_1, %get3A_4 : vector<1024x128xf32>
    %get3A_5 = arith.constant 0 : index
    %get3A_6 = arith.constant 0 : index
    %get3A_7 = vector.load %arg5[%get3A_5, %get3A_6] : memref<128x128xf32, #tpu.memory_space<vmem>>, vector<128x128xf32>
    %dot_general3A = arith.constant dense<0.000000e+00> : vector<1024x128xf32>
    %dot_general3A_8 = tpu.matmul %add3A, %get3A_7, %dot_general3A {dimension_numbers = #tpu.dot_dimension_numbers<[1], [1], [0], [0], [0, 0, 1, 0], [], []>, transpose_lhs_hint = false} : vector<1024x128xf32>, vector<128x128xf32>, vector<1024x128xf32> -> vector<1024x128xf32>
    %get3A_9 = arith.constant 0 : index
    %get3A_10 = arith.constant 0 : index
    %get3A_11 = vector.load %arg3[%get3A_9, %get3A_10] : memref<1024x128xf32, #tpu.memory_space<vmem>>, vector<1024x1xf32>
    %get3A_12 = arith.constant 0 : index
    %get3A_13 = arith.constant 0 : index
    %get3A_14 = vector.load %arg4[%get3A_12, %get3A_13] : memref<1024x128xf32, #tpu.memory_space<vmem>>, vector<1024x1xf32>
    %add3A_15 = arith.addf %get3A_11, %get3A_14 : vector<1024x1xf32>
    %max3A = arith.constant 1.000000e+00 : f32
    %max3A_16 = vector.broadcast %max3A : f32 to vector<1024x1xf32>
    %max3A_17 = arith.maximumf %add3A_15, %max3A_16 : vector<1024x1xf32>
    %div3A = arith.constant 1.000000e+00 : f32
    %div3A_18 = vector.broadcast %div3A : f32 to vector<1024x1xf32>
    %div3A_19 = arith.divf %div3A_18, %max3A_17 : vector<1024x1xf32>
    %mul3A = vector.broadcast %div3A_19 : vector<1024x1xf32> to vector<1024x128xf32>
    %mul3A_20 = arith.mulf %dot_general3A_8, %mul3A : vector<1024x128xf32>
    %get3A_21 = arith.constant 0 : index
    %get3A_22 = arith.constant 0 : index
    %get3A_23 = vector.load %arg6[%get3A_21, %get3A_22] : memref<1024x128xf32, #tpu.memory_space<vmem>>, vector<1024x128xf32>
    %add3A_24 = arith.addf %mul3A_20, %get3A_23 : vector<1024x128xf32>
    %get3A_25 = arith.constant 0 : index
    %get3A_26 = arith.constant 0 : index
    %get3A_27 = vector.load %arg7[%get3A_25, %get3A_26] : memref<1024x128xf32, #tpu.memory_space<vmem>>, vector<1024x128xf32>
    %add3A_28 = arith.addf %add3A_24, %get3A_27 : vector<1024x128xf32>
    %swap3A = arith.constant 0 : index
    %swap3A_29 = arith.constant 0 : index
    %swap3A_30 = vector.load %arg8[%swap3A, %swap3A_29] : memref<1024x128xf32, #tpu.memory_space<vmem>>, vector<1024x128xf32>
    tpu.vector_store %arg8[%swap3A, %swap3A_29], %add3A_28 {strides = array<i32>} : memref<1024x128xf32, #tpu.memory_space<vmem>>, vector<1024x128xf32>,
    return
  }
  func.func @transform_0(%arg0: i32) -> (i32, i32) {
    %c0_i32 = arith.constant 0 : i32
    %c0_i32_0 = arith.constant 0 : i32
    return %arg0, %c0_i32 : i32, i32
  }
  func.func @transform_1(%arg0: i32) -> (i32, i32) {
    %c0_i32 = arith.constant 0 : i32
    %c0_i32_0 = arith.constant 0 : i32
    return %arg0, %c0_i32 : i32, i32
  }
  func.func @transform_2(%arg0: i32) -> (i32, i32) {
    %c0_i32 = arith.constant 0 : i32
    %c0_i32_0 = arith.constant 0 : i32
    return %arg0, %c0_i32 : i32, i32
  }
  func.func @transform_3(%arg0: i32) -> (i32, i32) {
    %c0_i32 = arith.constant 0 : i32
    %c0_i32_0 = arith.constant 0 : i32
    return %arg0, %c0_i32 : i32, i32
  }
  func.func @transform_4(%arg0: i32) -> (i32, i32) {
    %c0_i32 = arith.constant 0 : i32
    %c0_i32_0 = arith.constant 0 : i32
    %c0_i32_1 = arith.constant 0 : i32
    return %c0_i32, %c0_i32_0 : i32, i32
  }
  func.func @transform_5(%arg0: i32) -> (i32, i32) {
    %c0_i32 = arith.constant 0 : i32
    %c0_i32_0 = arith.constant 0 : i32
    return %arg0, %c0_i32 : i32, i32
  }
  func.func @transform_6(%arg0: i32) -> (i32, i32) {
    %c0_i32 = arith.constant 0 : i32
    %c0_i32_0 = arith.constant 0 : i32
    return %arg0, %c0_i32 : i32, i32
  }
  func.func @transform_7(%arg0: i32) -> (i32, i32) {
    %c0_i32 = arith.constant 0 : i32
    %c0_i32_0 = arith.constant 0 : i32
    return %arg0, %c0_i32 : i32, i32
  }
}

</mosaic_0001>

<sc_bundles>
// kernel: _impl.11.cloned.1.call-start
scs
__scs_entry_jumppad:
0x0: {  	(pc) =	sbr.rel $0x88, $3  }
0x1: {  	(tag) =	ssettag $0x0;
	lr =	simm.s32 $0x1  }
0x2: {  	[smem:$0x3F9C] =	sst lr;
	_ =	strace $0xD0000000  }
0x3: {  	_ = 	snop  }
0x4: {  	_ = 	snop  }
0x5: {  	_ = 	snop  }
0x6: {  	_ = 	snop  }
0x7: {  	_ = 	snop  }
__scs_overlays_trampoline_lowered:
0x8: {  	[smem:$0x3FAB] =	sst s0  }
0x9: {  	[smem:$0x3FAC] =	sst s1  }
0xa: {  	[smem:$0x3FAD] =	sst s2  }
0xb: {  	[smem:$0x3FAE] =	sst s3  }
0xc: {  	[smem:$0x3FAF] =	sst s4  }
0xd: {  	[smem:$0x3FB0] =	sst s5  }
0xe: {  	[smem:$0x3FB1] =	sst s6  }
0xf: {  	[smem:$0x3FB2] =	sst s7  }
0x10: {  	[smem:$0x3FB3] =	sst s8  }
0x11: {  	[smem:$0x3FB4] =	sst s9;
	s0 =	simm.s32 @!p0 $0x0  }
0x12: {  	s1 =	sld [smem:$0x3F9A];
	s0 =	simm.s32 @p0 $0x1  }
0x13: {  	[smem:$0x3FB5] =	sst s0;
	s0 =	simm.s32 @!p1 $0x0  }
0x14: {  	s2 =	sld [smem:$0x3F99];
	s0 =	simm.s32 @p1 $0x1  }
0x15: {  	[smem:$0x3FB6] =	sst s0;
	s0 =	simm.s32 @!p2 $0x0  }
0x16: {  	s3 =	sld [smem:$0x3FDB];
	s0 =	simm.s32 @p2 $0x1  }
0x17: {  	s4 =	simm.s32 $0x1BF5;
	[smem:$0x3FB8] =	sst s0  }
0x18: {  	s0 =	sld [smem:$0x3F9B];
	_ =	swait.ge [sflag:s4], $0x0  }
0x19: {  	s7 =	sld [smem:$0x3F9C]  }
0x1a: {  	s8 =	sadd.s32 $0xFFFFE003, lr  }
0x1b: {  	s9 =	sadd.s32 $0xFFFFFEF7, lr;
	s5 =	simm.s32 $0xFFFFFFFF;
	p2 =	slt.u32 s8, $0xFFFFF086  }
0x1c: {  	p1 =	slt.u32 s9, $0xF7A;
	s5 =	simm.s32 @!p2 $0x0  }
0x1d: {  	s5 =	simm.s32 @p1 $0x1;
	p0 =	seq.s32 s7, s2  }
0x1e: {  	s7 =	smul.u32 @!p0 $0xF7A, s2;
	p2 =	seq.s32 @!p0 s5, $0x0  }
0x1f: {  	s9 =	smul.u32 $0xF7A, s1;
	s8 =	simm.s32 @!p0 $0x1BF5;
	p2 =	por !p2, p0  }
0x20: {  	[sflag:s8] =	ssyncset.s32 @!p0 $0xFFFFF086;
	s6 =	sadd.s32 @!p0 s3, s7;
	s7 =	simm.s32 @!p0 $0x108  }
0x21: {  	s3 =	sadd.s32 s3, s9;
	s6 =	sadd.s32 @!p0 $0x88, s6;
	s7 =	simm.s32 @p2 $0x1082  }
0x22: {  	[simem:s7], [sflag:s8] =	dma.local @!p0 [hbm:s6], $0xF7A  }
0x23: {  	s9 =	sor.u32 $0xD0000000, s2;
	s6 =	simm.s32 $0x108;
	_ =	swait.ge @!p0 [sflag:s8], $0x0  }
0x24: {  	s3 =	sadd.s32 $0x88, s3;
	s6 =	simm.s32 @!p1 $0x1082;
	[sflag:s4] =	ssyncset.s32 $0xFFFFF086  }
0x25: {  	[simem:s6], [sflag:s4] =	dma.local [hbm:s3], $0xF7A  }
0x26: {  	[smem:$0x3F9C] =	sst s1;
	(tag) =	ssettag s2;
	_ =	strace s9  }
0x27: {  	s1 =	sld [smem:$0x3FAC]  }
0x28: {  	s2 =	sld [smem:$0x3FAD]  }
0x29: {  	s4 =	sld [smem:$0x3FAF]  }
0x2a: {  	p0 =	seq.s32 s5, $0x0;
	s5 =	sld [smem:$0x3FB0]  }
0x2b: {  	s6 =	sld [smem:$0x3FB1]  }
0x2c: {  	s7 =	sld [smem:$0x3FB2]  }
0x2d: {  	s3 =	simm.s32 $0x108;
	s8 =	sld [smem:$0x3FB3]  }
0x2e: {  	s3 =	simm.s32 @!p0 $0x1082;
	s9 =	sld [smem:$0x3FB4]  }
0x2f: {  	lr =	sadd.s32 s0, s3;
	s0 =	sld [smem:$0x3FAB]  }
0x30: {  	s3 =	sld [smem:$0x3FAE]  }
0x31: {  	[smem:$0x3FB7] =	sst s10  }
0x32: {  	s10 =	sld [smem:$0x3FB5];
	_ =	sdelay $0x3  }
0x33: {  	p0 =	seq.s32 s10, $0x1;
	s10 =	sld [smem:$0x3FB7];
	_ =	sdelay $0x3  }
0x34: {  	[smem:$0x3FB7] =	sst s10  }
0x35: {  	s10 =	sld [smem:$0x3FB6];
	_ =	sdelay $0x3  }
0x36: {  	p1 =	seq.s32 s10, $0x1;
	s10 =	sld [smem:$0x3FB7];
	_ =	sdelay $0x3  }
0x37: {  	[smem:$0x3FB7] =	sst s10  }
0x38: {  	s10 =	sld [smem:$0x3FB8]  }
0x39: {  	_ = 	snop;
	(pc) =	sbr.ind lr, $3  }
0x3a: {  	_ = 	snop  }
0x3b: {  	_ = 	snop  }
0x3c: {  	p2 =	seq.s32 s10, $0x1;
	s10 =	sld [smem:$0x3FB7]  }
0x3d: {  	_ =	shalt  }
0x3e: {  	_ =	shalt  }
0x3f: {  	_ =	shalt  }
0x40: {  	_ =	shalt  }
0x41: {  	_ =	shalt  }
0x42: {  	_ =	shalt  }
0x43: {  	_ =	shalt  }
0x44: {  	_ =	shalt  }
0x45: {  	_ =	shalt  }
0x46: {  	_ =	shalt  }
0x47: {  	_ =	shalt  }
0x48: {  	_ =	shalt  }
0x49: {  	_ =	shalt  }
0x4a: {  	_ =	shalt  }
0x4b: {  	_ =	shalt  }
0x4c: {  	_ =	shalt  }
0x4d: {  	_ =	shalt  }
0x4e: {  	_ =	shalt  }
0x4f: {  	_ =	shalt  }
0x50: {  	_ =	shalt  }
0x51: {  	_ =	shalt  }
0x52: {  	_ =	shalt  }
0x53: {  	_ =	shalt  }
0x54: {  	_ =	shalt  }
0x55: {  	_ =	shalt  }
0x56: {  	_ =	shalt  }
0x57: {  	_ =	shalt  }
0x58: {  	_ =	shalt  }
0x59: {  	_ =	shalt  }
0x5a: {  	_ =	shalt  }
0x5b: {  	_ =	shalt  }
0x5c: {  	_ =	shalt  }
0x5d: {  	_ =	shalt  }
0x5e: {  	_ =	shalt  }
0x5f: {  	_ =	shalt  }
0x60: {  	_ =	shalt  }
0x61: {  	_ =	shalt  }
0x62: {  	_ =	shalt  }
0x63: {  	_ =	shalt  }
0x64: {  	_ =	shalt  }
0x65: {  	_ =	shalt  }
0x66: {  	_ =	shalt  }
0x67: {  	_ =	shalt  }
0x68: {  	_ =	shalt  }
0x69: {  	_ =	shalt  }
0x6a: {  	_ =	shalt  }
0x6b: {  	_ =	shalt  }
0x6c: {  	_ =	shalt  }
0x6d: {  	_ =	shalt  }
0x6e: {  	_ =	shalt  }
0x6f: {  	_ =	shalt  }
0x70: {  	_ =	shalt  }
0x71: {  	_ =	shalt  }
0x72: {  	_ =	shalt  }
0x73: {  	_ =	shalt  }
0x74: {  	_ =	shalt  }
0x75: {  	_ =	shalt  }
0x76: {  	_ =	shalt  }
0x77: {  	_ =	shalt  }
0x78: {  	_ =	shalt  }
0x79: {  	_ =	shalt  }
0x7a: {  	_ =	shalt  }
0x7b: {  	_ =	shalt  }
0x7c: {  	_ =	shalt  }
0x7d: {  	_ =	shalt  }
0x7e: {  	_ =	shalt  }
0x7f: {  	_ =	shalt  }
0x80: {  	_ =	shalt  }
0x81: {  	_ =	shalt  }
0x82: {  	_ =	shalt  }
0x83: {  	_ =	shalt  }
0x84: {  	_ =	shalt  }
0x85: {  	_ =	shalt  }
0x86: {  	_ =	shalt  }
0x87: {  	_ =	shalt  }
.Lfunc_end0:
.L_simem_size_0:
called_computation.1_lowered:
.L_overlay_start_0:
0x88: {  	s2 =	sld [smem:$0x3FD9]  }
0x89: {  	s3 =	sld [smem:$0x3FFE];
	_ =	sdelay $0x1  }
0x8a: {  	s1 =	srdreg.scid  }
0x8b: {  	s0 =	sand.u32 $0x1, s1  }
0x8c: {  	s17 =	sshll.u32 s0, $0xA;
	s2 =	sadd.s32 s3, s2  }
0x8d: {  	s2 =	sadd.s32 s2, s17  }
0x8e: {  	[smem:$0x3FC3] =	sst s2  }
0x8f: {  	_ = 	snop  }
0x90: {  	s2 =	sld [smem:$0x3FD0];
	(tm) =	ssettm $0x1  }
0x91: {  	s18 =	sld [smem:$0x3FFB];
	_ =	sdelay $0x3  }
0x92: {  	_ =	strace s18  }
0x93: {  	s3 =	sld [smem:$0x3FFC];
	_ =	sdelay $0x3  }
0x94: {  	_ =	strace s3  }
0x95: {  	s3 =	sld [smem:$0x3FFD];
	_ =	sdelay $0x3  }
0x96: {  	_ =	strace s3  }
0x97: {  	_ =	strace $0x8FFFFFFF  }
0x98: {  	s19 =	sld [smem:$0x3FDB];
	_ =	sdelay $0x1  }
0x99: {  	s4 =	simm.s32 $_scs_section_size  }
0x9a: {  	s5 =	simm.s32 $_size__tile_overlayer_lowered;
	s6 =	simm.s32 $_tile_overlayer_lowered  }
0x9b: {  	s22 =	simm.s32 $0x1BFF;
	s21 =	sshll.u32 s6, $0x1;
	s3 =	sadd.s32 s4, s19  }
0x9c: {  	s7 =	simm.s32 $0x0;
	s20 =	sshll.u32 s5, $0x1;
	s5 =	sadd.s32 s21, s3  }
0x9d: {  	[timem:s7], [sflag:s22] =	dma.local [hbm:s5], s20  }
0x9e: {  	_ =	swait.ge [sflag:s22], s20  }
0x9f: {  	s4 =	ssub.s32 $0x0, s20;
	[sflag:s22] =	ssyncset.done $0x0  }
0xa0: {  	[sflag:s22] =	ssyncadd.s32 s4;
	_ =	sdelay $0x1  }
0xa1: {  	s23 =	simm.s32 $0x1B8B  }
0xa2: {  	_ =	swait.ge [sflag:s23], $0x1  }
0xa3: {  	[sflag:s23] =	ssyncset.done $0x0  }
0xa4: {  	s25 =	simm.s32 $0x1B8E;
	s24 =	sld [smem:$0x3FFE];
	[sflag:s23] =	ssyncadd.s32 $0xFFFFFFFF  }
0xa5: {  	s26 =	simm.s32 $execute0_lowered;
	[smem:$0x3FD2] =	sst s25  }
0xa6: {  	s5 =	sshll.u32 s26, $0x1;
	_ =	strace $0x80000049;
	[dreg:$0x1] =	wrdreg $0xFFFFFFFF  }
0xa7: {  	s28 =	simm.s32 $_size_execute0_lowered;
	s3 =	sadd.s32 s3, s5;
	[dreg:$0x0] =	wrdreg $0x0  }
0xa8: {  	s5 =	sshll.u32 s28, $0x1;
	[dreg:$0x2] =	wrdreg s3  }
0xa9: {  	[dreg:$0x3] =	wrdreg s5  }
0xaa: {  	[dreg:$0x4] =	wrdreg $0xC0  }
0xab: {  	_ =	task [dreg:s7], $0x5FFFF  }
0xac: {  	[dreg:$0x1] =	wrdreg $0xFFFFFFFF  }
0xad: {  	[dreg:$0x0] =	wrdreg $0x60  }
0xae: {  	[dreg:$0x2] =	wrdreg s24  }
0xaf: {  	[dreg:$0x3] =	wrdreg s2  }
0xb0: {  	[dreg:$0x4] =	wrdreg $0x0  }
0xb1: {  	[dreg:$0x5] =	wrdreg $0x9  }
0xb2: {  	_ =	task.clear_ibuf [dreg:s7], $0x6FFFF;
	_ =	strace $0x90000049  }
0xb3: {  	s29 =	simm.s32 $0x9;
	_ =	strace $0x8000004B  }
0xb4: {  	_ =	swait.ge [sflag:s29], $0x1  }
0xb5: {  	[sflag:s29] =	ssyncadd.s32 $0xFFFFFFFF  }
0xb6: {  	_ =	strace $0x9000004B  }
0xb7: {  	_ =	sfence  }
0xb8: {  	s30 =	sld [smem:$0x0];
	_ =	sdelay $0x2  }
0xb9: {  	s31 =	sshll.u32 s1, $0xD;
	s1 =	sshrl.u32 s1, $0x2  }
0xba: {  	s3 =	sand.u32 $0x4000, s31;
	s1 =	sadd.s32 s1, s30  }
0xbb: {  	s0 =	sor.u32 s3, s0;
	s1 =	sshll.u32 s1, $0x11  }
0xbc: {  	s0 =	sor.u32 s1, s0  }
0xbd: {  	s0 =	sadd.s32 $0x8F2B, s0  }
0xbe: {  	[sflag:s0] =	ssyncadd.remote.s32 $0x1  }
0xbf: {  	_ =	sfence.sel $0xFFFF  }
0xc0: {  	[dreg:$0x0] =	wrdreg $0xFFFFFFFF;
	(pc) =	sbr.abs _section_cstart, $3  }
0xc1: {  	[dreg:$0x1] =	wrdreg $0xFFFFFFFF  }
0xc2: {  	_ =	task.clear_ibuf [dreg:s7], $0x2FFFF;
	_ =	strace $0x9FFFFFFF  }
0xc3: {  	(tm) =	ssettm $0x7FFFFFFF  }
tec
execute0_lowered:
.L_overlay_start_1:
0x0: {  	(tag) =	ssettag $0x1  }
0x1: {  	s1 =	rddreg [dreg:$0x0]  }
0x2: {  	s0 =	srdreg.scid;
	s5 =	rddreg [dreg:$0x1]  }
0x3: {  	s11 =	stileid.u32;
	s2 =	rddreg [dreg:$0x2]  }
0x4: {  	s12 =	simm.s32 $0x14000;
	s13 =	simm.s32 $0x15400;
	s14 =	simm.s32 $0x40  }
0x5: {  	s15 =	simm.s32 $0x16800;
	s16 =	simm.s32 $0x14080;
	s17 =	simm.s32 $0x18800  }
0x6: {  	s18 =	simm.s32 $0x14100;
	s19 =	simm.s32 $0x1A800;
	s20 =	simm.s32 $0x1  }
0x7: {  	s21 =	simm.s32 $0x14180;
	s28 =	simm.s32 $0x3;
	s29 =	simm.s32 $0x6  }
0x8: {  	s30 =	simm.s32 $0x4;
	s31 =	simm.s32 $0x7;
	s8 =	smul.u32 $0x50000, s11  }
0x9: {  	s0 =	sand.u32 $0x1, s0;
	s10 =	sadd.s32 $0x3E600, s1;
	s25 =	smul.u32 $0x2800, s11  }
0xa: {  	s24 =	sshll.u32 s11, $0x6;
	s3 =	sshll.u32 s0, $0x4;
	s7 =	smul.u32 $0x28000, s0  }
0xb: {  	s0 =	ssub.s32 $0x2, s0;
	s24 =	sor.u32 $0x1C09, s24;
	s4 =	sor.u32 s11, s3  }
0xc: {  	s3 =	simm.s32 $0x0;
	s22 =	sshrl.u32 s0, $0x1;
	s8 =	sshrl.u32 s8, $0x2  }
0xd: {  	s11 =	simm.s32 $0x9;
	s6 =	smul.u32 $0xA00, s4;
	[smem:$0x7FF] =	sst s3  }
0xe: {  	s4 =	sadd.s32 $0x40E00, s1;
	s0 =	ssub.s32 s0, s22;
	s23 =	sadd.s32 s8, s2  }
0xf: {  	s22 =	simm.s32 $0x1C800;
	_ =	strace $0x8000004A;
	[dreg:$0x4] =	wrdreg s10  }
0x10: {  	s0 =	smax.u32 s0, $0x1;
	[dreg:$0x5] =	wrdreg s24;
	s9 =	sadd.s32 s6, s1  }
0x11: {  	s1 =	sadd.s32 s7, s1;
	s7 =	sadd.s32 s5, s6;
	[dreg:$0x6] =	wrdreg s0  }
0x12: {  	s0 =	simm.s32 $0x16700;
	s5 =	simm.s32 $0x16780;
	s8 =	sadd.s32 $0x2200, s9  }
0x13: {  	s1 =	sadd.s32 $0x68E00, s1;
	s9 =	sshrl.u32 s23, $0x3;
	s23 =	simm.s32 $0x2  }
0x14: {  	s26 =	sadd.s32 s25, s1;
	s25 =	simm.s32 $0x15480;
	[dreg:$0x7] =	wrdreg s9  }
0x15: {  	s1 =	simm.s32 $0x8;
	[dreg:$0x8] =	wrdreg s26;
	s26 =	simm.s32 $0x5  }
.LBB2_1:
0x16: {  	s6 =	rddreg [dreg:$0x4]  }
0x17: {  	[spmem:s9], [sflag:s24] =	dma.local [hbm:s6], $0x2800  }
0x18: {  	_ =	swait.ge [sflag:s11], $0x2800  }
0x19: {  	[sflag:s11] =	ssyncset.done $0x0  }
0x1a: {  	[sflag:s11] =	ssyncadd.s32 $0xFFFFD800  }
0x1b: {  	s9 =	simm.s32 $0x0;
	[bflag:$0x0] =	sbarrier.arrive $0xFFFF  }
.LBB2_2:
0x1c: {  	s6 =	smul.u32 $0x280, s9;
	_ =	sdelay $0x1  }
0x1d: {  	s10 =	simm.s32 $0x0;
	s24 =	sadd.s32 s6, s7  }
0x1e: {  	[tilespmem:s12], [sflag:$0x9] =	stream.linear.gather [hbm4b:s24+s10], $0x1400, $0x38;
	[tilespmem:$0x1E800] =	vst v63  }
0x1f: {  	_ =	swait.ge [sflag:s11], $0x1400  }
0x20: {  	[sflag:s11] =	ssyncset.done $0x0  }
0x21: {  	s6 =	sadd.s32 s6, s8;
	[sflag:s11] =	ssyncadd.s32 $0xFFFFEC00  }
0x22: {  	[tilespmem:s13], [sflag:$0x9] =	stream.linear.gather [hbm4b:s6+s10], $0x1400, $0x38;
	[tilespmem:$0x1E800] =	vst v63  }
0x23: {  	_ =	swait.ge [sflag:s11], $0x1400  }
0x24: {  	[sflag:s11] =	ssyncset.done $0x0  }
0x25: {  	[sflag:s11] =	ssyncadd.s32 $0xFFFFEC00  }
0x26: {  	[tilespmem:s15], [sflag:$0x1] =	stream.indirect.gather [hbm4b:s4+s14], $0x80, s12, s14, $0xb8;
	[tilespmem:$0x1E800] =	vst v63  }
0x27: {  	_ = 	snop  }
0x28: {  	[tilespmem:s17], [sflag:$0x2] =	stream.indirect.gather [hbm4b:s4+s14], $0x80, s16, s14, $0xb8;
	[tilespmem:$0x1E800] =	vst v63  }
0x29: {  	_ = 	snop  }
0x2a: {  	[tilespmem:s19], [sflag:$0x3] =	stream.indirect.gather [hbm4b:s4+s14], $0x80, s18, s14, $0xb8;
	[tilespmem:$0x1E800] =	vst v63  }
0x2b: {  	_ =	swait.ge [sflag:s20], $0x2000  }
0x2c: {  	[sflag:s20] =	ssyncset.done $0x0  }
0x2d: {  	[sflag:s20] =	ssyncadd.s32 $0xFFFFE000  }
0x2e: {  	[spmem:s2] =	stream.indirect.scatter.add.f32 [tilespmem:s15], [sflag:$0x5], $0x80, s13, s14, $0xb8;
	[tilespmem:$0x1E800] =	vst v63  }
0x2f: {  	_ = 	snop  }
0x30: {  	[tilespmem:s22], [sflag:$0x4] =	stream.indirect.gather [hbm4b:s4+s14], $0x80, s21, s14, $0xb8;
	[tilespmem:$0x1E800] =	vst v63  }
0x31: {  	_ =	swait.ge [sflag:s23], $0x2000  }
0x32: {  	[sflag:s23] =	ssyncset.done $0x0  }
0x33: {  	[sflag:s23] =	ssyncadd.s32 $0xFFFFE000  }
0x34: {  	[spmem:s2] =	stream.indirect.scatter.add.f32 [tilespmem:s17], [sflag:$0x6], $0x80, s25, s14, $0xb8;
	[tilespmem:$0x1E800] =	vst v63  }
0x35: {  	_ =	swait.ge [sflag:s26], $0x2000  }
0x36: {  	[sflag:s26] =	ssyncset.done $0x0  }
0x37: {  	s24 =	simm.s32 $0x14200;
	[sflag:s26] =	ssyncadd.s32 $0xFFFFE000  }
0x38: {  	[tilespmem:s15], [sflag:$0x1] =	stream.indirect.gather [hbm4b:s4+s14], $0x80, s24, s14, $0xb8;
	[tilespmem:$0x1E800] =	vst v63  }
0x39: {  	_ =	swait.ge [sflag:s28], $0x2000  }
0x3a: {  	[sflag:s28] =	ssyncset.done $0x0  }
0x3b: {  	s10 =	simm.s32 $0x15500;
	[sflag:s28] =	ssyncadd.s32 $0xFFFFE000  }
0x3c: {  	[spmem:s2] =	stream.indirect.scatter.add.f32 [tilespmem:s19], [sflag:$0x7], $0x80, s10, s14, $0xb8;
	[tilespmem:$0x1E800] =	vst v63  }
0x3d: {  	_ =	swait.ge [sflag:s29], $0x2000  }
0x3e: {  	[sflag:s29] =	ssyncset.done $0x0  }
0x3f: {  	s24 =	simm.s32 $0x14280;
	[sflag:s29] =	ssyncadd.s32 $0xFFFFE000  }
0x40: {  	[tilespmem:s17], [sflag:$0x2] =	stream.indirect.gather [hbm4b:s4+s14], $0x80, s24, s14, $0xb8;
	[tilespmem:$0x1E800] =	vst v63  }
0x41: {  	_ =	swait.ge [sflag:s30], $0x2000  }
0x42: {  	[sflag:s30] =	ssyncset.done $0x0  }
0x43: {  	s10 =	simm.s32 $0x15580;
	[sflag:s30] =	ssyncadd.s32 $0xFFFFE000  }
0x44: {  	[spmem:s2] =	stream.indirect.scatter.add.f32 [tilespmem:s22], [sflag:$0x8], $0x80, s10, s14, $0xb8;
	[tilespmem:$0x1E800] =	vst v63  }
0x45: {  	_ =	swait.ge [sflag:s31], $0x2000  }
0x46: {  	[sflag:s31] =	ssyncset.done $0x0  }
0x47: {  	s24 =	simm.s32 $0x14300;
	[sflag:s31] =	ssyncadd.s32 $0xFFFFE000  }
0x48: {  	[tilespmem:s19], [sflag:$0x3] =	stream.indirect.gather [hbm4b:s4+s14], $0x80, s24, s14, $0xb8;
	[tilespmem:$0x1E800] =	vst v63  }
0x49: {  	_ =	swait.ge [sflag:s20], $0x2000  }
0x4a: {  	[sflag:s20] =	ssyncset.done $0x0  }
0x4b: {  	s10 =	simm.s32 $0x15600;
	[sflag:s20] =	ssyncadd.s32 $0xFFFFE000  }
0x4c: {  	[spmem:s2] =	stream.indirect.scatter.add.f32 [tilespmem:s15], [sflag:$0x5], $0x80, s10, s14, $0xb8;
	[tilespmem:$0x1E800] =	vst v63  }
0x4d: {  	_ =	swait.ge [sflag:s1], $0x2000  }
0x4e: {  	[sflag:s1] =	ssyncset.done $0x0  }
0x4f: {  	s24 =	simm.s32 $0x14380;
	[sflag:s1] =	ssyncadd.s32 $0xFFFFE000  }
0x50: {  	[tilespmem:s22], [sflag:$0x4] =	stream.indirect.gather [hbm4b:s4+s14], $0x80, s24, s14, $0xb8;
	[tilespmem:$0x1E800] =	vst v63  }
0x51: {  	_ =	swait.ge [sflag:s23], $0x2000  }
0x52: {  	[sflag:s23] =	ssyncset.done $0x0  }
0x53: {  	s6 =	simm.s32 $0x15680;
	s24 =	simm.s32 $0x800;
	[sflag:s23] =	ssyncadd.s32 $0xFFFFE000  }
.LBB2_3:
0x54: {  	[spmem:s2] =	stream.indirect.scatter.add.f32 [tilespmem:s17], [sflag:$0x6], $0x80, s6, s14, $0xb8;
	[tilespmem:$0x1E800] =	vst v63  }
0x55: {  	s6 =	smov.u32 s24  }
0x56: {  	p0 =	sne.s32 s24, $0x4000;
	s24 =	sadd.s32 $0x800, s24;
	_ =	swait.ge [sflag:s26], $0x2000  }
0x57: {  	s6 =	sshra.s32 s6, $0x2;
	[sflag:s26] =	ssyncset.done $0x0  }
0x58: {  	s10 =	sadd.s32 $0x14200, s6;
	[sflag:s26] =	ssyncadd.s32 $0xFFFFE000  }
0x59: {  	[tilespmem:s15], [sflag:$0x1] =	stream.indirect.gather [hbm4b:s4+s14], $0x80, s10, s14, $0xb8;
	[tilespmem:$0x1E800] =	vst v63  }
0x5a: {  	_ =	swait.ge [sflag:s28], $0x2000  }
0x5b: {  	[sflag:s28] =	ssyncset.done $0x0  }
0x5c: {  	s10 =	sadd.s32 $0x15500, s6;
	[sflag:s28] =	ssyncadd.s32 $0xFFFFE000  }
0x5d: {  	[spmem:s2] =	stream.indirect.scatter.add.f32 [tilespmem:s19], [sflag:$0x7], $0x80, s10, s14, $0xb8;
	[tilespmem:$0x1E800] =	vst v63  }
0x5e: {  	_ =	swait.ge [sflag:s29], $0x2000  }
0x5f: {  	[sflag:s29] =	ssyncset.done $0x0  }
0x60: {  	s10 =	sadd.s32 $0x14280, s6;
	[sflag:s29] =	ssyncadd.s32 $0xFFFFE000  }
0x61: {  	[tilespmem:s17], [sflag:$0x2] =	stream.indirect.gather [hbm4b:s4+s14], $0x80, s10, s14, $0xb8;
	[tilespmem:$0x1E800] =	vst v63  }
0x62: {  	_ =	swait.ge [sflag:s30], $0x2000  }
0x63: {  	[sflag:s30] =	ssyncset.done $0x0  }
0x64: {  	s10 =	sadd.s32 $0x15580, s6;
	[sflag:s30] =	ssyncadd.s32 $0xFFFFE000  }
0x65: {  	[spmem:s2] =	stream.indirect.scatter.add.f32 [tilespmem:s22], [sflag:$0x8], $0x80, s10, s14, $0xb8;
	[tilespmem:$0x1E800] =	vst v63  }
0x66: {  	_ =	swait.ge [sflag:s31], $0x2000  }
0x67: {  	[sflag:s31] =	ssyncset.done $0x0  }
0x68: {  	s10 =	sadd.s32 $0x14300, s6;
	[sflag:s31] =	ssyncadd.s32 $0xFFFFE000  }
0x69: {  	[tilespmem:s19], [sflag:$0x3] =	stream.indirect.gather [hbm4b:s4+s14], $0x80, s10, s14, $0xb8;
	[tilespmem:$0x1E800] =	vst v63  }
0x6a: {  	_ =	swait.ge [sflag:s20], $0x2000  }
0x6b: {  	[sflag:s20] =	ssyncset.done $0x0  }
0x6c: {  	s10 =	sadd.s32 $0x15600, s6;
	[sflag:s20] =	ssyncadd.s32 $0xFFFFE000  }
0x6d: {  	[spmem:s2] =	stream.indirect.scatter.add.f32 [tilespmem:s15], [sflag:$0x5], $0x80, s10, s14, $0xb8;
	[tilespmem:$0x1E800] =	vst v63  }
0x6e: {  	_ =	swait.ge [sflag:s1], $0x2000  }
0x6f: {  	[sflag:s1] =	ssyncset.done $0x0  }
.Ltmp0:
0x70: {  	s10 =	sadd.s32 $0x14380, s6;
	[sflag:s1] =	ssyncadd.s32 $0xFFFFE000;
	(pc) =	sbr.rel @p0 .LBB2_3-.Ltmp0, $4  }
0x71: {  	[tilespmem:s22], [sflag:$0x4] =	stream.indirect.gather [hbm4b:s4+s14], $0x80, s10, s14, $0xb8;
	[tilespmem:$0x1E800] =	vst v63  }
0x72: {  	_ =	swait.ge [sflag:s23], $0x2000  }
0x73: {  	[sflag:s23] =	ssyncset.done $0x0  }
0x74: {  	s6 =	sadd.s32 $0x15680, s6;
	[sflag:s23] =	ssyncadd.s32 $0xFFFFE000  }
0x75: {  	[spmem:s2] =	stream.indirect.scatter.add.f32 [tilespmem:s17], [sflag:$0x6], $0x80, s6, s14, $0xb8;
	[tilespmem:$0x1E800] =	vst v63  }
0x76: {  	_ =	swait.ge [sflag:s26], $0x2000  }
0x77: {  	[sflag:s26] =	ssyncset.done $0x0  }
0x78: {  	[sflag:s26] =	ssyncadd.s32 $0xFFFFE000  }
0x79: {  	_ =	swait.ge [sflag:s28], $0x2000  }
0x7a: {  	[sflag:s28] =	ssyncset.done $0x0  }
0x7b: {  	[sflag:s28] =	ssyncadd.s32 $0xFFFFE000  }
0x7c: {  	[spmem:s2] =	stream.indirect.scatter.add.f32 [tilespmem:s19], [sflag:$0x7], $0x80, s0, s14, $0xb8;
	[tilespmem:$0x1E800] =	vst v63  }
0x7d: {  	_ =	swait.ge [sflag:s29], $0x2000  }
0x7e: {  	[sflag:s29] =	ssyncset.done $0x0  }
0x7f: {  	[sflag:s29] =	ssyncadd.s32 $0xFFFFE000  }
0x80: {  	_ =	swait.ge [sflag:s30], $0x2000  }
0x81: {  	[sflag:s30] =	ssyncset.done $0x0  }
0x82: {  	s9 =	sadd.s32 $0x1, s9;
	[sflag:s30] =	ssyncadd.s32 $0xFFFFE000  }
0x83: {  	[spmem:s2] =	stream.indirect.scatter.add.f32 [tilespmem:s22], [sflag:$0x8], $0x80, s5, s14, $0xb8;
	[tilespmem:$0x1E800] =	vst v63  }
0x84: {  	p0 =	sne.s32 s9, $0x4;
	_ =	swait.ge [sflag:s31], $0x2000  }
.Ltmp1:
0x85: {  	[sflag:s31] =	ssyncset.done $0x0;
	(pc) =	sbr.rel @p0 .LBB2_2-.Ltmp1, $4  }
0x86: {  	[sflag:s31] =	ssyncadd.s32 $0xFFFFE000  }
0x87: {  	_ =	swait.ge [sflag:s1], $0x2000  }
0x88: {  	[sflag:s1] =	ssyncset.done $0x0  }
0x89: {  	[sflag:s1] =	ssyncadd.s32 $0xFFFFE000  }
0x8a: {  	[bflag:$0x0] =	sbarrier.arrive $0xFFFF  }
0x8b: {  	s24 =	rddreg [dreg:$0x5]  }
0x8c: {  	s9 =	rddreg [dreg:$0x7]  }
0x8d: {  	s6 =	rddreg [dreg:$0x8]  }
0x8e: {  	[hbm:s6], [sflag:s24] =	dma.local [spmem:s9], $0x2800  }
0x8f: {  	_ =	swait.ge [sflag:s11], $0x2800  }
0x90: {  	s3 =	sadd.s32 $0x1, s3;
	s10 =	rddreg [dreg:$0x6]  }
0x91: {  	p0 =	sne.s32 s3, s10  }
.Ltmp2:
0x92: {  	_ = 	snop;
	(pc) =	sbr.rel @p0 .LBB2_1-.Ltmp2, $3  }
0x93: {  	_ =	sdelay $0x1  }
0x94: {  	[sflag:s11] =	ssyncset.done $0x0  }
0x95: {  	[sflag:s11] =	ssyncadd.s32 $0xFFFFD800  }
0x96: {  	_ =	sfence.sel $0x180000  }
0x97: {  	[bflag:$0x0] =	sbarrier.arrive $0xFFFF  }
0x98: {  	_ =	strace $0x9000004A  }
0x99: {  	s0 =	stileid.u32;
	[bflag:$0x2] =	sbarrier.arrive $0xFFFF  }
0x9a: {  	p0 =	sne.s32 s0, $0x0;
	s0 =	rddreg [dreg:$0x3]  }
0x9b: {  	s0 =	sadd.s32 @!p0 $0x100000, s0  }
0x9c: {  	[sflag:s0] =	ssyncadd.tile.s32 @!p0 $0x1;
	_ =	shalt  }
.Lfunc_end2:
_tile_overlayer_lowered:
.L_overlay_start_2:
0x9d: {  	(tag) =	ssettag $0x2  }
0x9e: {  	s0 =	rddreg [dreg:$0x0];
	s2 =	stileid.u32  }
0x9f: {  	s1 =	rddreg [dreg:$0x1];
	p0 =	sne.s32 s2, $0x0  }
0xa0: {  	s3 =	rddreg [dreg:$0x2];
	[bflag:$0x3] =	sbarrier.arrive $0xFFFF;
	s2 =	simm.s32 @!p0 $0x1C09  }
0xa1: {  	[timem:s3], [sflag:s2] =	dma.local @!p0 [hbm:s0], s1  }
0xa2: {  	s0 =	simm.s32 @!p0 $0x9  }
0xa3: {  	_ =	swait.ge @!p0 [sflag:s0], s1  }
0xa4: {  	s1 =	ssub.s32 @!p0 $0x0, s1;
	[sflag:s0] =	ssyncset.done @!p0 $0x0  }
0xa5: {  	[sflag:s0] =	ssyncadd.s32 @!p0 s1  }
0xa6: {  	[bflag:$0x3] =	sbarrier.arrive $0xFFFF  }
0xa7: {  	_ =	shalt  }

// kernel: _impl.14.cloned.1.call-start
scs
__scs_entry_jumppad:
0x0: {  	(pc) =	sbr.rel $0x88, $3  }
0x1: {  	(tag) =	ssettag $0x0;
	lr =	simm.s32 $0x1  }
0x2: {  	[smem:$0x3F9C] =	sst lr;
	_ =	strace $0xD0000000  }
0x3: {  	_ = 	snop  }
0x4: {  	_ = 	snop  }
0x5: {  	_ = 	snop  }
0x6: {  	_ = 	snop  }
0x7: {  	_ = 	snop  }
__scs_overlays_trampoline_lowered:
0x8: {  	[smem:$0x3FAB] =	sst s0  }
0x9: {  	[smem:$0x3FAC] =	sst s1  }
0xa: {  	[smem:$0x3FAD] =	sst s2  }
0xb: {  	[smem:$0x3FAE] =	sst s3  }
0xc: {  	[smem:$0x3FAF] =	sst s4  }
0xd: {  	[smem:$0x3FB0] =	sst s5  }
0xe: {  	[smem:$0x3FB1] =	sst s6  }
0xf: {  	[smem:$0x3FB2] =	sst s7  }
0x10: {  	[smem:$0x3FB3] =	sst s8  }
0x11: {  	[smem:$0x3FB4] =	sst s9;
	s0 =	simm.s32 @!p0 $0x0  }
0x12: {  	s1 =	sld [smem:$0x3F9A];
	s0 =	simm.s32 @p0 $0x1  }
0x13: {  	[smem:$0x3FB5] =	sst s0;
	s0 =	simm.s32 @!p1 $0x0  }
0x14: {  	s2 =	sld [smem:$0x3F99];
	s0 =	simm.s32 @p1 $0x1  }
0x15: {  	[smem:$0x3FB6] =	sst s0;
	s0 =	simm.s32 @!p2 $0x0  }
0x16: {  	s3 =	sld [smem:$0x3FDB];
	s0 =	simm.s32 @p2 $0x1  }
0x17: {  	s4 =	simm.s32 $0x1BF5;
	[smem:$0x3FB8] =	sst s0  }
0x18: {  	s0 =	sld [smem:$0x3F9B];
	_ =	swait.ge [sflag:s4], $0x0  }
0x19: {  	s7 =	sld [smem:$0x3F9C]  }
0x1a: {  	s8 =	sadd.s32 $0xFFFFE003, lr  }
0x1b: {  	s9 =	sadd.s32 $0xFFFFFEF7, lr;
	s5 =	simm.s32 $0xFFFFFFFF;
	p2 =	slt.u32 s8, $0xFFFFF086  }
0x1c: {  	p1 =	slt.u32 s9, $0xF7A;
	s5 =	simm.s32 @!p2 $0x0  }
0x1d: {  	s5 =	simm.s32 @p1 $0x1;
	p0 =	seq.s32 s7, s2  }
0x1e: {  	s7 =	smul.u32 @!p0 $0xF7A, s2;
	p2 =	seq.s32 @!p0 s5, $0x0  }
0x1f: {  	s9 =	smul.u32 $0xF7A, s1;
	s8 =	simm.s32 @!p0 $0x1BF5;
	p2 =	por !p2, p0  }
0x20: {  	[sflag:s8] =	ssyncset.s32 @!p0 $0xFFFFF086;
	s6 =	sadd.s32 @!p0 s3, s7;
	s7 =	simm.s32 @!p0 $0x108  }
0x21: {  	s3 =	sadd.s32 s3, s9;
	s6 =	sadd.s32 @!p0 $0x88, s6;
	s7 =	simm.s32 @p2 $0x1082  }
0x22: {  	[simem:s7], [sflag:s8] =	dma.local @!p0 [hbm:s6], $0xF7A  }
0x23: {  	s9 =	sor.u32 $0xD0000000, s2;
	s6 =	simm.s32 $0x108;
	_ =	swait.ge @!p0 [sflag:s8], $0x0  }
0x24: {  	s3 =	sadd.s32 $0x88, s3;
	s6 =	simm.s32 @!p1 $0x1082;
	[sflag:s4] =	ssyncset.s32 $0xFFFFF086  }
0x25: {  	[simem:s6], [sflag:s4] =	dma.local [hbm:s3], $0xF7A  }
0x26: {  	[smem:$0x3F9C] =	sst s1;
	(tag) =	ssettag s2;
	_ =	strace s9  }
0x27: {  	s1 =	sld [smem:$0x3FAC]  }
0x28: {  	s2 =	sld [smem:$0x3FAD]  }
0x29: {  	s4 =	sld [smem:$0x3FAF]  }
0x2a: {  	p0 =	seq.s32 s5, $0x0;
	s5 =	sld [smem:$0x3FB0]  }
0x2b: {  	s6 =	sld [smem:$0x3FB1]  }
0x2c: {  	s7 =	sld [smem:$0x3FB2]  }
0x2d: {  	s3 =	simm.s32 $0x108;
	s8 =	sld [smem:$0x3FB3]  }
0x2e: {  	s3 =	simm.s32 @!p0 $0x1082;
	s9 =	sld [smem:$0x3FB4]  }
0x2f: {  	lr =	sadd.s32 s0, s3;
	s0 =	sld [smem:$0x3FAB]  }
0x30: {  	s3 =	sld [smem:$0x3FAE]  }
0x31: {  	[smem:$0x3FB7] =	sst s10  }
0x32: {  	s10 =	sld [smem:$0x3FB5];
	_ =	sdelay $0x3  }
0x33: {  	p0 =	seq.s32 s10, $0x1;
	s10 =	sld [smem:$0x3FB7];
	_ =	sdelay $0x3  }
0x34: {  	[smem:$0x3FB7] =	sst s10  }
0x35: {  	s10 =	sld [smem:$0x3FB6];
	_ =	sdelay $0x3  }
0x36: {  	p1 =	seq.s32 s10, $0x1;
	s10 =	sld [smem:$0x3FB7];
	_ =	sdelay $0x3  }
0x37: {  	[smem:$0x3FB7] =	sst s10  }
0x38: {  	s10 =	sld [smem:$0x3FB8]  }
0x39: {  	_ = 	snop;
	(pc) =	sbr.ind lr, $3  }
0x3a: {  	_ = 	snop  }
0x3b: {  	_ = 	snop  }
0x3c: {  	p2 =	seq.s32 s10, $0x1;
	s10 =	sld [smem:$0x3FB7]  }
0x3d: {  	_ =	shalt  }
0x3e: {  	_ =	shalt  }
0x3f: {  	_ =	shalt  }
0x40: {  	_ =	shalt  }
0x41: {  	_ =	shalt  }
0x42: {  	_ =	shalt  }
0x43: {  	_ =	shalt  }
0x44: {  	_ =	shalt  }
0x45: {  	_ =	shalt  }
0x46: {  	_ =	shalt  }
0x47: {  	_ =	shalt  }
0x48: {  	_ =	shalt  }
0x49: {  	_ =	shalt  }
0x4a: {  	_ =	shalt  }
0x4b: {  	_ =	shalt  }
0x4c: {  	_ =	shalt  }
0x4d: {  	_ =	shalt  }
0x4e: {  	_ =	shalt  }
0x4f: {  	_ =	shalt  }
0x50: {  	_ =	shalt  }
0x51: {  	_ =	shalt  }
0x52: {  	_ =	shalt  }
0x53: {  	_ =	shalt  }
0x54: {  	_ =	shalt  }
0x55: {  	_ =	shalt  }
0x56: {  	_ =	shalt  }
0x57: {  	_ =	shalt  }
0x58: {  	_ =	shalt  }
0x59: {  	_ =	shalt  }
0x5a: {  	_ =	shalt  }
0x5b: {  	_ =	shalt  }
0x5c: {  	_ =	shalt  }
0x5d: {  	_ =	shalt  }
0x5e: {  	_ =	shalt  }
0x5f: {  	_ =	shalt  }
0x60: {  	_ =	shalt  }
0x61: {  	_ =	shalt  }
0x62: {  	_ =	shalt  }
0x63: {  	_ =	shalt  }
0x64: {  	_ =	shalt  }
0x65: {  	_ =	shalt  }
0x66: {  	_ =	shalt  }
0x67: {  	_ =	shalt  }
0x68: {  	_ =	shalt  }
0x69: {  	_ =	shalt  }
0x6a: {  	_ =	shalt  }
0x6b: {  	_ =	shalt  }
0x6c: {  	_ =	shalt  }
0x6d: {  	_ =	shalt  }
0x6e: {  	_ =	shalt  }
0x6f: {  	_ =	shalt  }
0x70: {  	_ =	shalt  }
0x71: {  	_ =	shalt  }
0x72: {  	_ =	shalt  }
0x73: {  	_ =	shalt  }
0x74: {  	_ =	shalt  }
0x75: {  	_ =	shalt  }
0x76: {  	_ =	shalt  }
0x77: {  	_ =	shalt  }
0x78: {  	_ =	shalt  }
0x79: {  	_ =	shalt  }
0x7a: {  	_ =	shalt  }
0x7b: {  	_ =	shalt  }
0x7c: {  	_ =	shalt  }
0x7d: {  	_ =	shalt  }
0x7e: {  	_ =	shalt  }
0x7f: {  	_ =	shalt  }
0x80: {  	_ =	shalt  }
0x81: {  	_ =	shalt  }
0x82: {  	_ =	shalt  }
0x83: {  	_ =	shalt  }
0x84: {  	_ =	shalt  }
0x85: {  	_ =	shalt  }
0x86: {  	_ =	shalt  }
0x87: {  	_ =	shalt  }
.Lfunc_end0:
.L_simem_size_0:
called_computation.2_lowered:
.L_overlay_start_0:
0x88: {  	s2 =	sld [smem:$0x3FD9]  }
0x89: {  	s3 =	sld [smem:$0x3FFE];
	_ =	sdelay $0x1  }
0x8a: {  	s1 =	srdreg.scid  }
0x8b: {  	s0 =	sand.u32 $0x1, s1  }
0x8c: {  	s17 =	sshll.u32 s0, $0xA;
	s2 =	sadd.s32 s3, s2  }
0x8d: {  	s2 =	sadd.s32 s2, s17  }
0x8e: {  	[smem:$0x3FC3] =	sst s2  }
0x8f: {  	_ = 	snop  }
0x90: {  	s2 =	sld [smem:$0x3FD0];
	(tm) =	ssettm $0x1  }
0x91: {  	s18 =	sld [smem:$0x3FFB];
	_ =	sdelay $0x3  }
0x92: {  	_ =	strace s18  }
0x93: {  	s3 =	sld [smem:$0x3FFC];
	_ =	sdelay $0x3  }
0x94: {  	_ =	strace s3  }
0x95: {  	s3 =	sld [smem:$0x3FFD];
	_ =	sdelay $0x3  }
0x96: {  	_ =	strace s3  }
0x97: {  	_ =	strace $0x8FFFFFFF  }
0x98: {  	s19 =	sld [smem:$0x3FDB];
	_ =	sdelay $0x1  }
0x99: {  	s4 =	simm.s32 $_scs_section_size  }
0x9a: {  	s5 =	simm.s32 $_size__tile_overlayer_lowered;
	s6 =	simm.s32 $_tile_overlayer_lowered  }
0x9b: {  	s22 =	simm.s32 $0x1BFF;
	s21 =	sshll.u32 s6, $0x1;
	s3 =	sadd.s32 s4, s19  }
0x9c: {  	s7 =	simm.s32 $0x0;
	s20 =	sshll.u32 s5, $0x1;
	s5 =	sadd.s32 s21, s3  }
0x9d: {  	[timem:s7], [sflag:s22] =	dma.local [hbm:s5], s20  }
0x9e: {  	_ =	swait.ge [sflag:s22], s20  }
0x9f: {  	s4 =	ssub.s32 $0x0, s20;
	[sflag:s22] =	ssyncset.done $0x0  }
0xa0: {  	[sflag:s22] =	ssyncadd.s32 s4;
	_ =	sdelay $0x1  }
0xa1: {  	s23 =	simm.s32 $0x1B8B  }
0xa2: {  	_ =	swait.ge [sflag:s23], $0x1  }
0xa3: {  	[sflag:s23] =	ssyncset.done $0x0  }
0xa4: {  	s25 =	simm.s32 $0x1B8E;
	s24 =	sld [smem:$0x3FFE];
	[sflag:s23] =	ssyncadd.s32 $0xFFFFFFFF  }
0xa5: {  	s26 =	simm.s32 $execute0_lowered;
	[smem:$0x3FD2] =	sst s25  }
0xa6: {  	s5 =	sshll.u32 s26, $0x1;
	_ =	strace $0x8000004C;
	[dreg:$0x1] =	wrdreg $0xFFFFFFFF  }
0xa7: {  	s28 =	simm.s32 $_size_execute0_lowered;
	s3 =	sadd.s32 s3, s5;
	[dreg:$0x0] =	wrdreg $0x0  }
0xa8: {  	s5 =	sshll.u32 s28, $0x1;
	[dreg:$0x2] =	wrdreg s3  }
0xa9: {  	[dreg:$0x3] =	wrdreg s5  }
0xaa: {  	[dreg:$0x4] =	wrdreg $0xC0  }
0xab: {  	_ =	task [dreg:s7], $0x5FFFF  }
0xac: {  	[dreg:$0x1] =	wrdreg $0xFFFFFFFF  }
0xad: {  	[dreg:$0x0] =	wrdreg $0x60  }
0xae: {  	[dreg:$0x2] =	wrdreg s24  }
0xaf: {  	[dreg:$0x3] =	wrdreg s2  }
0xb0: {  	[dreg:$0x4] =	wrdreg $0x0  }
0xb1: {  	[dreg:$0x5] =	wrdreg $0x9  }
0xb2: {  	_ =	task.clear_ibuf [dreg:s7], $0x6FFFF;
	_ =	strace $0x9000004C  }
0xb3: {  	s29 =	simm.s32 $0x9;
	_ =	strace $0x8000004E  }
0xb4: {  	_ =	swait.ge [sflag:s29], $0x1  }
0xb5: {  	[sflag:s29] =	ssyncadd.s32 $0xFFFFFFFF  }
0xb6: {  	_ =	strace $0x9000004E  }
0xb7: {  	_ =	sfence  }
0xb8: {  	s30 =	sld [smem:$0x0];
	_ =	sdelay $0x2  }
0xb9: {  	s31 =	sshll.u32 s1, $0xD;
	s1 =	sshrl.u32 s1, $0x2  }
0xba: {  	s3 =	sand.u32 $0x4000, s31;
	s1 =	sadd.s32 s1, s30  }
0xbb: {  	s0 =	sor.u32 s3, s0;
	s1 =	sshll.u32 s1, $0x11  }
0xbc: {  	s0 =	sor.u32 s1, s0  }
0xbd: {  	s0 =	sadd.s32 $0x8F2B, s0  }
0xbe: {  	[sflag:s0] =	ssyncadd.remote.s32 $0x1  }
0xbf: {  	_ =	sfence.sel $0xFFFF  }
0xc0: {  	[dreg:$0x0] =	wrdreg $0xFFFFFFFF;
	(pc) =	sbr.abs _section_cstart, $3  }
0xc1: {  	[dreg:$0x1] =	wrdreg $0xFFFFFFFF  }
0xc2: {  	_ =	task.clear_ibuf [dreg:s7], $0x2FFFF;
	_ =	strace $0x9FFFFFFF  }
0xc3: {  	(tm) =	ssettm $0x7FFFFFFF  }
tec
execute0_lowered:
.L_overlay_start_1:
0x0: {  	(tag) =	ssettag $0x1  }
0x1: {  	s1 =	rddreg [dreg:$0x0]  }
0x2: {  	s0 =	srdreg.scid;
	s5 =	rddreg [dreg:$0x1]  }
0x3: {  	s11 =	stileid.u32;
	s2 =	rddreg [dreg:$0x2]  }
0x4: {  	s12 =	simm.s32 $0x14000;
	s13 =	simm.s32 $0x15400;
	s14 =	simm.s32 $0x40  }
0x5: {  	s15 =	simm.s32 $0x16800;
	s16 =	simm.s32 $0x14080;
	s17 =	simm.s32 $0x18800  }
0x6: {  	s18 =	simm.s32 $0x14100;
	s19 =	simm.s32 $0x1A800;
	s20 =	simm.s32 $0x1  }
0x7: {  	s21 =	simm.s32 $0x14180;
	s28 =	simm.s32 $0x3;
	s29 =	simm.s32 $0x6  }
0x8: {  	s30 =	simm.s32 $0x4;
	s31 =	simm.s32 $0x7;
	s8 =	smul.u32 $0x50000, s11  }
0x9: {  	s0 =	sand.u32 $0x1, s0;
	s10 =	sadd.s32 $0x3E600, s1;
	s25 =	smul.u32 $0x2800, s11  }
0xa: {  	s24 =	sshll.u32 s11, $0x6;
	s3 =	sshll.u32 s0, $0x4;
	s7 =	smul.u32 $0x28000, s0  }
0xb: {  	s0 =	ssub.s32 $0x2, s0;
	s24 =	sor.u32 $0x1C09, s24;
	s4 =	sor.u32 s11, s3  }
0xc: {  	s3 =	simm.s32 $0x0;
	s22 =	sshrl.u32 s0, $0x1;
	s8 =	sshrl.u32 s8, $0x2  }
0xd: {  	s11 =	simm.s32 $0x9;
	s6 =	smul.u32 $0xA00, s4;
	[smem:$0x7FF] =	sst s3  }
0xe: {  	s4 =	sadd.s32 $0x40E00, s1;
	s0 =	ssub.s32 s0, s22;
	s23 =	sadd.s32 s8, s2  }
0xf: {  	s22 =	simm.s32 $0x1C800;
	_ =	strace $0x8000004D;
	[dreg:$0x4] =	wrdreg s10  }
0x10: {  	s0 =	smax.u32 s0, $0x1;
	[dreg:$0x5] =	wrdreg s24;
	s9 =	sadd.s32 s6, s1  }
0x11: {  	s1 =	sadd.s32 s7, s1;
	s7 =	sadd.s32 s5, s6;
	[dreg:$0x6] =	wrdreg s0  }
0x12: {  	s0 =	simm.s32 $0x16700;
	s5 =	simm.s32 $0x16780;
	s8 =	sadd.s32 $0x2200, s9  }
0x13: {  	s1 =	sadd.s32 $0x68E00, s1;
	s9 =	sshrl.u32 s23, $0x3;
	s23 =	simm.s32 $0x2  }
0x14: {  	s26 =	sadd.s32 s25, s1;
	s25 =	simm.s32 $0x15480;
	[dreg:$0x7] =	wrdreg s9  }
0x15: {  	s1 =	simm.s32 $0x8;
	[dreg:$0x8] =	wrdreg s26;
	s26 =	simm.s32 $0x5  }
.LBB2_1:
0x16: {  	s6 =	rddreg [dreg:$0x4]  }
0x17: {  	[spmem:s9], [sflag:s24] =	dma.local [hbm:s6], $0x2800  }
0x18: {  	_ =	swait.ge [sflag:s11], $0x2800  }
0x19: {  	[sflag:s11] =	ssyncset.done $0x0  }
0x1a: {  	[sflag:s11] =	ssyncadd.s32 $0xFFFFD800  }
0x1b: {  	s9 =	simm.s32 $0x0;
	[bflag:$0x0] =	sbarrier.arrive $0xFFFF  }
.LBB2_2:
0x1c: {  	s6 =	smul.u32 $0x280, s9;
	_ =	sdelay $0x1  }
0x1d: {  	s10 =	simm.s32 $0x0;
	s24 =	sadd.s32 s6, s7  }
0x1e: {  	[tilespmem:s12], [sflag:$0x9] =	stream.linear.gather [hbm4b:s24+s10], $0x1400, $0x38;
	[tilespmem:$0x1E800] =	vst v63  }
0x1f: {  	_ =	swait.ge [sflag:s11], $0x1400  }
0x20: {  	[sflag:s11] =	ssyncset.done $0x0  }
0x21: {  	s6 =	sadd.s32 s6, s8;
	[sflag:s11] =	ssyncadd.s32 $0xFFFFEC00  }
0x22: {  	[tilespmem:s13], [sflag:$0x9] =	stream.linear.gather [hbm4b:s6+s10], $0x1400, $0x38;
	[tilespmem:$0x1E800] =	vst v63  }
0x23: {  	_ =	swait.ge [sflag:s11], $0x1400  }
0x24: {  	[sflag:s11] =	ssyncset.done $0x0  }
0x25: {  	[sflag:s11] =	ssyncadd.s32 $0xFFFFEC00  }
0x26: {  	[tilespmem:s15], [sflag:$0x1] =	stream.indirect.gather [hbm4b:s4+s14], $0x80, s12, s14, $0xb8;
	[tilespmem:$0x1E800] =	vst v63  }
0x27: {  	_ = 	snop  }
0x28: {  	[tilespmem:s17], [sflag:$0x2] =	stream.indirect.gather [hbm4b:s4+s14], $0x80, s16, s14, $0xb8;
	[tilespmem:$0x1E800] =	vst v63  }
0x29: {  	_ = 	snop  }
0x2a: {  	[tilespmem:s19], [sflag:$0x3] =	stream.indirect.gather [hbm4b:s4+s14], $0x80, s18, s14, $0xb8;
	[tilespmem:$0x1E800] =	vst v63  }
0x2b: {  	_ =	swait.ge [sflag:s20], $0x2000  }
0x2c: {  	[sflag:s20] =	ssyncset.done $0x0  }
0x2d: {  	[sflag:s20] =	ssyncadd.s32 $0xFFFFE000  }
0x2e: {  	[spmem:s2] =	stream.indirect.scatter.add.f32 [tilespmem:s15], [sflag:$0x5], $0x80, s13, s14, $0xb8;
	[tilespmem:$0x1E800] =	vst v63  }
0x2f: {  	_ = 	snop  }
0x30: {  	[tilespmem:s22], [sflag:$0x4] =	stream.indirect.gather [hbm4b:s4+s14], $0x80, s21, s14, $0xb8;
	[tilespmem:$0x1E800] =	vst v63  }
0x31: {  	_ =	swait.ge [sflag:s23], $0x2000  }
0x32: {  	[sflag:s23] =	ssyncset.done $0x0  }
0x33: {  	[sflag:s23] =	ssyncadd.s32 $0xFFFFE000  }
0x34: {  	[spmem:s2] =	stream.indirect.scatter.add.f32 [tilespmem:s17], [sflag:$0x6], $0x80, s25, s14, $0xb8;
	[tilespmem:$0x1E800] =	vst v63  }
0x35: {  	_ =	swait.ge [sflag:s26], $0x2000  }
0x36: {  	[sflag:s26] =	ssyncset.done $0x0  }
0x37: {  	s24 =	simm.s32 $0x14200;
	[sflag:s26] =	ssyncadd.s32 $0xFFFFE000  }
0x38: {  	[tilespmem:s15], [sflag:$0x1] =	stream.indirect.gather [hbm4b:s4+s14], $0x80, s24, s14, $0xb8;
	[tilespmem:$0x1E800] =	vst v63  }
0x39: {  	_ =	swait.ge [sflag:s28], $0x2000  }
0x3a: {  	[sflag:s28] =	ssyncset.done $0x0  }
0x3b: {  	s10 =	simm.s32 $0x15500;
	[sflag:s28] =	ssyncadd.s32 $0xFFFFE000  }
0x3c: {  	[spmem:s2] =	stream.indirect.scatter.add.f32 [tilespmem:s19], [sflag:$0x7], $0x80, s10, s14, $0xb8;
	[tilespmem:$0x1E800] =	vst v63  }
0x3d: {  	_ =	swait.ge [sflag:s29], $0x2000  }
0x3e: {  	[sflag:s29] =	ssyncset.done $0x0  }
0x3f: {  	s24 =	simm.s32 $0x14280;
	[sflag:s29] =	ssyncadd.s32 $0xFFFFE000  }
0x40: {  	[tilespmem:s17], [sflag:$0x2] =	stream.indirect.gather [hbm4b:s4+s14], $0x80, s24, s14, $0xb8;
	[tilespmem:$0x1E800] =	vst v63  }
0x41: {  	_ =	swait.ge [sflag:s30], $0x2000  }
0x42: {  	[sflag:s30] =	ssyncset.done $0x0  }
0x43: {  	s10 =	simm.s32 $0x15580;
	[sflag:s30] =	ssyncadd.s32 $0xFFFFE000  }
0x44: {  	[spmem:s2] =	stream.indirect.scatter.add.f32 [tilespmem:s22], [sflag:$0x8], $0x80, s10, s14, $0xb8;
	[tilespmem:$0x1E800] =	vst v63  }
0x45: {  	_ =	swait.ge [sflag:s31], $0x2000  }
0x46: {  	[sflag:s31] =	ssyncset.done $0x0  }
0x47: {  	s24 =	simm.s32 $0x14300;
	[sflag:s31] =	ssyncadd.s32 $0xFFFFE000  }
0x48: {  	[tilespmem:s19], [sflag:$0x3] =	stream.indirect.gather [hbm4b:s4+s14], $0x80, s24, s14, $0xb8;
	[tilespmem:$0x1E800] =	vst v63  }
0x49: {  	_ =	swait.ge [sflag:s20], $0x2000  }
0x4a: {  	[sflag:s20] =	ssyncset.done $0x0  }
0x4b: {  	s10 =	simm.s32 $0x15600;
	[sflag:s20] =	ssyncadd.s32 $0xFFFFE000  }
0x4c: {  	[spmem:s2] =	stream.indirect.scatter.add.f32 [tilespmem:s15], [sflag:$0x5], $0x80, s10, s14, $0xb8;
	[tilespmem:$0x1E800] =	vst v63  }
0x4d: {  	_ =	swait.ge [sflag:s1], $0x2000  }
0x4e: {  	[sflag:s1] =	ssyncset.done $0x0  }
0x4f: {  	s24 =	simm.s32 $0x14380;
	[sflag:s1] =	ssyncadd.s32 $0xFFFFE000  }
0x50: {  	[tilespmem:s22], [sflag:$0x4] =	stream.indirect.gather [hbm4b:s4+s14], $0x80, s24, s14, $0xb8;
	[tilespmem:$0x1E800] =	vst v63  }
0x51: {  	_ =	swait.ge [sflag:s23], $0x2000  }
0x52: {  	[sflag:s23] =	ssyncset.done $0x0  }
0x53: {  	s6 =	simm.s32 $0x15680;
	s24 =	simm.s32 $0x800;
	[sflag:s23] =	ssyncadd.s32 $0xFFFFE000  }
.LBB2_3:
0x54: {  	[spmem:s2] =	stream.indirect.scatter.add.f32 [tilespmem:s17], [sflag:$0x6], $0x80, s6, s14, $0xb8;
	[tilespmem:$0x1E800] =	vst v63  }
0x55: {  	s6 =	smov.u32 s24  }
0x56: {  	p0 =	sne.s32 s24, $0x4000;
	s24 =	sadd.s32 $0x800, s24;
	_ =	swait.ge [sflag:s26], $0x2000  }
0x57: {  	s6 =	sshra.s32 s6, $0x2;
	[sflag:s26] =	ssyncset.done $0x0  }
0x58: {  	s10 =	sadd.s32 $0x14200, s6;
	[sflag:s26] =	ssyncadd.s32 $0xFFFFE000  }
0x59: {  	[tilespmem:s15], [sflag:$0x1] =	stream.indirect.gather [hbm4b:s4+s14], $0x80, s10, s14, $0xb8;
	[tilespmem:$0x1E800] =	vst v63  }
0x5a: {  	_ =	swait.ge [sflag:s28], $0x2000  }
0x5b: {  	[sflag:s28] =	ssyncset.done $0x0  }
0x5c: {  	s10 =	sadd.s32 $0x15500, s6;
	[sflag:s28] =	ssyncadd.s32 $0xFFFFE000  }
0x5d: {  	[spmem:s2] =	stream.indirect.scatter.add.f32 [tilespmem:s19], [sflag:$0x7], $0x80, s10, s14, $0xb8;
	[tilespmem:$0x1E800] =	vst v63  }
0x5e: {  	_ =	swait.ge [sflag:s29], $0x2000  }
0x5f: {  	[sflag:s29] =	ssyncset.done $0x0  }
0x60: {  	s10 =	sadd.s32 $0x14280, s6;
	[sflag:s29] =	ssyncadd.s32 $0xFFFFE000  }
0x61: {  	[tilespmem:s17], [sflag:$0x2] =	stream.indirect.gather [hbm4b:s4+s14], $0x80, s10, s14, $0xb8;
	[tilespmem:$0x1E800] =	vst v63  }
0x62: {  	_ =	swait.ge [sflag:s30], $0x2000  }
0x63: {  	[sflag:s30] =	ssyncset.done $0x0  }
0x64: {  	s10 =	sadd.s32 $0x15580, s6;
	[sflag:s30] =	ssyncadd.s32 $0xFFFFE000  }
0x65: {  	[spmem:s2] =	stream.indirect.scatter.add.f32 [tilespmem:s22], [sflag:$0x8], $0x80, s10, s14, $0xb8;
	[tilespmem:$0x1E800] =	vst v63  }
0x66: {  	_ =	swait.ge [sflag:s31], $0x2000  }
0x67: {  	[sflag:s31] =	ssyncset.done $0x0  }
0x68: {  	s10 =	sadd.s32 $0x14300, s6;
	[sflag:s31] =	ssyncadd.s32 $0xFFFFE000  }
0x69: {  	[tilespmem:s19], [sflag:$0x3] =	stream.indirect.gather [hbm4b:s4+s14], $0x80, s10, s14, $0xb8;
	[tilespmem:$0x1E800] =	vst v63  }
0x6a: {  	_ =	swait.ge [sflag:s20], $0x2000  }
0x6b: {  	[sflag:s20] =	ssyncset.done $0x0  }
0x6c: {  	s10 =	sadd.s32 $0x15600, s6;
	[sflag:s20] =	ssyncadd.s32 $0xFFFFE000  }
0x6d: {  	[spmem:s2] =	stream.indirect.scatter.add.f32 [tilespmem:s15], [sflag:$0x5], $0x80, s10, s14, $0xb8;
	[tilespmem:$0x1E800] =	vst v63  }
0x6e: {  	_ =	swait.ge [sflag:s1], $0x2000  }
0x6f: {  	[sflag:s1] =	ssyncset.done $0x0  }
.Ltmp0:
0x70: {  	s10 =	sadd.s32 $0x14380, s6;
	[sflag:s1] =	ssyncadd.s32 $0xFFFFE000;
	(pc) =	sbr.rel @p0 .LBB2_3-.Ltmp0, $4  }
0x71: {  	[tilespmem:s22], [sflag:$0x4] =	stream.indirect.gather [hbm4b:s4+s14], $0x80, s10, s14, $0xb8;
	[tilespmem:$0x1E800] =	vst v63  }
0x72: {  	_ =	swait.ge [sflag:s23], $0x2000  }
0x73: {  	[sflag:s23] =	ssyncset.done $0x0  }
0x74: {  	s6 =	sadd.s32 $0x15680, s6;
	[sflag:s23] =	ssyncadd.s32 $0xFFFFE000  }
0x75: {  	[spmem:s2] =	stream.indirect.scatter.add.f32 [tilespmem:s17], [sflag:$0x6], $0x80, s6, s14, $0xb8;
	[tilespmem:$0x1E800] =	vst v63  }
0x76: {  	_ =	swait.ge [sflag:s26], $0x2000  }
0x77: {  	[sflag:s26] =	ssyncset.done $0x0  }
0x78: {  	[sflag:s26] =	ssyncadd.s32 $0xFFFFE000  }
0x79: {  	_ =	swait.ge [sflag:s28], $0x2000  }
0x7a: {  	[sflag:s28] =	ssyncset.done $0x0  }
0x7b: {  	[sflag:s28] =	ssyncadd.s32 $0xFFFFE000  }
0x7c: {  	[spmem:s2] =	stream.indirect.scatter.add.f32 [tilespmem:s19], [sflag:$0x7], $0x80, s0, s14, $0xb8;
	[tilespmem:$0x1E800] =	vst v63  }
0x7d: {  	_ =	swait.ge [sflag:s29], $0x2000  }
0x7e: {  	[sflag:s29] =	ssyncset.done $0x0  }
0x7f: {  	[sflag:s29] =	ssyncadd.s32 $0xFFFFE000  }
0x80: {  	_ =	swait.ge [sflag:s30], $0x2000  }
0x81: {  	[sflag:s30] =	ssyncset.done $0x0  }
0x82: {  	s9 =	sadd.s32 $0x1, s9;
	[sflag:s30] =	ssyncadd.s32 $0xFFFFE000  }
0x83: {  	[spmem:s2] =	stream.indirect.scatter.add.f32 [tilespmem:s22], [sflag:$0x8], $0x80, s5, s14, $0xb8;
	[tilespmem:$0x1E800] =	vst v63  }
0x84: {  	p0 =	sne.s32 s9, $0x4;
	_ =	swait.ge [sflag:s31], $0x2000  }
.Ltmp1:
0x85: {  	[sflag:s31] =	ssyncset.done $0x0;
	(pc) =	sbr.rel @p0 .LBB2_2-.Ltmp1, $4  }
0x86: {  	[sflag:s31] =	ssyncadd.s32 $0xFFFFE000  }
0x87: {  	_ =	swait.ge [sflag:s1], $0x2000  }
0x88: {  	[sflag:s1] =	ssyncset.done $0x0  }
0x89: {  	[sflag:s1] =	ssyncadd.s32 $0xFFFFE000  }
0x8a: {  	[bflag:$0x0] =	sbarrier.arrive $0xFFFF  }
0x8b: {  	s24 =	rddreg [dreg:$0x5]  }
0x8c: {  	s9 =	rddreg [dreg:$0x7]  }
0x8d: {  	s6 =	rddreg [dreg:$0x8]  }
0x8e: {  	[hbm:s6], [sflag:s24] =	dma.local [spmem:s9], $0x2800  }
0x8f: {  	_ =	swait.ge [sflag:s11], $0x2800  }
0x90: {  	s3 =	sadd.s32 $0x1, s3;
	s10 =	rddreg [dreg:$0x6]  }
0x91: {  	p0 =	sne.s32 s3, s10  }
.Ltmp2:
0x92: {  	_ = 	snop;
	(pc) =	sbr.rel @p0 .LBB2_1-.Ltmp2, $3  }
0x93: {  	_ =	sdelay $0x1  }
0x94: {  	[sflag:s11] =	ssyncset.done $0x0  }
0x95: {  	[sflag:s11] =	ssyncadd.s32 $0xFFFFD800  }
0x96: {  	_ =	sfence.sel $0x180000  }
0x97: {  	[bflag:$0x0] =	sbarrier.arrive $0xFFFF  }
0x98: {  	_ =	strace $0x9000004D  }
0x99: {  	s0 =	stileid.u32;
	[bflag:$0x2] =	sbarrier.arrive $0xFFFF  }
0x9a: {  	p0 =	sne.s32 s0, $0x0;
	s0 =	rddreg [dreg:$0x3]  }
0x9b: {  	s0 =	sadd.s32 @!p0 $0x100000, s0  }
0x9c: {  	[sflag:s0] =	ssyncadd.tile.s32 @!p0 $0x1;
	_ =	shalt  }
.Lfunc_end2:
_tile_overlayer_lowered:
.L_overlay_start_2:
0x9d: {  	(tag) =	ssettag $0x2  }
0x9e: {  	s0 =	rddreg [dreg:$0x0];
	s2 =	stileid.u32  }
0x9f: {  	s1 =	rddreg [dreg:$0x1];
	p0 =	sne.s32 s2, $0x0  }
0xa0: {  	s3 =	rddreg [dreg:$0x2];
	[bflag:$0x3] =	sbarrier.arrive $0xFFFF;
	s2 =	simm.s32 @!p0 $0x1C09  }
0xa1: {  	[timem:s3], [sflag:s2] =	dma.local @!p0 [hbm:s0], s1  }
0xa2: {  	s0 =	simm.s32 @!p0 $0x9  }
0xa3: {  	_ =	swait.ge @!p0 [sflag:s0], s1  }
0xa4: {  	s1 =	ssub.s32 @!p0 $0x0, s1;
	[sflag:s0] =	ssyncset.done @!p0 $0x0  }
0xa5: {  	[sflag:s0] =	ssyncadd.s32 @!p0 s1  }
0xa6: {  	[bflag:$0x3] =	sbarrier.arrive $0xFFFF  }
0xa7: {  	_ =	shalt  }

// kernel: _impl.8.cloned.1.call-start
scs
__scs_entry_jumppad:
0x0: {  	(pc) =	sbr.rel $0x88, $3  }
0x1: {  	(tag) =	ssettag $0x0;
	lr =	simm.s32 $0x1  }
0x2: {  	[smem:$0x3F9C] =	sst lr;
	_ =	strace $0xD0000000  }
0x3: {  	_ = 	snop  }
0x4: {  	_ = 	snop  }
0x5: {  	_ = 	snop  }
0x6: {  	_ = 	snop  }
0x7: {  	_ = 	snop  }
__scs_overlays_trampoline_lowered:
0x8: {  	[smem:$0x3FAB] =	sst s0  }
0x9: {  	[smem:$0x3FAC] =	sst s1  }
0xa: {  	[smem:$0x3FAD] =	sst s2  }
0xb: {  	[smem:$0x3FAE] =	sst s3  }
0xc: {  	[smem:$0x3FAF] =	sst s4  }
0xd: {  	[smem:$0x3FB0] =	sst s5  }
0xe: {  	[smem:$0x3FB1] =	sst s6  }
0xf: {  	[smem:$0x3FB2] =	sst s7  }
0x10: {  	[smem:$0x3FB3] =	sst s8  }
0x11: {  	[smem:$0x3FB4] =	sst s9;
	s0 =	simm.s32 @!p0 $0x0  }
0x12: {  	s1 =	sld [smem:$0x3F9A];
	s0 =	simm.s32 @p0 $0x1  }
0x13: {  	[smem:$0x3FB5] =	sst s0;
	s0 =	simm.s32 @!p1 $0x0  }
0x14: {  	s2 =	sld [smem:$0x3F99];
	s0 =	simm.s32 @p1 $0x1  }
0x15: {  	[smem:$0x3FB6] =	sst s0;
	s0 =	simm.s32 @!p2 $0x0  }
0x16: {  	s3 =	sld [smem:$0x3FDB];
	s0 =	simm.s32 @p2 $0x1  }
0x17: {  	s4 =	simm.s32 $0x1BF5;
	[smem:$0x3FB8] =	sst s0  }
0x18: {  	s0 =	sld [smem:$0x3F9B];
	_ =	swait.ge [sflag:s4], $0x0  }
0x19: {  	s7 =	sld [smem:$0x3F9C]  }
0x1a: {  	s8 =	sadd.s32 $0xFFFFE003, lr  }
0x1b: {  	s9 =	sadd.s32 $0xFFFFFEF7, lr;
	s5 =	simm.s32 $0xFFFFFFFF;
	p2 =	slt.u32 s8, $0xFFFFF086  }
0x1c: {  	p1 =	slt.u32 s9, $0xF7A;
	s5 =	simm.s32 @!p2 $0x0  }
0x1d: {  	s5 =	simm.s32 @p1 $0x1;
	p0 =	seq.s32 s7, s2  }
0x1e: {  	s7 =	smul.u32 @!p0 $0xF7A, s2;
	p2 =	seq.s32 @!p0 s5, $0x0  }
0x1f: {  	s9 =	smul.u32 $0xF7A, s1;
	s8 =	simm.s32 @!p0 $0x1BF5;
	p2 =	por !p2, p0  }
0x20: {  	[sflag:s8] =	ssyncset.s32 @!p0 $0xFFFFF086;
	s6 =	sadd.s32 @!p0 s3, s7;
	s7 =	simm.s32 @!p0 $0x108  }
0x21: {  	s3 =	sadd.s32 s3, s9;
	s6 =	sadd.s32 @!p0 $0x88, s6;
	s7 =	simm.s32 @p2 $0x1082  }
0x22: {  	[simem:s7], [sflag:s8] =	dma.local @!p0 [hbm:s6], $0xF7A  }
0x23: {  	s9 =	sor.u32 $0xD0000000, s2;
	s6 =	simm.s32 $0x108;
	_ =	swait.ge @!p0 [sflag:s8], $0x0  }
0x24: {  	s3 =	sadd.s32 $0x88, s3;
	s6 =	simm.s32 @!p1 $0x1082;
	[sflag:s4] =	ssyncset.s32 $0xFFFFF086  }
0x25: {  	[simem:s6], [sflag:s4] =	dma.local [hbm:s3], $0xF7A  }
0x26: {  	[smem:$0x3F9C] =	sst s1;
	(tag) =	ssettag s2;
	_ =	strace s9  }
0x27: {  	s1 =	sld [smem:$0x3FAC]  }
0x28: {  	s2 =	sld [smem:$0x3FAD]  }
0x29: {  	s4 =	sld [smem:$0x3FAF]  }
0x2a: {  	p0 =	seq.s32 s5, $0x0;
	s5 =	sld [smem:$0x3FB0]  }
0x2b: {  	s6 =	sld [smem:$0x3FB1]  }
0x2c: {  	s7 =	sld [smem:$0x3FB2]  }
0x2d: {  	s3 =	simm.s32 $0x108;
	s8 =	sld [smem:$0x3FB3]  }
0x2e: {  	s3 =	simm.s32 @!p0 $0x1082;
	s9 =	sld [smem:$0x3FB4]  }
0x2f: {  	lr =	sadd.s32 s0, s3;
	s0 =	sld [smem:$0x3FAB]  }
0x30: {  	s3 =	sld [smem:$0x3FAE]  }
0x31: {  	[smem:$0x3FB7] =	sst s10  }
0x32: {  	s10 =	sld [smem:$0x3FB5];
	_ =	sdelay $0x3  }
0x33: {  	p0 =	seq.s32 s10, $0x1;
	s10 =	sld [smem:$0x3FB7];
	_ =	sdelay $0x3  }
0x34: {  	[smem:$0x3FB7] =	sst s10  }
0x35: {  	s10 =	sld [smem:$0x3FB6];
	_ =	sdelay $0x3  }
0x36: {  	p1 =	seq.s32 s10, $0x1;
	s10 =	sld [smem:$0x3FB7];
	_ =	sdelay $0x3  }
0x37: {  	[smem:$0x3FB7] =	sst s10  }
0x38: {  	s10 =	sld [smem:$0x3FB8]  }
0x39: {  	_ = 	snop;
	(pc) =	sbr.ind lr, $3  }
0x3a: {  	_ = 	snop  }
0x3b: {  	_ = 	snop  }
0x3c: {  	p2 =	seq.s32 s10, $0x1;
	s10 =	sld [smem:$0x3FB7]  }
0x3d: {  	_ =	shalt  }
0x3e: {  	_ =	shalt  }
0x3f: {  	_ =	shalt  }
0x40: {  	_ =	shalt  }
0x41: {  	_ =	shalt  }
0x42: {  	_ =	shalt  }
0x43: {  	_ =	shalt  }
0x44: {  	_ =	shalt  }
0x45: {  	_ =	shalt  }
0x46: {  	_ =	shalt  }
0x47: {  	_ =	shalt  }
0x48: {  	_ =	shalt  }
0x49: {  	_ =	shalt  }
0x4a: {  	_ =	shalt  }
0x4b: {  	_ =	shalt  }
0x4c: {  	_ =	shalt  }
0x4d: {  	_ =	shalt  }
0x4e: {  	_ =	shalt  }
0x4f: {  	_ =	shalt  }
0x50: {  	_ =	shalt  }
0x51: {  	_ =	shalt  }
0x52: {  	_ =	shalt  }
0x53: {  	_ =	shalt  }
0x54: {  	_ =	shalt  }
0x55: {  	_ =	shalt  }
0x56: {  	_ =	shalt  }
0x57: {  	_ =	shalt  }
0x58: {  	_ =	shalt  }
0x59: {  	_ =	shalt  }
0x5a: {  	_ =	shalt  }
0x5b: {  	_ =	shalt  }
0x5c: {  	_ =	shalt  }
0x5d: {  	_ =	shalt  }
0x5e: {  	_ =	shalt  }
0x5f: {  	_ =	shalt  }
0x60: {  	_ =	shalt  }
0x61: {  	_ =	shalt  }
0x62: {  	_ =	shalt  }
0x63: {  	_ =	shalt  }
0x64: {  	_ =	shalt  }
0x65: {  	_ =	shalt  }
0x66: {  	_ =	shalt  }
0x67: {  	_ =	shalt  }
0x68: {  	_ =	shalt  }
0x69: {  	_ =	shalt  }
0x6a: {  	_ =	shalt  }
0x6b: {  	_ =	shalt  }
0x6c: {  	_ =	shalt  }
0x6d: {  	_ =	shalt  }
0x6e: {  	_ =	shalt  }
0x6f: {  	_ =	shalt  }
0x70: {  	_ =	shalt  }
0x71: {  	_ =	shalt  }
0x72: {  	_ =	shalt  }
0x73: {  	_ =	shalt  }
0x74: {  	_ =	shalt  }
0x75: {  	_ =	shalt  }
0x76: {  	_ =	shalt  }
0x77: {  	_ =	shalt  }
0x78: {  	_ =	shalt  }
0x79: {  	_ =	shalt  }
0x7a: {  	_ =	shalt  }
0x7b: {  	_ =	shalt  }
0x7c: {  	_ =	shalt  }
0x7d: {  	_ =	shalt  }
0x7e: {  	_ =	shalt  }
0x7f: {  	_ =	shalt  }
0x80: {  	_ =	shalt  }
0x81: {  	_ =	shalt  }
0x82: {  	_ =	shalt  }
0x83: {  	_ =	shalt  }
0x84: {  	_ =	shalt  }
0x85: {  	_ =	shalt  }
0x86: {  	_ =	shalt  }
0x87: {  	_ =	shalt  }
.Lfunc_end0:
.L_simem_size_0:
called_computation_lowered:
.L_overlay_start_0:
0x88: {  	s2 =	sld [smem:$0x3FD9]  }
0x89: {  	s3 =	sld [smem:$0x3FFE];
	_ =	sdelay $0x1  }
0x8a: {  	s1 =	srdreg.scid  }
0x8b: {  	s0 =	sand.u32 $0x1, s1  }
0x8c: {  	s17 =	sshll.u32 s0, $0xA;
	s2 =	sadd.s32 s3, s2  }
0x8d: {  	s2 =	sadd.s32 s2, s17  }
0x8e: {  	[smem:$0x3FC3] =	sst s2  }
0x8f: {  	_ = 	snop  }
0x90: {  	s2 =	sld [smem:$0x3FD0];
	(tm) =	ssettm $0x1  }
0x91: {  	s18 =	sld [smem:$0x3FFB];
	_ =	sdelay $0x3  }
0x92: {  	_ =	strace s18  }
0x93: {  	s3 =	sld [smem:$0x3FFC];
	_ =	sdelay $0x3  }
0x94: {  	_ =	strace s3  }
0x95: {  	s3 =	sld [smem:$0x3FFD];
	_ =	sdelay $0x3  }
0x96: {  	_ =	strace s3  }
0x97: {  	_ =	strace $0x8FFFFFFF  }
0x98: {  	s19 =	sld [smem:$0x3FDB];
	_ =	sdelay $0x1  }
0x99: {  	s4 =	simm.s32 $_scs_section_size  }
0x9a: {  	s5 =	simm.s32 $_size__tile_overlayer_lowered;
	s6 =	simm.s32 $_tile_overlayer_lowered  }
0x9b: {  	s22 =	simm.s32 $0x1BFF;
	s21 =	sshll.u32 s6, $0x1;
	s3 =	sadd.s32 s4, s19  }
0x9c: {  	s7 =	simm.s32 $0x0;
	s20 =	sshll.u32 s5, $0x1;
	s5 =	sadd.s32 s21, s3  }
0x9d: {  	[timem:s7], [sflag:s22] =	dma.local [hbm:s5], s20  }
0x9e: {  	_ =	swait.ge [sflag:s22], s20  }
0x9f: {  	s4 =	ssub.s32 $0x0, s20;
	[sflag:s22] =	ssyncset.done $0x0  }
0xa0: {  	[sflag:s22] =	ssyncadd.s32 s4;
	_ =	sdelay $0x1  }
0xa1: {  	s23 =	simm.s32 $0x1B8B  }
0xa2: {  	_ =	swait.ge [sflag:s23], $0x1  }
0xa3: {  	[sflag:s23] =	ssyncset.done $0x0  }
0xa4: {  	s25 =	simm.s32 $0x1B8E;
	s24 =	sld [smem:$0x3FFE];
	[sflag:s23] =	ssyncadd.s32 $0xFFFFFFFF  }
0xa5: {  	s26 =	simm.s32 $execute0_lowered;
	[smem:$0x3FD2] =	sst s25  }
0xa6: {  	s5 =	sshll.u32 s26, $0x1;
	_ =	strace $0x80000046;
	[dreg:$0x1] =	wrdreg $0xFFFFFFFF  }
0xa7: {  	s28 =	simm.s32 $_size_execute0_lowered;
	s3 =	sadd.s32 s3, s5;
	[dreg:$0x0] =	wrdreg $0x0  }
0xa8: {  	s5 =	sshll.u32 s28, $0x1;
	[dreg:$0x2] =	wrdreg s3  }
0xa9: {  	[dreg:$0x3] =	wrdreg s5  }
0xaa: {  	[dreg:$0x4] =	wrdreg $0xC0  }
0xab: {  	_ =	task [dreg:s7], $0x5FFFF  }
0xac: {  	[dreg:$0x1] =	wrdreg $0xFFFFFFFF  }
0xad: {  	[dreg:$0x0] =	wrdreg $0x60  }
0xae: {  	[dreg:$0x2] =	wrdreg s24  }
0xaf: {  	[dreg:$0x3] =	wrdreg s2  }
0xb0: {  	[dreg:$0x4] =	wrdreg $0x0  }
0xb1: {  	[dreg:$0x5] =	wrdreg $0x9  }
0xb2: {  	_ =	task.clear_ibuf [dreg:s7], $0x6FFFF;
	_ =	strace $0x90000046  }
0xb3: {  	s29 =	simm.s32 $0x9;
	_ =	strace $0x80000048  }
0xb4: {  	_ =	swait.ge [sflag:s29], $0x1  }
0xb5: {  	[sflag:s29] =	ssyncadd.s32 $0xFFFFFFFF  }
0xb6: {  	_ =	strace $0x90000048  }
0xb7: {  	_ =	sfence  }
0xb8: {  	s30 =	sld [smem:$0x0];
	_ =	sdelay $0x2  }
0xb9: {  	s31 =	sshll.u32 s1, $0xD;
	s1 =	sshrl.u32 s1, $0x2  }
0xba: {  	s3 =	sand.u32 $0x4000, s31;
	s1 =	sadd.s32 s1, s30  }
0xbb: {  	s0 =	sor.u32 s3, s0;
	s1 =	sshll.u32 s1, $0x11  }
0xbc: {  	s0 =	sor.u32 s1, s0  }
0xbd: {  	s0 =	sadd.s32 $0x8F2B, s0  }
0xbe: {  	[sflag:s0] =	ssyncadd.remote.s32 $0x1  }
0xbf: {  	_ =	sfence.sel $0xFFFF  }
0xc0: {  	[dreg:$0x0] =	wrdreg $0xFFFFFFFF;
	(pc) =	sbr.abs _section_cstart, $3  }
0xc1: {  	[dreg:$0x1] =	wrdreg $0xFFFFFFFF  }
0xc2: {  	_ =	task.clear_ibuf [dreg:s7], $0x2FFFF;
	_ =	strace $0x9FFFFFFF  }
0xc3: {  	(tm) =	ssettm $0x7FFFFFFF  }
tec
execute0_lowered:
.L_overlay_start_1:
0x0: {  	(tag) =	ssettag $0x1  }
0x1: {  	s0 =	rddreg [dreg:$0x0]  }
0x2: {  	s3 =	rddreg [dreg:$0x1]  }
0x3: {  	s1 =	srdreg.scid;
	s2 =	rddreg [dreg:$0x2]  }
0x4: {  	s10 =	stileid.u32;
	s11 =	simm.s32 $0x0;
	s13 =	simm.s32 $0x16800  }
0x5: {  	s14 =	simm.s32 $0x15400;
	s15 =	simm.s32 $0x40;
	s16 =	simm.s32 $0x15480  }
0x6: {  	s17 =	simm.s32 $0x1;
	s18 =	simm.s32 $0x2;
	s28 =	simm.s32 $0x14180  }
0x7: {  	s29 =	simm.s32 $0x1C800;
	s30 =	simm.s32 $0x5;
	s31 =	simm.s32 $0x3  }
0x8: {  	s1 =	sand.u32 $0x1, s1;
	[smem:$0x7FF] =	sst s11;
	s24 =	sadd.s32 $0x3E600, s0  }
0x9: {  	s8 =	smul.u32 $0x50000, s10;
	s9 =	sadd.s32 $0x3E200, s0;
	s20 =	sshll.u32 s10, $0x6  }
0xa: {  	s4 =	sshll.u32 s1, $0x4;
	_ =	strace $0x80000047;
	s6 =	smul.u32 $0x28000, s1  }
0xb: {  	[dreg:$0x5] =	wrdreg s9;
	s1 =	ssub.s32 $0x2, s1;
	s12 =	sor.u32 $0x1C09, s20  }
0xc: {  	s20 =	simm.s32 $0x16780;
	[dreg:$0x4] =	wrdreg s24;
	s4 =	sor.u32 s10, s4  }
0xd: {  	s19 =	sshrl.u32 s1, $0x1;
	s8 =	sshrl.u32 s8, $0x2;
	s10 =	smul.u32 $0x2800, s10  }
0xe: {  	s5 =	smul.u32 $0xA00, s4;
	s4 =	sadd.s32 $0x16200, s0;
	s1 =	ssub.s32 s1, s19  }
0xf: {  	s21 =	sadd.s32 s8, s2;
	s19 =	simm.s32 $0x16700;
	s1 =	smax.u32 s1, $0x1  }
0x10: {  	s23 =	sshrl.u32 s21, $0x3;
	s21 =	simm.s32 $0x14000;
	s7 =	sadd.s32 s5, s0  }
0x11: {  	s0 =	sadd.s32 s6, s0;
	s9 =	sadd.s32 s3, s5;
	s3 =	smov.u32 s12  }
0x12: {  	[dreg:$0x7] =	wrdreg s1;
	s12 =	simm.s32 $0x9;
	s5 =	simm.s32 $0x0  }
0x13: {  	s1 =	simm.s32 $0x4;
	s6 =	simm.s32 $0x7;
	[dreg:$0xc] =	wrdreg s5  }
0x14: {  	s8 =	sadd.s32 $0x2200, s7;
	s7 =	smov.u32 s23;
	[dreg:$0x6] =	wrdreg s3  }
0x15: {  	s22 =	sadd.s32 $0x90E00, s0;
	s25 =	sadd.s32 $0x280, s8;
	[dreg:$0x8] =	wrdreg s7  }
0x16: {  	s0 =	sadd.s32 $0x40E00, s0;
	s26 =	sadd.s32 s10, s22;
	[dreg:$0x9] =	wrdreg s25  }
0x17: {  	s23 =	simm.s32 $0x18800;
	s0 =	sadd.s32 s10, s0;
	[dreg:$0xa] =	wrdreg s26  }
0x18: {  	s22 =	simm.s32 $0x14080;
	s10 =	simm.s32 $0x8;
	[dreg:$0xb] =	wrdreg s0  }
0x19: {  	s25 =	simm.s32 $0x14100;
	s26 =	simm.s32 $0x1A800;
	s0 =	simm.s32 $0x6  }
.LBB2_1:
0x1a: {  	[spmem:s7], [sflag:s3] =	dma.local [hbm:s24], $0x2800  }
0x1b: {  	_ =	swait.ge [sflag:s12], $0x2800  }
0x1c: {  	[sflag:s12] =	ssyncset.done $0x0  }
0x1d: {  	s5 =	rddreg [dreg:$0x5];
	[sflag:s12] =	ssyncadd.s32 $0xFFFFD800  }
0x1e: {  	[tilespmem:s13], [sflag:$0x9] =	stream.linear.gather [hbm4b:s5+s11], $0x2000, $0x38;
	[tilespmem:$0x1E800] =	vst v63  }
0x1f: {  	_ =	swait.ge [sflag:s12], $0x2000  }
0x20: {  	[sflag:s12] =	ssyncset.done $0x0  }
0x21: {  	[sflag:s12] =	ssyncadd.s32 $0xFFFFE000  }
0x22: {  	[bflag:$0x0] =	sbarrier.arrive $0xFFFF  }
0x23: {  	[tilespmem:s14], [sflag:$0x9] =	stream.linear.gather [hbm4b:s8+s11], $0x1400, $0x38;
	[tilespmem:$0x1E800] =	vst v63  }
0x24: {  	_ =	swait.ge [sflag:s12], $0x1400  }
0x25: {  	[sflag:s12] =	ssyncset.done $0x0  }
0x26: {  	[sflag:s12] =	ssyncadd.s32 $0xFFFFEC00  }
0x27: {  	[spmem:s2] =	stream.indirect.scatter.add.f32 [tilespmem:s13], [sflag:$0x1], $0x80, s14, s15, $0xb8;
	[tilespmem:$0x1E800] =	vst v63  }
0x28: {  	_ = 	snop  }
0x29: {  	[spmem:s2] =	stream.indirect.scatter.add.f32 [tilespmem:s13], [sflag:$0x2], $0x80, s16, s15, $0xb8;
	[tilespmem:$0x1E800] =	vst v63  }
0x2a: {  	_ =	swait.ge [sflag:s17], $0x2000  }
0x2b: {  	[sflag:s17] =	ssyncset.done $0x0  }
0x2c: {  	s7 =	simm.s32 $0x15500;
	[sflag:s17] =	ssyncadd.s32 $0xFFFFE000  }
0x2d: {  	[spmem:s2] =	stream.indirect.scatter.add.f32 [tilespmem:s13], [sflag:$0x1], $0x80, s7, s15, $0xb8;
	[tilespmem:$0x1E800] =	vst v63  }
0x2e: {  	_ =	swait.ge [sflag:s18], $0x2000  }
0x2f: {  	[sflag:s18] =	ssyncset.done $0x0  }
0x30: {  	s3 =	simm.s32 $0xFFFFB800;
	s5 =	simm.s32 $0x15580;
	[sflag:s18] =	ssyncadd.s32 $0xFFFFE000  }
.LBB2_2:
0x31: {  	[spmem:s2] =	stream.indirect.scatter.add.f32 [tilespmem:s13], [sflag:$0x2], $0x80, s5, s15, $0xb8;
	[tilespmem:$0x1E800] =	vst v63  }
0x32: {  	s5 =	smov.u32 s3  }
0x33: {  	p0 =	sne.s32 s3, $0xFFFFFC00;
	s3 =	sadd.s32 $0x400, s3;
	_ =	swait.ge [sflag:s17], $0x2000  }
0x34: {  	s5 =	sshra.s32 s5, $0x2;
	[sflag:s17] =	ssyncset.done $0x0  }
.Ltmp0:
0x35: {  	s7 =	sadd.s32 $0x16800, s5;
	[sflag:s17] =	ssyncadd.s32 $0xFFFFE000;
	(pc) =	sbr.rel @p0 .LBB2_2-.Ltmp0, $4  }
0x36: {  	[spmem:s2] =	stream.indirect.scatter.add.f32 [tilespmem:s13], [sflag:$0x1], $0x80, s7, s15, $0xb8;
	[tilespmem:$0x1E800] =	vst v63  }
0x37: {  	_ =	swait.ge [sflag:s18], $0x2000  }
0x38: {  	[sflag:s18] =	ssyncset.done $0x0  }
0x39: {  	s5 =	sadd.s32 $0x16880, s5;
	[sflag:s18] =	ssyncadd.s32 $0xFFFFE000  }
0x3a: {  	[spmem:s2] =	stream.indirect.scatter.add.f32 [tilespmem:s13], [sflag:$0x2], $0x80, s5, s15, $0xb8;
	[tilespmem:$0x1E800] =	vst v63  }
0x3b: {  	_ =	swait.ge [sflag:s17], $0x2000  }
0x3c: {  	[sflag:s17] =	ssyncset.done $0x0  }
0x3d: {  	[sflag:s17] =	ssyncadd.s32 $0xFFFFE000  }
0x3e: {  	_ =	swait.ge [sflag:s18], $0x2000  }
0x3f: {  	[sflag:s18] =	ssyncset.done $0x0  }
0x40: {  	s3 =	rddreg [dreg:$0x9];
	[sflag:s18] =	ssyncadd.s32 $0xFFFFE000  }
0x41: {  	[tilespmem:s14], [sflag:$0x9] =	stream.linear.gather [hbm4b:s3+s11], $0x1400, $0x38;
	[tilespmem:$0x1E800] =	vst v63  }
0x42: {  	_ =	swait.ge [sflag:s12], $0x1400  }
0x43: {  	[sflag:s12] =	ssyncset.done $0x0  }
0x44: {  	[sflag:s12] =	ssyncadd.s32 $0xFFFFEC00  }
0x45: {  	[spmem:s2] =	stream.indirect.scatter.add.f32 [tilespmem:s13], [sflag:$0x1], $0x80, s14, s15, $0xb8;
	[tilespmem:$0x1E800] =	vst v63  }
0x46: {  	_ = 	snop  }
0x47: {  	[spmem:s2] =	stream.indirect.scatter.add.f32 [tilespmem:s13], [sflag:$0x2], $0x80, s16, s15, $0xb8;
	[tilespmem:$0x1E800] =	vst v63  }
0x48: {  	_ =	swait.ge [sflag:s17], $0x2000  }
0x49: {  	[sflag:s17] =	ssyncset.done $0x0  }
0x4a: {  	s7 =	simm.s32 $0x15500;
	[sflag:s17] =	ssyncadd.s32 $0xFFFFE000  }
0x4b: {  	[spmem:s2] =	stream.indirect.scatter.add.f32 [tilespmem:s13], [sflag:$0x1], $0x80, s7, s15, $0xb8;
	[tilespmem:$0x1E800] =	vst v63  }
0x4c: {  	_ =	swait.ge [sflag:s18], $0x2000  }
0x4d: {  	[sflag:s18] =	ssyncset.done $0x0  }
0x4e: {  	s5 =	simm.s32 $0x15580;
	s3 =	simm.s32 $0xFFFFB800;
	[sflag:s18] =	ssyncadd.s32 $0xFFFFE000  }
.LBB2_4:
0x4f: {  	[spmem:s2] =	stream.indirect.scatter.add.f32 [tilespmem:s13], [sflag:$0x2], $0x80, s5, s15, $0xb8;
	[tilespmem:$0x1E800] =	vst v63  }
0x50: {  	s5 =	smov.u32 s3  }
0x51: {  	p0 =	sne.s32 s3, $0xFFFFFC00;
	s3 =	sadd.s32 $0x400, s3;
	_ =	swait.ge [sflag:s17], $0x2000  }
0x52: {  	s5 =	sshra.s32 s5, $0x2;
	[sflag:s17] =	ssyncset.done $0x0  }
.Ltmp1:
0x53: {  	s7 =	sadd.s32 $0x16800, s5;
	[sflag:s17] =	ssyncadd.s32 $0xFFFFE000;
	(pc) =	sbr.rel @p0 .LBB2_4-.Ltmp1, $4  }
0x54: {  	[spmem:s2] =	stream.indirect.scatter.add.f32 [tilespmem:s13], [sflag:$0x1], $0x80, s7, s15, $0xb8;
	[tilespmem:$0x1E800] =	vst v63  }
0x55: {  	_ =	swait.ge [sflag:s18], $0x2000  }
0x56: {  	[sflag:s18] =	ssyncset.done $0x0  }
0x57: {  	s5 =	sadd.s32 $0x16880, s5;
	[sflag:s18] =	ssyncadd.s32 $0xFFFFE000  }
0x58: {  	[spmem:s2] =	stream.indirect.scatter.add.f32 [tilespmem:s13], [sflag:$0x2], $0x80, s5, s15, $0xb8;
	[tilespmem:$0x1E800] =	vst v63  }
0x59: {  	_ =	swait.ge [sflag:s17], $0x2000  }
0x5a: {  	[sflag:s17] =	ssyncset.done $0x0  }
0x5b: {  	[sflag:s17] =	ssyncadd.s32 $0xFFFFE000  }
0x5c: {  	_ =	swait.ge [sflag:s18], $0x2000  }
0x5d: {  	[sflag:s18] =	ssyncset.done $0x0  }
0x5e: {  	s3 =	sadd.s32 $0x500, s8;
	[sflag:s18] =	ssyncadd.s32 $0xFFFFE000  }
0x5f: {  	[tilespmem:s14], [sflag:$0x9] =	stream.linear.gather [hbm4b:s3+s11], $0x1400, $0x38;
	[tilespmem:$0x1E800] =	vst v63  }
0x60: {  	_ =	swait.ge [sflag:s12], $0x1400  }
0x61: {  	[sflag:s12] =	ssyncset.done $0x0  }
0x62: {  	[sflag:s12] =	ssyncadd.s32 $0xFFFFEC00  }
0x63: {  	[spmem:s2] =	stream.indirect.scatter.add.f32 [tilespmem:s13], [sflag:$0x1], $0x80, s14, s15, $0xb8;
	[tilespmem:$0x1E800] =	vst v63  }
0x64: {  	_ = 	snop  }
0x65: {  	[spmem:s2] =	stream.indirect.scatter.add.f32 [tilespmem:s13], [sflag:$0x2], $0x80, s16, s15, $0xb8;
	[tilespmem:$0x1E800] =	vst v63  }
0x66: {  	_ =	swait.ge [sflag:s17], $0x2000  }
0x67: {  	[sflag:s17] =	ssyncset.done $0x0  }
0x68: {  	s7 =	simm.s32 $0x15500;
	[sflag:s17] =	ssyncadd.s32 $0xFFFFE000  }
0x69: {  	[spmem:s2] =	stream.indirect.scatter.add.f32 [tilespmem:s13], [sflag:$0x1], $0x80, s7, s15, $0xb8;
	[tilespmem:$0x1E800] =	vst v63  }
0x6a: {  	_ =	swait.ge [sflag:s18], $0x2000  }
0x6b: {  	[sflag:s18] =	ssyncset.done $0x0  }
0x6c: {  	s5 =	simm.s32 $0x15580;
	s3 =	simm.s32 $0xFFFFB800;
	[sflag:s18] =	ssyncadd.s32 $0xFFFFE000  }
.LBB2_6:
0x6d: {  	[spmem:s2] =	stream.indirect.scatter.add.f32 [tilespmem:s13], [sflag:$0x2], $0x80, s5, s15, $0xb8;
	[tilespmem:$0x1E800] =	vst v63  }
0x6e: {  	s5 =	smov.u32 s3  }
0x6f: {  	p0 =	sne.s32 s3, $0xFFFFFC00;
	s3 =	sadd.s32 $0x400, s3;
	_ =	swait.ge [sflag:s17], $0x2000  }
0x70: {  	s5 =	sshra.s32 s5, $0x2;
	[sflag:s17] =	ssyncset.done $0x0  }
.Ltmp2:
0x71: {  	s7 =	sadd.s32 $0x16800, s5;
	[sflag:s17] =	ssyncadd.s32 $0xFFFFE000;
	(pc) =	sbr.rel @p0 .LBB2_6-.Ltmp2, $4  }
0x72: {  	[spmem:s2] =	stream.indirect.scatter.add.f32 [tilespmem:s13], [sflag:$0x1], $0x80, s7, s15, $0xb8;
	[tilespmem:$0x1E800] =	vst v63  }
0x73: {  	_ =	swait.ge [sflag:s18], $0x2000  }
0x74: {  	[sflag:s18] =	ssyncset.done $0x0  }
0x75: {  	s5 =	sadd.s32 $0x16880, s5;
	[sflag:s18] =	ssyncadd.s32 $0xFFFFE000  }
0x76: {  	[spmem:s2] =	stream.indirect.scatter.add.f32 [tilespmem:s13], [sflag:$0x2], $0x80, s5, s15, $0xb8;
	[tilespmem:$0x1E800] =	vst v63  }
0x77: {  	_ =	swait.ge [sflag:s17], $0x2000  }
0x78: {  	[sflag:s17] =	ssyncset.done $0x0  }
0x79: {  	[sflag:s17] =	ssyncadd.s32 $0xFFFFE000  }
0x7a: {  	_ =	swait.ge [sflag:s18], $0x2000  }
0x7b: {  	[sflag:s18] =	ssyncset.done $0x0  }
0x7c: {  	s3 =	sadd.s32 $0x780, s8;
	[sflag:s18] =	ssyncadd.s32 $0xFFFFE000  }
0x7d: {  	[tilespmem:s14], [sflag:$0x9] =	stream.linear.gather [hbm4b:s3+s11], $0x1400, $0x38;
	[tilespmem:$0x1E800] =	vst v63  }
0x7e: {  	_ =	swait.ge [sflag:s12], $0x1400  }
0x7f: {  	[sflag:s12] =	ssyncset.done $0x0  }
0x80: {  	[sflag:s12] =	ssyncadd.s32 $0xFFFFEC00  }
0x81: {  	[spmem:s2] =	stream.indirect.scatter.add.f32 [tilespmem:s13], [sflag:$0x1], $0x80, s14, s15, $0xb8;
	[tilespmem:$0x1E800] =	vst v63  }
0x82: {  	_ = 	snop  }
0x83: {  	[spmem:s2] =	stream.indirect.scatter.add.f32 [tilespmem:s13], [sflag:$0x2], $0x80, s16, s15, $0xb8;
	[tilespmem:$0x1E800] =	vst v63  }
0x84: {  	_ =	swait.ge [sflag:s17], $0x2000  }
0x85: {  	[sflag:s17] =	ssyncset.done $0x0  }
0x86: {  	s11 =	simm.s32 $0x15500;
	[sflag:s17] =	ssyncadd.s32 $0xFFFFE000  }
0x87: {  	[spmem:s2] =	stream.indirect.scatter.add.f32 [tilespmem:s13], [sflag:$0x1], $0x80, s11, s15, $0xb8;
	[tilespmem:$0x1E800] =	vst v63  }
0x88: {  	_ =	swait.ge [sflag:s18], $0x2000  }
0x89: {  	[sflag:s18] =	ssyncset.done $0x0  }
0x8a: {  	s5 =	simm.s32 $0x15580;
	s3 =	simm.s32 $0xFFFFB800;
	[sflag:s18] =	ssyncadd.s32 $0xFFFFE000  }
.LBB2_8:
0x8b: {  	[spmem:s2] =	stream.indirect.scatter.add.f32 [tilespmem:s13], [sflag:$0x2], $0x80, s5, s15, $0xb8;
	[tilespmem:$0x1E800] =	vst v63  }
0x8c: {  	s5 =	smov.u32 s3  }
0x8d: {  	p0 =	sne.s32 s3, $0xFFFFFC00;
	s3 =	sadd.s32 $0x400, s3;
	_ =	swait.ge [sflag:s17], $0x2000  }
0x8e: {  	s5 =	sshra.s32 s5, $0x2;
	[sflag:s17] =	ssyncset.done $0x0  }
.Ltmp3:
0x8f: {  	s7 =	sadd.s32 $0x16800, s5;
	[sflag:s17] =	ssyncadd.s32 $0xFFFFE000;
	(pc) =	sbr.rel @p0 .LBB2_8-.Ltmp3, $4  }
0x90: {  	[spmem:s2] =	stream.indirect.scatter.add.f32 [tilespmem:s13], [sflag:$0x1], $0x80, s7, s15, $0xb8;
	[tilespmem:$0x1E800] =	vst v63  }
0x91: {  	_ =	swait.ge [sflag:s18], $0x2000  }
0x92: {  	[sflag:s18] =	ssyncset.done $0x0  }
0x93: {  	s5 =	sadd.s32 $0x16880, s5;
	[sflag:s18] =	ssyncadd.s32 $0xFFFFE000  }
0x94: {  	[spmem:s2] =	stream.indirect.scatter.add.f32 [tilespmem:s13], [sflag:$0x2], $0x80, s5, s15, $0xb8;
	[tilespmem:$0x1E800] =	vst v63  }
0x95: {  	_ =	swait.ge [sflag:s17], $0x2000  }
0x96: {  	[sflag:s17] =	ssyncset.done $0x0  }
0x97: {  	[sflag:s17] =	ssyncadd.s32 $0xFFFFE000  }
0x98: {  	_ =	swait.ge [sflag:s18], $0x2000  }
0x99: {  	[sflag:s18] =	ssyncset.done $0x0  }
0x9a: {  	[sflag:s18] =	ssyncadd.s32 $0xFFFFE000  }
0x9b: {  	[bflag:$0x0] =	sbarrier.arrive $0xFFFF  }
0x9c: {  	s3 =	rddreg [dreg:$0x6]  }
0x9d: {  	s11 =	rddreg [dreg:$0x8]  }
0x9e: {  	s7 =	rddreg [dreg:$0xa]  }
0x9f: {  	[hbm:s7], [sflag:s3] =	dma.local [spmem:s11], $0x2800  }
0xa0: {  	_ =	swait.ge [sflag:s12], $0x2800  }
0xa1: {  	[sflag:s12] =	ssyncset.done $0x0  }
0xa2: {  	[sflag:s12] =	ssyncadd.s32 $0xFFFFD800  }
0xa3: {  	[spmem:s11], [sflag:s3] =	dma.local [hbm:s24], $0x2800  }
0xa4: {  	_ =	swait.ge [sflag:s12], $0x2800  }
0xa5: {  	[sflag:s12] =	ssyncset.done $0x0  }
0xa6: {  	[sflag:s12] =	ssyncadd.s32 $0xFFFFD800  }
0xa7: {  	s5 =	simm.s32 $0x0;
	s3 =	simm.s32 $0x0;
	[bflag:$0x0] =	sbarrier.arrive $0xFFFF  }
.LBB2_10:
0xa8: {  	s7 =	smul.u32 $0x280, s3;
	_ =	sdelay $0x1  }
0xa9: {  	s11 =	sadd.s32 s7, s9  }
0xaa: {  	[tilespmem:s21], [sflag:$0x9] =	stream.linear.gather [hbm4b:s11+s5], $0x1400, $0x38;
	[tilespmem:$0x1E800] =	vst v63  }
0xab: {  	_ =	swait.ge [sflag:s12], $0x1400  }
0xac: {  	[sflag:s12] =	ssyncset.done $0x0  }
0xad: {  	s7 =	sadd.s32 s7, s8;
	[sflag:s12] =	ssyncadd.s32 $0xFFFFEC00  }
0xae: {  	[tilespmem:s14], [sflag:$0x9] =	stream.linear.gather [hbm4b:s7+s5], $0x1400, $0x38;
	[tilespmem:$0x1E800] =	vst v63  }
0xaf: {  	_ =	swait.ge [sflag:s12], $0x1400  }
0xb0: {  	[sflag:s12] =	ssyncset.done $0x0  }
0xb1: {  	[sflag:s12] =	ssyncadd.s32 $0xFFFFEC00  }
0xb2: {  	[tilespmem:s13], [sflag:$0x1] =	stream.indirect.gather [hbm4b:s4+s15], $0x80, s21, s15, $0xb8;
	[tilespmem:$0x1E800] =	vst v63  }
0xb3: {  	_ = 	snop  }
0xb4: {  	[tilespmem:s23], [sflag:$0x2] =	stream.indirect.gather [hbm4b:s4+s15], $0x80, s22, s15, $0xb8;
	[tilespmem:$0x1E800] =	vst v63  }
0xb5: {  	_ = 	snop  }
0xb6: {  	[tilespmem:s26], [sflag:$0x3] =	stream.indirect.gather [hbm4b:s4+s15], $0x80, s25, s15, $0xb8;
	[tilespmem:$0x1E800] =	vst v63  }
0xb7: {  	_ =	swait.ge [sflag:s17], $0x2000  }
0xb8: {  	[sflag:s17] =	ssyncset.done $0x0  }
0xb9: {  	[sflag:s17] =	ssyncadd.s32 $0xFFFFE000  }
0xba: {  	[spmem:s2] =	stream.indirect.scatter.add.f32 [tilespmem:s13], [sflag:$0x5], $0x80, s14, s15, $0xb8;
	[tilespmem:$0x1E800] =	vst v63  }
0xbb: {  	_ = 	snop  }
0xbc: {  	[tilespmem:s29], [sflag:$0x4] =	stream.indirect.gather [hbm4b:s4+s15], $0x80, s28, s15, $0xb8;
	[tilespmem:$0x1E800] =	vst v63  }
0xbd: {  	_ =	swait.ge [sflag:s18], $0x2000  }
0xbe: {  	[sflag:s18] =	ssyncset.done $0x0  }
0xbf: {  	[sflag:s18] =	ssyncadd.s32 $0xFFFFE000  }
0xc0: {  	[spmem:s2] =	stream.indirect.scatter.add.f32 [tilespmem:s23], [sflag:$0x6], $0x80, s16, s15, $0xb8;
	[tilespmem:$0x1E800] =	vst v63  }
0xc1: {  	_ =	swait.ge [sflag:s30], $0x2000  }
0xc2: {  	[sflag:s30] =	ssyncset.done $0x0  }
0xc3: {  	s24 =	simm.s32 $0x14200;
	[sflag:s30] =	ssyncadd.s32 $0xFFFFE000  }
0xc4: {  	[tilespmem:s13], [sflag:$0x1] =	stream.indirect.gather [hbm4b:s4+s15], $0x80, s24, s15, $0xb8;
	[tilespmem:$0x1E800] =	vst v63  }
0xc5: {  	_ =	swait.ge [sflag:s31], $0x2000  }
0xc6: {  	[sflag:s31] =	ssyncset.done $0x0  }
0xc7: {  	s11 =	simm.s32 $0x15500;
	[sflag:s31] =	ssyncadd.s32 $0xFFFFE000  }
0xc8: {  	[spmem:s2] =	stream.indirect.scatter.add.f32 [tilespmem:s26], [sflag:$0x7], $0x80, s11, s15, $0xb8;
	[tilespmem:$0x1E800] =	vst v63  }
0xc9: {  	_ =	swait.ge [sflag:s0], $0x2000  }
0xca: {  	[sflag:s0] =	ssyncset.done $0x0  }
0xcb: {  	s24 =	simm.s32 $0x14280;
	[sflag:s0] =	ssyncadd.s32 $0xFFFFE000  }
0xcc: {  	[tilespmem:s23], [sflag:$0x2] =	stream.indirect.gather [hbm4b:s4+s15], $0x80, s24, s15, $0xb8;
	[tilespmem:$0x1E800] =	vst v63  }
0xcd: {  	_ =	swait.ge [sflag:s1], $0x2000  }
0xce: {  	[sflag:s1] =	ssyncset.done $0x0  }
0xcf: {  	s11 =	simm.s32 $0x15580;
	[sflag:s1] =	ssyncadd.s32 $0xFFFFE000  }
0xd0: {  	[spmem:s2] =	stream.indirect.scatter.add.f32 [tilespmem:s29], [sflag:$0x8], $0x80, s11, s15, $0xb8;
	[tilespmem:$0x1E800] =	vst v63  }
0xd1: {  	_ =	swait.ge [sflag:s6], $0x2000  }
0xd2: {  	[sflag:s6] =	ssyncset.done $0x0  }
0xd3: {  	s24 =	simm.s32 $0x14300;
	[sflag:s6] =	ssyncadd.s32 $0xFFFFE000  }
0xd4: {  	[tilespmem:s26], [sflag:$0x3] =	stream.indirect.gather [hbm4b:s4+s15], $0x80, s24, s15, $0xb8;
	[tilespmem:$0x1E800] =	vst v63  }
0xd5: {  	_ =	swait.ge [sflag:s17], $0x2000  }
0xd6: {  	[sflag:s17] =	ssyncset.done $0x0  }
0xd7: {  	s11 =	simm.s32 $0x15600;
	[sflag:s17] =	ssyncadd.s32 $0xFFFFE000  }
0xd8: {  	[spmem:s2] =	stream.indirect.scatter.add.f32 [tilespmem:s13], [sflag:$0x5], $0x80, s11, s15, $0xb8;
	[tilespmem:$0x1E800] =	vst v63  }
0xd9: {  	_ =	swait.ge [sflag:s10], $0x2000  }
0xda: {  	[sflag:s10] =	ssyncset.done $0x0  }
0xdb: {  	s24 =	simm.s32 $0x14380;
	[sflag:s10] =	ssyncadd.s32 $0xFFFFE000  }
0xdc: {  	[tilespmem:s29], [sflag:$0x4] =	stream.indirect.gather [hbm4b:s4+s15], $0x80, s24, s15, $0xb8;
	[tilespmem:$0x1E800] =	vst v63  }
0xdd: {  	_ =	swait.ge [sflag:s18], $0x2000  }
0xde: {  	[sflag:s18] =	ssyncset.done $0x0  }
0xdf: {  	s7 =	simm.s32 $0x800;
	s11 =	simm.s32 $0x15680;
	[sflag:s18] =	ssyncadd.s32 $0xFFFFE000  }
.LBB2_11:
0xe0: {  	[spmem:s2] =	stream.indirect.scatter.add.f32 [tilespmem:s23], [sflag:$0x6], $0x80, s11, s15, $0xb8;
	[tilespmem:$0x1E800] =	vst v63  }
0xe1: {  	s11 =	smov.u32 s7  }
0xe2: {  	p0 =	sne.s32 s7, $0x4000;
	s7 =	sadd.s32 $0x800, s7;
	_ =	swait.ge [sflag:s30], $0x2000  }
0xe3: {  	s11 =	sshra.s32 s11, $0x2;
	[sflag:s30] =	ssyncset.done $0x0  }
0xe4: {  	s24 =	sadd.s32 $0x14200, s11;
	[sflag:s30] =	ssyncadd.s32 $0xFFFFE000  }
0xe5: {  	[tilespmem:s13], [sflag:$0x1] =	stream.indirect.gather [hbm4b:s4+s15], $0x80, s24, s15, $0xb8;
	[tilespmem:$0x1E800] =	vst v63  }
0xe6: {  	_ =	swait.ge [sflag:s31], $0x2000  }
0xe7: {  	[sflag:s31] =	ssyncset.done $0x0  }
0xe8: {  	s24 =	sadd.s32 $0x15500, s11;
	[sflag:s31] =	ssyncadd.s32 $0xFFFFE000  }
0xe9: {  	[spmem:s2] =	stream.indirect.scatter.add.f32 [tilespmem:s26], [sflag:$0x7], $0x80, s24, s15, $0xb8;
	[tilespmem:$0x1E800] =	vst v63  }
0xea: {  	_ =	swait.ge [sflag:s0], $0x2000  }
0xeb: {  	[sflag:s0] =	ssyncset.done $0x0  }
0xec: {  	s24 =	sadd.s32 $0x14280, s11;
	[sflag:s0] =	ssyncadd.s32 $0xFFFFE000  }
0xed: {  	[tilespmem:s23], [sflag:$0x2] =	stream.indirect.gather [hbm4b:s4+s15], $0x80, s24, s15, $0xb8;
	[tilespmem:$0x1E800] =	vst v63  }
0xee: {  	_ =	swait.ge [sflag:s1], $0x2000  }
0xef: {  	[sflag:s1] =	ssyncset.done $0x0  }
0xf0: {  	s24 =	sadd.s32 $0x15580, s11;
	[sflag:s1] =	ssyncadd.s32 $0xFFFFE000  }
0xf1: {  	[spmem:s2] =	stream.indirect.scatter.add.f32 [tilespmem:s29], [sflag:$0x8], $0x80, s24, s15, $0xb8;
	[tilespmem:$0x1E800] =	vst v63  }
0xf2: {  	_ =	swait.ge [sflag:s6], $0x2000  }
0xf3: {  	[sflag:s6] =	ssyncset.done $0x0  }
0xf4: {  	s24 =	sadd.s32 $0x14300, s11;
	[sflag:s6] =	ssyncadd.s32 $0xFFFFE000  }
0xf5: {  	[tilespmem:s26], [sflag:$0x3] =	stream.indirect.gather [hbm4b:s4+s15], $0x80, s24, s15, $0xb8;
	[tilespmem:$0x1E800] =	vst v63  }
0xf6: {  	_ =	swait.ge [sflag:s17], $0x2000  }
0xf7: {  	[sflag:s17] =	ssyncset.done $0x0  }
0xf8: {  	s24 =	sadd.s32 $0x15600, s11;
	[sflag:s17] =	ssyncadd.s32 $0xFFFFE000  }
0xf9: {  	[spmem:s2] =	stream.indirect.scatter.add.f32 [tilespmem:s13], [sflag:$0x5], $0x80, s24, s15, $0xb8;
	[tilespmem:$0x1E800] =	vst v63  }
0xfa: {  	_ =	swait.ge [sflag:s10], $0x2000  }
0xfb: {  	[sflag:s10] =	ssyncset.done $0x0  }
.Ltmp4:
0xfc: {  	s24 =	sadd.s32 $0x14380, s11;
	[sflag:s10] =	ssyncadd.s32 $0xFFFFE000;
	(pc) =	sbr.rel @p0 .LBB2_11-.Ltmp4, $4  }
0xfd: {  	[tilespmem:s29], [sflag:$0x4] =	stream.indirect.gather [hbm4b:s4+s15], $0x80, s24, s15, $0xb8;
	[tilespmem:$0x1E800] =	vst v63  }
0xfe: {  	_ =	swait.ge [sflag:s18], $0x2000  }
0xff: {  	[sflag:s18] =	ssyncset.done $0x0  }
0x100: {  	s11 =	sadd.s32 $0x15680, s11;
	[sflag:s18] =	ssyncadd.s32 $0xFFFFE000  }
0x101: {  	[spmem:s2] =	stream.indirect.scatter.add.f32 [tilespmem:s23], [sflag:$0x6], $0x80, s11, s15, $0xb8;
	[tilespmem:$0x1E800] =	vst v63  }
0x102: {  	_ =	swait.ge [sflag:s30], $0x2000  }
0x103: {  	[sflag:s30] =	ssyncset.done $0x0  }
0x104: {  	[sflag:s30] =	ssyncadd.s32 $0xFFFFE000  }
0x105: {  	_ =	swait.ge [sflag:s31], $0x2000  }
0x106: {  	[sflag:s31] =	ssyncset.done $0x0  }
0x107: {  	[sflag:s31] =	ssyncadd.s32 $0xFFFFE000  }
0x108: {  	[spmem:s2] =	stream.indirect.scatter.add.f32 [tilespmem:s26], [sflag:$0x7], $0x80, s19, s15, $0xb8;
	[tilespmem:$0x1E800] =	vst v63  }
0x109: {  	_ =	swait.ge [sflag:s0], $0x2000  }
0x10a: {  	[sflag:s0] =	ssyncset.done $0x0  }
0x10b: {  	[sflag:s0] =	ssyncadd.s32 $0xFFFFE000  }
0x10c: {  	_ =	swait.ge [sflag:s1], $0x2000  }
0x10d: {  	[sflag:s1] =	ssyncset.done $0x0  }
0x10e: {  	s3 =	sadd.s32 $0x1, s3;
	[sflag:s1] =	ssyncadd.s32 $0xFFFFE000  }
0x10f: {  	[spmem:s2] =	stream.indirect.scatter.add.f32 [tilespmem:s29], [sflag:$0x8], $0x80, s20, s15, $0xb8;
	[tilespmem:$0x1E800] =	vst v63  }
0x110: {  	p0 =	sne.s32 s3, $0x4;
	_ =	swait.ge [sflag:s6], $0x2000  }
.Ltmp5:
0x111: {  	[sflag:s6] =	ssyncset.done $0x0;
	(pc) =	sbr.rel @p0 .LBB2_10-.Ltmp5, $4  }
0x112: {  	[sflag:s6] =	ssyncadd.s32 $0xFFFFE000  }
0x113: {  	_ =	swait.ge [sflag:s10], $0x2000  }
0x114: {  	[sflag:s10] =	ssyncset.done $0x0  }
0x115: {  	[sflag:s10] =	ssyncadd.s32 $0xFFFFE000  }
0x116: {  	[bflag:$0x0] =	sbarrier.arrive $0xFFFF  }
0x117: {  	s3 =	rddreg [dreg:$0x6]  }
0x118: {  	s7 =	rddreg [dreg:$0x8]  }
0x119: {  	s5 =	rddreg [dreg:$0xb]  }
0x11a: {  	[hbm:s5], [sflag:s3] =	dma.local [spmem:s7], $0x2800  }
0x11b: {  	_ =	swait.ge [sflag:s12], $0x2800  }
0x11c: {  	s11 =	rddreg [dreg:$0xc]  }
0x11d: {  	s24 =	rddreg [dreg:$0x7];
	s11 =	sadd.s32 $0x1, s11  }
0x11e: {  	p0 =	sne.s32 s11, s24  }
.Ltmp6:
0x11f: {  	_ = 	snop;
	(pc) =	sbr.rel @p0 .LBB2_1-.Ltmp6, $3  }
0x120: {  	_ =	sdelay $0x1  }
0x121: {  	[sflag:s12] =	ssyncset.done $0x0;
	[dreg:$0xc] =	wrdreg s11  }
0x122: {  	[sflag:s12] =	ssyncadd.s32 $0xFFFFD800;
	s11 =	simm.s32 $0x0;
	s24 =	rddreg [dreg:$0x4]  }
0x123: {  	_ =	sfence.sel $0x180000  }
0x124: {  	[bflag:$0x0] =	sbarrier.arrive $0xFFFF  }
0x125: {  	_ =	strace $0x90000047  }
0x126: {  	s0 =	stileid.u32;
	[bflag:$0x2] =	sbarrier.arrive $0xFFFF  }
0x127: {  	p0 =	sne.s32 s0, $0x0;
	s0 =	rddreg [dreg:$0x3]  }
0x128: {  	s0 =	sadd.s32 @!p0 $0x100000, s0  }
0x129: {  	[sflag:s0] =	ssyncadd.tile.s32 @!p0 $0x1;
	_ =	shalt  }
.Lfunc_end2:
_tile_overlayer_lowered:
.L_overlay_start_2:
0x12a: {  	(tag) =	ssettag $0x2  }
0x12b: {  	s0 =	rddreg [dreg:$0x0];
	s2 =	stileid.u32  }
0x12c: {  	s1 =	rddreg [dreg:$0x1];
	p0 =	sne.s32 s2, $0x0  }
0x12d: {  	s3 =	rddreg [dreg:$0x2];
	[bflag:$0x3] =	sbarrier.arrive $0xFFFF;
	s2 =	simm.s32 @!p0 $0x1C09  }
0x12e: {  	[timem:s3], [sflag:s2] =	dma.local @!p0 [hbm:s0], s1  }
0x12f: {  	s0 =	simm.s32 @!p0 $0x9  }
0x130: {  	_ =	swait.ge @!p0 [sflag:s0], s1  }
0x131: {  	s1 =	ssub.s32 @!p0 $0x0, s1;
	[sflag:s0] =	ssyncset.done @!p0 $0x0  }
0x132: {  	[sflag:s0] =	ssyncadd.s32 @!p0 s1  }
0x133: {  	[bflag:$0x3] =	sbarrier.arrive $0xFFFF  }
0x134: {  	_ =	shalt  }

</sc_bundles>
